<compile_context>
chip_gen: v7x
topology: tpu7x:2x2x1
jax: 0.10.2.dev20260603
libtpu: 0.0.44.dev20260713+nightly
codegen_flags: <defaults>
</compile_context>

<pallas_src>
import functools

import jax
import jax.numpy as jnp
from jax import lax
from jax.experimental import pallas as pl
from jax.experimental.pallas import tpu as pltpu
from jax.experimental.pallas import tpu_sc as plsc

B, C, H, W = 8, 64, 32, 32
TOK_PER_B = H * W
N_CODES = 8192
CODE_TILE = 8192
N_CT = N_CODES // CODE_TILE
VR_PER_TILE = CODE_TILE // 8

SC_NC, SC_NS = 2, 16
SC_NW = SC_NC * SC_NS
N_TOK = B * TOK_PER_B
TOK_PER_W = N_TOK // SC_NW


SUB = 4
SUB_ROWS = CODE_TILE // SUB


def _subtile_argmax(s):
    t = s.shape[-1]
    nvr = SUB_ROWS // 8
    v3 = s.reshape(nvr // 2, 16, t)
    a, b = v3[:, :8, :], v3[:, 8:, :]
    cmp = a >= b
    val = jnp.where(cmp, a, b)
    idx = jnp.where(cmp, jnp.int32(0), jnp.int32(1))
    groups = nvr // 2
    k = 1
    while groups > 1:
        groups //= 2
        val = val.reshape(groups, 16, t)
        idx = idx.reshape(groups, 16, t)
        a, b = val[:, :8, :], val[:, 8:, :]
        ia, ib = idx[:, :8, :], idx[:, 8:, :]
        cmp = a >= b
        val = jnp.where(cmp, a, b)
        idx = jnp.where(cmp, ia, ib + jnp.int32(1 << k))
        k += 1
    return val.reshape(8, t), idx.reshape(8, t)


BPS = 4


def _argmax_body(x_ref, cb_ref, out_ref):
    for g in range(BPS):
        _one_image(x_ref, cb_ref, out_ref, g)


def _one_image(x_ref, cb_ref, out_ref, g):
    xb = x_ref[g]
    norm = jnp.sqrt(jnp.sum(xb * xb, axis=0, keepdims=True))
    xn = xb / jnp.maximum(norm, 1e-12)

    def sub_dot(i):
        return lax.dot_general(
            cb_ref[pl.ds(i * SUB_ROWS, SUB_ROWS), :], xn,
            (((1,), (0,)), ((), ())),
            preferred_element_type=jnp.float32,
            precision=lax.Precision.DEFAULT,
        )

    results = []
    s_prev = sub_dot(0)
    for i in range(1, SUB + 1):
        s_next = sub_dot(i) if i < SUB else None
        v, ix = _subtile_argmax(s_prev)
        results.append((v, ix * 8 + (i - 1) * SUB_ROWS))
        s_prev = s_next

    val, row = results[0]
    srow = lax.broadcasted_iota(jnp.int32, (8, TOK_PER_B), 0)
    row = row + srow
    for v, r in results[1:]:
        r = r + srow
        cmp = val >= v
        val = jnp.where(cmp, val, v)
        row = jnp.where(cmp, row, r)
    sub = 8
    while sub > 1:
        sub //= 2
        a, b = val[:sub], val[sub:]
        ra, rb = row[:sub], row[sub:]
        win_a = (a > b) | ((a == b) & (ra < rb))
        val = jnp.where(win_a, a, b)
        row = jnp.where(win_a, ra, rb)
    out_ref[g] = row.reshape(1, TOK_PER_B)


def _nearest_code(xr, codebook):
    return pl.pallas_call(
        _argmax_body,
        grid=(B // BPS,),
        in_specs=[
            pl.BlockSpec((BPS, C, TOK_PER_B), lambda b: (b, 0, 0)),
            pl.BlockSpec((CODE_TILE, C), lambda b: (0, 0)),
        ],
        out_specs=pl.BlockSpec((BPS, 1, TOK_PER_B), lambda b: (b, 0, 0)),
        out_shape=jax.ShapeDtypeStruct((B, 1, TOK_PER_B), jnp.int32),
    )(xr, codebook)


@functools.cache
def _make_sc_gather():
    @functools.partial(
        pl.kernel,
        out_type=jax.ShapeDtypeStruct((N_TOK, C), jnp.float32),
        mesh=plsc.VectorSubcoreMesh(core_axis_name="c", subcore_axis_name="s"),
        compiler_params=pltpu.CompilerParams(use_tc_tiling_on_sc=False),
        scratch_types=[
            pltpu.VMEM((TOK_PER_W,), jnp.int32),
            pltpu.VMEM((TOK_PER_W, C), jnp.float32),
            pltpu.SemaphoreType.DMA,
        ],
    )
    def _sc_gather(table_hbm, idx_hbm, out_hbm, idx_v, rows_v, sem):
        wid = lax.axis_index("s") * SC_NC + lax.axis_index("c")
        base = wid * TOK_PER_W
        pltpu.sync_copy(idx_hbm.at[pl.ds(base, TOK_PER_W)], idx_v)
        pltpu.async_copy(table_hbm.at[idx_v], rows_v, sem).wait()
        pltpu.sync_copy(rows_v, out_hbm.at[pl.ds(base, TOK_PER_W)])

    return _sc_gather


def kernel(x, codebook):
    xr = x.reshape(B, C, TOK_PER_B)
    idx = _nearest_code(xr, codebook)
    rows = _make_sc_gather()(codebook, idx.reshape(N_TOK))
    q = rows.reshape(B, H, W, C)
    return jnp.transpose(q, (0, 3, 1, 2))

# --- scband reference (transcript-rebuilt; emitter-appended) ---
"""Pipeline reference for scband-vqcosine-43937515438642 (READ-ONLY COPY).

The authoritative reference and input builder live on the scoring server;
editing this copy changes nothing except your own understanding.
"""

import jax, jax.numpy as jnp
import numpy as np


def setup_inputs(seed: int = 0) -> dict:
    key = jax.random.key(seed)
    k1, k2 = jax.random.split(key)
    x = jax.random.normal(k1, (8, 64, 32, 32), dtype=jnp.float32)
    # learned codebook parameter, sized per init_kwargs (codebook_size=8192, feature_size=64)
    codebook = jax.random.normal(k2, (8192, 64), dtype=jnp.float32)
    return {"x": x, "codebook": codebook}


def reference(x, codebook):
    # VQCodebook(normalized_length=1).forward: x = 1 * F.normalize(x, dim=1).
    # NOTE: the torch code calls self.codebook.div(...)/mul(...) (NOT in-place div_/mul_),
    # so the codebook normalization results are discarded; codebook stays unchanged.
    norm = jnp.linalg.norm(x, axis=1, keepdims=True)
    xn = 1.0 * (x / jnp.maximum(norm, 1e-12))
    B, C, H, W = xn.shape
    # z = x.permute(0, 2, 3, 1).reshape(-1, C)
    z = jnp.transpose(xn, (0, 2, 3, 1)).reshape(-1, C)
    # d = z @ codebook.T ; nearest code by max cosine similarity
    d = z @ codebook.T
    idx = jnp.argmax(d, axis=1)
    # q = codebook[argmax]
    q = jnp.take(codebook, idx, axis=0)
    # q = q.view(B, H, W, C).permute(0, 3, 1, 2)
    q = q.reshape(B, H, W, C)
    q = jnp.transpose(q, (0, 3, 1, 2))
    return q

if __name__ == "__main__":
    import jax
    _d = setup_inputs()
    print(jax.jit(kernel)(*tuple(_d.values())))

</pallas_src>

<mosaic_0001>
#map = affine_map<(d0, d1) -> (0, 0)>
#map1 = affine_map<(d0, d1) -> (0)>
module attributes {stable_mosaic.version = 14 : i64} {
  func.func @_sc_gather(%arg0: i32, %arg1: i32, %arg2: memref<8192x64xf32, #tpu.memory_space<hbm>>, %arg3: memref<8192xi32, #tpu.memory_space<hbm>>, %arg4: memref<8192x64xf32, #tpu.memory_space<hbm>>, %arg5: memref<256xi32, #tpu.memory_space<vmem>>, %arg6: memref<256x64xf32, #tpu.memory_space<vmem>>, %arg7: memref<!tpu.dma_semaphore, #tpu.memory_space<semaphore_mem>>) attributes {dimension_semantics = [#tpu.dimension_semantics<core_parallel>, #tpu.dimension_semantics<subcore_parallel>], iteration_bounds = array<i64: 2, 16>, scalar_prefetch = 0 : i64, scratch_operands = 3 : i64, tpu.core_type = #tpu.core_type<sc_vector_subcore>, window_params = [{transform_indices = #map}, {transform_indices = #map1}, {transform_indices = #map}]} {
    %mul3A = arith.constant 2 : i32
    %mul3A_0 = arith.muli %arg1, %mul3A : i32
    %add3A = arith.addi %mul3A_0, %arg0 : i32
    %mul3A_1 = arith.constant 256 : i32
    %mul3A_2 = arith.muli %add3A, %mul3A_1 : i32
    "tpu.region"() ({
      %run_scoped3A = tpu.sem_alloc : memref<!tpu.dma_semaphore, #tpu.memory_space<semaphore_mem>>
      %dma_start3A_7 = tpu.memref_slice %arg3[%mul3A_2] : memref<8192xi32, #tpu.memory_space<hbm>> -> memref<256xi32, #tpu.memory_space<hbm>>
      %dma_start3A_8 = tpu.memref_slice %arg3[%mul3A_2] : memref<8192xi32, #tpu.memory_space<hbm>> -> memref<256xi32, #tpu.memory_space<hbm>>
      tpu.enqueue_dma source(%dma_start3A_8 : memref<256xi32, #tpu.memory_space<hbm>>) target(%arg5 : memref<256xi32, #tpu.memory_space<vmem>>) target_semaphore(%run_scoped3A : memref<!tpu.dma_semaphore, #tpu.memory_space<semaphore_mem>>)
      %dma_wait3A_9 = tpu.memref_slice %arg3[%mul3A_2] : memref<8192xi32, #tpu.memory_space<hbm>> -> memref<256xi32, #tpu.memory_space<hbm>>
      %dma_wait3A_10 = tpu.memref_slice %arg3[%mul3A_2] : memref<8192xi32, #tpu.memory_space<hbm>> -> memref<256xi32, #tpu.memory_space<hbm>>
      tpu.wait_dma2 semaphore(%run_scoped3A : memref<!tpu.dma_semaphore, #tpu.memory_space<semaphore_mem>>) src(%dma_wait3A_10 : memref<256xi32, #tpu.memory_space<hbm>>) dst(%arg5 : memref<256xi32, #tpu.memory_space<vmem>>)
      tpu.yield
    }) : () -> ()
    %dma_start3A = arith.constant 0 : i32
    %dma_start3A_3 = arith.constant 0 : i32
    %dma_start3A_4 = tpu.memref_slice %arg2[%dma_start3A, %dma_start3A_3] : memref<8192x64xf32, #tpu.memory_space<hbm>> -> memref<8192x64xf32, #tpu.memory_space<hbm>>
    tpu.enqueue_indirect_dma source(%dma_start3A_4 : memref<8192x64xf32, #tpu.memory_space<hbm>>) target(%arg6 : memref<256x64xf32, #tpu.memory_space<vmem>>) offsets(%arg5 : memref<256xi32, #tpu.memory_space<vmem>>) semaphore(%arg7 : memref<!tpu.dma_semaphore, #tpu.memory_space<semaphore_mem>>)
    %dma_wait3A = arith.constant 0 : i32
    %dma_wait3A_5 = arith.constant 0 : i32
    %dma_wait3A_6 = tpu.memref_slice %arg2[%dma_wait3A, %dma_wait3A_5] : memref<8192x64xf32, #tpu.memory_space<hbm>> -> memref<8192x64xf32, #tpu.memory_space<hbm>>
    tpu.wait_indirect_dma semaphore(%arg7 : memref<!tpu.dma_semaphore, #tpu.memory_space<semaphore_mem>>) src(%dma_wait3A_6 : memref<8192x64xf32, #tpu.memory_space<hbm>>) dst(%arg6 : memref<256x64xf32, #tpu.memory_space<vmem>>)
    "tpu.region"() ({
      %run_scoped3A = tpu.sem_alloc : memref<!tpu.dma_semaphore, #tpu.memory_space<semaphore_mem>>
      %dma_start3A_7 = arith.constant 0 : i32
      %dma_start3A_8 = tpu.memref_slice %arg4[%mul3A_2, %dma_start3A_7] : memref<8192x64xf32, #tpu.memory_space<hbm>> -> memref<256x64xf32, #tpu.memory_space<hbm>>
      %dma_start3A_9 = arith.constant 0 : i32
      %dma_start3A_10 = tpu.memref_slice %arg4[%mul3A_2, %dma_start3A_9] : memref<8192x64xf32, #tpu.memory_space<hbm>> -> memref<256x64xf32, #tpu.memory_space<hbm>>
      tpu.enqueue_dma source(%arg6 : memref<256x64xf32, #tpu.memory_space<vmem>>) target(%dma_start3A_10 : memref<256x64xf32, #tpu.memory_space<hbm>>) target_semaphore(%run_scoped3A : memref<!tpu.dma_semaphore, #tpu.memory_space<semaphore_mem>>)
      %dma_wait3A_11 = arith.constant 0 : i32
      %dma_wait3A_12 = tpu.memref_slice %arg4[%mul3A_2, %dma_wait3A_11] : memref<8192x64xf32, #tpu.memory_space<hbm>> -> memref<256x64xf32, #tpu.memory_space<hbm>>
      %dma_wait3A_13 = arith.constant 0 : i32
      %dma_wait3A_14 = tpu.memref_slice %arg4[%mul3A_2, %dma_wait3A_13] : memref<8192x64xf32, #tpu.memory_space<hbm>> -> memref<256x64xf32, #tpu.memory_space<hbm>>
      tpu.wait_dma2 semaphore(%run_scoped3A : memref<!tpu.dma_semaphore, #tpu.memory_space<semaphore_mem>>) src(%arg6 : memref<256x64xf32, #tpu.memory_space<vmem>>) dst(%dma_wait3A_14 : memref<256x64xf32, #tpu.memory_space<hbm>>)
      tpu.yield
    }) : () -> ()
    return
  }
}

module attributes {stable_mosaic.version = 14 : i64} {
  func.func @_argmax_body(%arg0: i32, %arg1: memref<4x64x1024xf32, #tpu.memory_space<vmem>>, %arg2: memref<8192x64xf32, #tpu.memory_space<vmem>>, %arg3: memref<4x1x1024xi32, #tpu.memory_space<vmem>>) attributes {dimension_semantics = [#tpu.dimension_semantics<arbitrary>], iteration_bounds = array<i64: 2>, scalar_prefetch = 0 : i64, scratch_operands = 0 : i64, tpu.core_type = #tpu.core_type<tc>, window_params = [{transform_indices = @transform_0, window_bounds = array<i64: 4, 64, 1024>}, {pipeline_mode = #tpu.pipeline_mode<synchronous>, transform_indices = @transform_1, window_bounds = array<i64: 8192, 64>}, {transform_indices = @transform_2, window_bounds = array<i64: 4, 1, 1024>}]} {
    %get3A = arith.constant 0 : index
    %get3A_0 = arith.constant 0 : index
    %get3A_1 = arith.constant 0 : index
    %get3A_2 = vector.load %arg1[%get3A, %get3A_0, %get3A_1] : memref<4x64x1024xf32, #tpu.memory_space<vmem>>, vector<1x64x1024xf32>
    %get3A_3 = vector.shape_cast %get3A_2 : vector<1x64x1024xf32> to vector<64x1024xf32>
    %mul3A = arith.mulf %get3A_3, %get3A_3 : vector<64x1024xf32>
    %reduce_sum3A = arith.constant dense<0.000000e+00> : vector<1024xf32>
    %reduce_sum3A_4 = vector.multi_reduction <add>, %mul3A, %reduce_sum3A [0] : vector<64x1024xf32> to vector<1024xf32>
    %broadcast_in_dim3A = vector.shape_cast %reduce_sum3A_4 : vector<1024xf32> to vector<1x1024xf32>
    %sqrt3A = math.sqrt %broadcast_in_dim3A : vector<1x1024xf32>
    %max3A = arith.constant 9.99999996E-13 : f32
    %max3A_5 = vector.broadcast %max3A : f32 to vector<1x1024xf32>
    %max3A_6 = arith.maximumf %sqrt3A, %max3A_5 : vector<1x1024xf32>
    %div3A = vector.broadcast %max3A_6 : vector<1x1024xf32> to vector<64x1024xf32>
    %div3A_7 = arith.divf %get3A_3, %div3A : vector<64x1024xf32>
    %get3A_8 = arith.constant 0 : index
    %get3A_9 = arith.constant 0 : index
    %get3A_10 = vector.load %arg2[%get3A_8, %get3A_9] : memref<8192x64xf32, #tpu.memory_space<vmem>>, vector<2048x64xf32>
    %dot_general3A = arith.constant dense<0.000000e+00> : vector<2048x1024xf32>
    %dot_general3A_11 = tpu.matmul %get3A_10, %div3A_7, %dot_general3A {dimension_numbers = #tpu.dot_dimension_numbers<[1], [0], [0], [1], [0, 0, 1, 1], [], []>, transpose_lhs_hint = false} : vector<2048x64xf32>, vector<64x1024xf32>, vector<2048x1024xf32> -> vector<2048x1024xf32>
    %get3A_12 = arith.constant 2048 : index
    %get3A_13 = arith.constant 0 : index
    %get3A_14 = vector.load %arg2[%get3A_12, %get3A_13] : memref<8192x64xf32, #tpu.memory_space<vmem>>, vector<2048x64xf32>
    %dot_general3A_15 = arith.constant dense<0.000000e+00> : vector<2048x1024xf32>
    %dot_general3A_16 = tpu.matmul %get3A_14, %div3A_7, %dot_general3A_15 {dimension_numbers = #tpu.dot_dimension_numbers<[1], [0], [0], [1], [0, 0, 1, 1], [], []>, transpose_lhs_hint = false} : vector<2048x64xf32>, vector<64x1024xf32>, vector<2048x1024xf32> -> vector<2048x1024xf32>
    %reshape3A = vector.shape_cast %dot_general3A_11 : vector<2048x1024xf32> to vector<128x16x1024xf32>
    %slice3A = vector.extract_strided_slice %reshape3A {offsets = [0, 0, 0], sizes = [128, 8, 1024], strides = [1, 1, 1]} : vector<128x16x1024xf32> to vector<128x8x1024xf32>
    %slice3A_17 = vector.extract_strided_slice %reshape3A {offsets = [0, 8, 0], sizes = [128, 8, 1024], strides = [1, 1, 1]} : vector<128x16x1024xf32> to vector<128x8x1024xf32>
    %ge3A = arith.cmpf oge, %slice3A, %slice3A_17 : vector<128x8x1024xf32>
    %select_n3A = arith.select %ge3A, %slice3A, %slice3A_17 : vector<128x8x1024xi1>, vector<128x8x1024xf32>
    %jit3A = arith.constant 0 : i32
    %jit3A_18 = arith.constant 1 : i32
    %broadcast_in_dim3A_19 = vector.broadcast %jit3A : i32 to vector<128x8x1024xi32>
    %broadcast_in_dim3A_20 = vector.broadcast %jit3A_18 : i32 to vector<128x8x1024xi32>
    %select_n3A_21 = arith.select %ge3A, %broadcast_in_dim3A_19, %broadcast_in_dim3A_20 : vector<128x8x1024xi1>, vector<128x8x1024xi32>
    %reshape3A_22 = vector.shape_cast %select_n3A : vector<128x8x1024xf32> to vector<64x16x1024xf32>
    %reshape3A_23 = vector.shape_cast %select_n3A_21 : vector<128x8x1024xi32> to vector<64x16x1024xi32>
    %slice3A_24 = vector.extract_strided_slice %reshape3A_22 {offsets = [0, 0, 0], sizes = [64, 8, 1024], strides = [1, 1, 1]} : vector<64x16x1024xf32> to vector<64x8x1024xf32>
    %slice3A_25 = vector.extract_strided_slice %reshape3A_22 {offsets = [0, 8, 0], sizes = [64, 8, 1024], strides = [1, 1, 1]} : vector<64x16x1024xf32> to vector<64x8x1024xf32>
    %slice3A_26 = vector.extract_strided_slice %reshape3A_23 {offsets = [0, 0, 0], sizes = [64, 8, 1024], strides = [1, 1, 1]} : vector<64x16x1024xi32> to vector<64x8x1024xi32>
    %slice3A_27 = vector.extract_strided_slice %reshape3A_23 {offsets = [0, 8, 0], sizes = [64, 8, 1024], strides = [1, 1, 1]} : vector<64x16x1024xi32> to vector<64x8x1024xi32>
    %ge3A_28 = arith.cmpf oge, %slice3A_24, %slice3A_25 : vector<64x8x1024xf32>
    %select_n3A_29 = arith.select %ge3A_28, %slice3A_24, %slice3A_25 : vector<64x8x1024xi1>, vector<64x8x1024xf32>
    %add3A = arith.constant 2 : i32
    %add3A_30 = vector.broadcast %add3A : i32 to vector<64x8x1024xi32>
    %add3A_31 = arith.addi %slice3A_27, %add3A_30 : vector<64x8x1024xi32>
    %select_n3A_32 = arith.select %ge3A_28, %slice3A_26, %add3A_31 : vector<64x8x1024xi1>, vector<64x8x1024xi32>
    %reshape3A_33 = vector.shape_cast %select_n3A_29 : vector<64x8x1024xf32> to vector<32x16x1024xf32>
    %reshape3A_34 = vector.shape_cast %select_n3A_32 : vector<64x8x1024xi32> to vector<32x16x1024xi32>
    %slice3A_35 = vector.extract_strided_slice %reshape3A_33 {offsets = [0, 0, 0], sizes = [32, 8, 1024], strides = [1, 1, 1]} : vector<32x16x1024xf32> to vector<32x8x1024xf32>
    %slice3A_36 = vector.extract_strided_slice %reshape3A_33 {offsets = [0, 8, 0], sizes = [32, 8, 1024], strides = [1, 1, 1]} : vector<32x16x1024xf32> to vector<32x8x1024xf32>
    %slice3A_37 = vector.extract_strided_slice %reshape3A_34 {offsets = [0, 0, 0], sizes = [32, 8, 1024], strides = [1, 1, 1]} : vector<32x16x1024xi32> to vector<32x8x1024xi32>
    %slice3A_38 = vector.extract_strided_slice %reshape3A_34 {offsets = [0, 8, 0], sizes = [32, 8, 1024], strides = [1, 1, 1]} : vector<32x16x1024xi32> to vector<32x8x1024xi32>
    %ge3A_39 = arith.cmpf oge, %slice3A_35, %slice3A_36 : vector<32x8x1024xf32>
    %select_n3A_40 = arith.select %ge3A_39, %slice3A_35, %slice3A_36 : vector<32x8x1024xi1>, vector<32x8x1024xf32>
    %add3A_41 = arith.constant 4 : i32
    %add3A_42 = vector.broadcast %add3A_41 : i32 to vector<32x8x1024xi32>
    %add3A_43 = arith.addi %slice3A_38, %add3A_42 : vector<32x8x1024xi32>
    %select_n3A_44 = arith.select %ge3A_39, %slice3A_37, %add3A_43 : vector<32x8x1024xi1>, vector<32x8x1024xi32>
    %reshape3A_45 = vector.shape_cast %select_n3A_40 : vector<32x8x1024xf32> to vector<16x16x1024xf32>
    %reshape3A_46 = vector.shape_cast %select_n3A_44 : vector<32x8x1024xi32> to vector<16x16x1024xi32>
    %slice3A_47 = vector.extract_strided_slice %reshape3A_45 {offsets = [0, 0, 0], sizes = [16, 8, 1024], strides = [1, 1, 1]} : vector<16x16x1024xf32> to vector<16x8x1024xf32>
    %slice3A_48 = vector.extract_strided_slice %reshape3A_45 {offsets = [0, 8, 0], sizes = [16, 8, 1024], strides = [1, 1, 1]} : vector<16x16x1024xf32> to vector<16x8x1024xf32>
    %slice3A_49 = vector.extract_strided_slice %reshape3A_46 {offsets = [0, 0, 0], sizes = [16, 8, 1024], strides = [1, 1, 1]} : vector<16x16x1024xi32> to vector<16x8x1024xi32>
    %slice3A_50 = vector.extract_strided_slice %reshape3A_46 {offsets = [0, 8, 0], sizes = [16, 8, 1024], strides = [1, 1, 1]} : vector<16x16x1024xi32> to vector<16x8x1024xi32>
    %ge3A_51 = arith.cmpf oge, %slice3A_47, %slice3A_48 : vector<16x8x1024xf32>
    %select_n3A_52 = arith.select %ge3A_51, %slice3A_47, %slice3A_48 : vector<16x8x1024xi1>, vector<16x8x1024xf32>
    %add3A_53 = arith.constant 8 : i32
    %add3A_54 = vector.broadcast %add3A_53 : i32 to vector<16x8x1024xi32>
    %add3A_55 = arith.addi %slice3A_50, %add3A_54 : vector<16x8x1024xi32>
    %select_n3A_56 = arith.select %ge3A_51, %slice3A_49, %add3A_55 : vector<16x8x1024xi1>, vector<16x8x1024xi32>
    %reshape3A_57 = vector.shape_cast %select_n3A_52 : vector<16x8x1024xf32> to vector<8x16x1024xf32>
    %reshape3A_58 = vector.shape_cast %select_n3A_56 : vector<16x8x1024xi32> to vector<8x16x1024xi32>
    %slice3A_59 = vector.extract_strided_slice %reshape3A_57 {offsets = [0, 0, 0], sizes = [8, 8, 1024], strides = [1, 1, 1]} : vector<8x16x1024xf32> to vector<8x8x1024xf32>
    %slice3A_60 = vector.extract_strided_slice %reshape3A_57 {offsets = [0, 8, 0], sizes = [8, 8, 1024], strides = [1, 1, 1]} : vector<8x16x1024xf32> to vector<8x8x1024xf32>
    %slice3A_61 = vector.extract_strided_slice %reshape3A_58 {offsets = [0, 0, 0], sizes = [8, 8, 1024], strides = [1, 1, 1]} : vector<8x16x1024xi32> to vector<8x8x1024xi32>
    %slice3A_62 = vector.extract_strided_slice %reshape3A_58 {offsets = [0, 8, 0], sizes = [8, 8, 1024], strides = [1, 1, 1]} : vector<8x16x1024xi32> to vector<8x8x1024xi32>
    %ge3A_63 = arith.cmpf oge, %slice3A_59, %slice3A_60 : vector<8x8x1024xf32>
    %select_n3A_64 = arith.select %ge3A_63, %slice3A_59, %slice3A_60 : vector<8x8x1024xi1>, vector<8x8x1024xf32>
    %add3A_65 = arith.constant 16 : i32
    %add3A_66 = vector.broadcast %add3A_65 : i32 to vector<8x8x1024xi32>
    %add3A_67 = arith.addi %slice3A_62, %add3A_66 : vector<8x8x1024xi32>
    %select_n3A_68 = arith.select %ge3A_63, %slice3A_61, %add3A_67 : vector<8x8x1024xi1>, vector<8x8x1024xi32>
    %reshape3A_69 = vector.shape_cast %select_n3A_64 : vector<8x8x1024xf32> to vector<4x16x1024xf32>
    %reshape3A_70 = vector.shape_cast %select_n3A_68 : vector<8x8x1024xi32> to vector<4x16x1024xi32>
    %slice3A_71 = vector.extract_strided_slice %reshape3A_69 {offsets = [0, 0, 0], sizes = [4, 8, 1024], strides = [1, 1, 1]} : vector<4x16x1024xf32> to vector<4x8x1024xf32>
    %slice3A_72 = vector.extract_strided_slice %reshape3A_69 {offsets = [0, 8, 0], sizes = [4, 8, 1024], strides = [1, 1, 1]} : vector<4x16x1024xf32> to vector<4x8x1024xf32>
    %slice3A_73 = vector.extract_strided_slice %reshape3A_70 {offsets = [0, 0, 0], sizes = [4, 8, 1024], strides = [1, 1, 1]} : vector<4x16x1024xi32> to vector<4x8x1024xi32>
    %slice3A_74 = vector.extract_strided_slice %reshape3A_70 {offsets = [0, 8, 0], sizes = [4, 8, 1024], strides = [1, 1, 1]} : vector<4x16x1024xi32> to vector<4x8x1024xi32>
    %ge3A_75 = arith.cmpf oge, %slice3A_71, %slice3A_72 : vector<4x8x1024xf32>
    %select_n3A_76 = arith.select %ge3A_75, %slice3A_71, %slice3A_72 : vector<4x8x1024xi1>, vector<4x8x1024xf32>
    %add3A_77 = arith.constant 32 : i32
    %add3A_78 = vector.broadcast %add3A_77 : i32 to vector<4x8x1024xi32>
    %add3A_79 = arith.addi %slice3A_74, %add3A_78 : vector<4x8x1024xi32>
    %select_n3A_80 = arith.select %ge3A_75, %slice3A_73, %add3A_79 : vector<4x8x1024xi1>, vector<4x8x1024xi32>
    %reshape3A_81 = vector.shape_cast %select_n3A_76 : vector<4x8x1024xf32> to vector<2x16x1024xf32>
    %reshape3A_82 = vector.shape_cast %select_n3A_80 : vector<4x8x1024xi32> to vector<2x16x1024xi32>
    %slice3A_83 = vector.extract_strided_slice %reshape3A_81 {offsets = [0, 0, 0], sizes = [2, 8, 1024], strides = [1, 1, 1]} : vector<2x16x1024xf32> to vector<2x8x1024xf32>
    %slice3A_84 = vector.extract_strided_slice %reshape3A_81 {offsets = [0, 8, 0], sizes = [2, 8, 1024], strides = [1, 1, 1]} : vector<2x16x1024xf32> to vector<2x8x1024xf32>
    %slice3A_85 = vector.extract_strided_slice %reshape3A_82 {offsets = [0, 0, 0], sizes = [2, 8, 1024], strides = [1, 1, 1]} : vector<2x16x1024xi32> to vector<2x8x1024xi32>
    %slice3A_86 = vector.extract_strided_slice %reshape3A_82 {offsets = [0, 8, 0], sizes = [2, 8, 1024], strides = [1, 1, 1]} : vector<2x16x1024xi32> to vector<2x8x1024xi32>
    %ge3A_87 = arith.cmpf oge, %slice3A_83, %slice3A_84 : vector<2x8x1024xf32>
    %select_n3A_88 = arith.select %ge3A_87, %slice3A_83, %slice3A_84 : vector<2x8x1024xi1>, vector<2x8x1024xf32>
    %add3A_89 = arith.constant 64 : i32
    %add3A_90 = vector.broadcast %add3A_89 : i32 to vector<2x8x1024xi32>
    %add3A_91 = arith.addi %slice3A_86, %add3A_90 : vector<2x8x1024xi32>
    %select_n3A_92 = arith.select %ge3A_87, %slice3A_85, %add3A_91 : vector<2x8x1024xi1>, vector<2x8x1024xi32>
    %reshape3A_93 = vector.shape_cast %select_n3A_88 : vector<2x8x1024xf32> to vector<1x16x1024xf32>
    %reshape3A_94 = vector.shape_cast %select_n3A_92 : vector<2x8x1024xi32> to vector<1x16x1024xi32>
    %slice3A_95 = vector.extract_strided_slice %reshape3A_93 {offsets = [0, 0, 0], sizes = [1, 8, 1024], strides = [1, 1, 1]} : vector<1x16x1024xf32> to vector<1x8x1024xf32>
    %slice3A_96 = vector.extract_strided_slice %reshape3A_93 {offsets = [0, 8, 0], sizes = [1, 8, 1024], strides = [1, 1, 1]} : vector<1x16x1024xf32> to vector<1x8x1024xf32>
    %slice3A_97 = vector.extract_strided_slice %reshape3A_94 {offsets = [0, 0, 0], sizes = [1, 8, 1024], strides = [1, 1, 1]} : vector<1x16x1024xi32> to vector<1x8x1024xi32>
    %slice3A_98 = vector.extract_strided_slice %reshape3A_94 {offsets = [0, 8, 0], sizes = [1, 8, 1024], strides = [1, 1, 1]} : vector<1x16x1024xi32> to vector<1x8x1024xi32>
    %ge3A_99 = arith.cmpf oge, %slice3A_95, %slice3A_96 : vector<1x8x1024xf32>
    %select_n3A_100 = arith.select %ge3A_99, %slice3A_95, %slice3A_96 : vector<1x8x1024xi1>, vector<1x8x1024xf32>
    %add3A_101 = arith.constant 128 : i32
    %add3A_102 = vector.broadcast %add3A_101 : i32 to vector<1x8x1024xi32>
    %add3A_103 = arith.addi %slice3A_98, %add3A_102 : vector<1x8x1024xi32>
    %select_n3A_104 = arith.select %ge3A_99, %slice3A_97, %add3A_103 : vector<1x8x1024xi1>, vector<1x8x1024xi32>
    %reshape3A_105 = vector.shape_cast %select_n3A_100 : vector<1x8x1024xf32> to vector<8x1024xf32>
    %reshape3A_106 = vector.shape_cast %select_n3A_104 : vector<1x8x1024xi32> to vector<8x1024xi32>
    %mul3A_107 = arith.constant 8 : i32
    %mul3A_108 = vector.broadcast %mul3A_107 : i32 to vector<8x1024xi32>
    %mul3A_109 = arith.muli %reshape3A_106, %mul3A_108 : vector<8x1024xi32>
    %add3A_110 = arith.constant 0 : i32
    %add3A_111 = vector.broadcast %add3A_110 : i32 to vector<8x1024xi32>
    %add3A_112 = arith.addi %mul3A_109, %add3A_111 : vector<8x1024xi32>
    %get3A_113 = arith.constant 4096 : index
    %get3A_114 = arith.constant 0 : index
    %get3A_115 = vector.load %arg2[%get3A_113, %get3A_114] : memref<8192x64xf32, #tpu.memory_space<vmem>>, vector<2048x64xf32>
    %dot_general3A_116 = arith.constant dense<0.000000e+00> : vector<2048x1024xf32>
    %dot_general3A_117 = tpu.matmul %get3A_115, %div3A_7, %dot_general3A_116 {dimension_numbers = #tpu.dot_dimension_numbers<[1], [0], [0], [1], [0, 0, 1, 1], [], []>, transpose_lhs_hint = false} : vector<2048x64xf32>, vector<64x1024xf32>, vector<2048x1024xf32> -> vector<2048x1024xf32>
    %reshape3A_118 = vector.shape_cast %dot_general3A_16 : vector<2048x1024xf32> to vector<128x16x1024xf32>
    %slice3A_119 = vector.extract_strided_slice %reshape3A_118 {offsets = [0, 0, 0], sizes = [128, 8, 1024], strides = [1, 1, 1]} : vector<128x16x1024xf32> to vector<128x8x1024xf32>
    %slice3A_120 = vector.extract_strided_slice %reshape3A_118 {offsets = [0, 8, 0], sizes = [128, 8, 1024], strides = [1, 1, 1]} : vector<128x16x1024xf32> to vector<128x8x1024xf32>
    %ge3A_121 = arith.cmpf oge, %slice3A_119, %slice3A_120 : vector<128x8x1024xf32>
    %select_n3A_122 = arith.select %ge3A_121, %slice3A_119, %slice3A_120 : vector<128x8x1024xi1>, vector<128x8x1024xf32>
    %jit3A_123 = arith.constant 0 : i32
    %jit3A_124 = arith.constant 1 : i32
    %broadcast_in_dim3A_125 = vector.broadcast %jit3A_123 : i32 to vector<128x8x1024xi32>
    %broadcast_in_dim3A_126 = vector.broadcast %jit3A_124 : i32 to vector<128x8x1024xi32>
    %select_n3A_127 = arith.select %ge3A_121, %broadcast_in_dim3A_125, %broadcast_in_dim3A_126 : vector<128x8x1024xi1>, vector<128x8x1024xi32>
    %reshape3A_128 = vector.shape_cast %select_n3A_122 : vector<128x8x1024xf32> to vector<64x16x1024xf32>
    %reshape3A_129 = vector.shape_cast %select_n3A_127 : vector<128x8x1024xi32> to vector<64x16x1024xi32>
    %slice3A_130 = vector.extract_strided_slice %reshape3A_128 {offsets = [0, 0, 0], sizes = [64, 8, 1024], strides = [1, 1, 1]} : vector<64x16x1024xf32> to vector<64x8x1024xf32>
    %slice3A_131 = vector.extract_strided_slice %reshape3A_128 {offsets = [0, 8, 0], sizes = [64, 8, 1024], strides = [1, 1, 1]} : vector<64x16x1024xf32> to vector<64x8x1024xf32>
    %slice3A_132 = vector.extract_strided_slice %reshape3A_129 {offsets = [0, 0, 0], sizes = [64, 8, 1024], strides = [1, 1, 1]} : vector<64x16x1024xi32> to vector<64x8x1024xi32>
    %slice3A_133 = vector.extract_strided_slice %reshape3A_129 {offsets = [0, 8, 0], sizes = [64, 8, 1024], strides = [1, 1, 1]} : vector<64x16x1024xi32> to vector<64x8x1024xi32>
    %ge3A_134 = arith.cmpf oge, %slice3A_130, %slice3A_131 : vector<64x8x1024xf32>
    %select_n3A_135 = arith.select %ge3A_134, %slice3A_130, %slice3A_131 : vector<64x8x1024xi1>, vector<64x8x1024xf32>
    %add3A_136 = arith.constant 2 : i32
    %add3A_137 = vector.broadcast %add3A_136 : i32 to vector<64x8x1024xi32>
    %add3A_138 = arith.addi %slice3A_133, %add3A_137 : vector<64x8x1024xi32>
    %select_n3A_139 = arith.select %ge3A_134, %slice3A_132, %add3A_138 : vector<64x8x1024xi1>, vector<64x8x1024xi32>
    %reshape3A_140 = vector.shape_cast %select_n3A_135 : vector<64x8x1024xf32> to vector<32x16x1024xf32>
    %reshape3A_141 = vector.shape_cast %select_n3A_139 : vector<64x8x1024xi32> to vector<32x16x1024xi32>
    %slice3A_142 = vector.extract_strided_slice %reshape3A_140 {offsets = [0, 0, 0], sizes = [32, 8, 1024], strides = [1, 1, 1]} : vector<32x16x1024xf32> to vector<32x8x1024xf32>
    %slice3A_143 = vector.extract_strided_slice %reshape3A_140 {offsets = [0, 8, 0], sizes = [32, 8, 1024], strides = [1, 1, 1]} : vector<32x16x1024xf32> to vector<32x8x1024xf32>
    %slice3A_144 = vector.extract_strided_slice %reshape3A_141 {offsets = [0, 0, 0], sizes = [32, 8, 1024], strides = [1, 1, 1]} : vector<32x16x1024xi32> to vector<32x8x1024xi32>
    %slice3A_145 = vector.extract_strided_slice %reshape3A_141 {offsets = [0, 8, 0], sizes = [32, 8, 1024], strides = [1, 1, 1]} : vector<32x16x1024xi32> to vector<32x8x1024xi32>
    %ge3A_146 = arith.cmpf oge, %slice3A_142, %slice3A_143 : vector<32x8x1024xf32>
    %select_n3A_147 = arith.select %ge3A_146, %slice3A_142, %slice3A_143 : vector<32x8x1024xi1>, vector<32x8x1024xf32>
    %add3A_148 = arith.constant 4 : i32
    %add3A_149 = vector.broadcast %add3A_148 : i32 to vector<32x8x1024xi32>
    %add3A_150 = arith.addi %slice3A_145, %add3A_149 : vector<32x8x1024xi32>
    %select_n3A_151 = arith.select %ge3A_146, %slice3A_144, %add3A_150 : vector<32x8x1024xi1>, vector<32x8x1024xi32>
    %reshape3A_152 = vector.shape_cast %select_n3A_147 : vector<32x8x1024xf32> to vector<16x16x1024xf32>
    %reshape3A_153 = vector.shape_cast %select_n3A_151 : vector<32x8x1024xi32> to vector<16x16x1024xi32>
    %slice3A_154 = vector.extract_strided_slice %reshape3A_152 {offsets = [0, 0, 0], sizes = [16, 8, 1024], strides = [1, 1, 1]} : vector<16x16x1024xf32> to vector<16x8x1024xf32>
    %slice3A_155 = vector.extract_strided_slice %reshape3A_152 {offsets = [0, 8, 0], sizes = [16, 8, 1024], strides = [1, 1, 1]} : vector<16x16x1024xf32> to vector<16x8x1024xf32>
    %slice3A_156 = vector.extract_strided_slice %reshape3A_153 {offsets = [0, 0, 0], sizes = [16, 8, 1024], strides = [1, 1, 1]} : vector<16x16x1024xi32> to vector<16x8x1024xi32>
    %slice3A_157 = vector.extract_strided_slice %reshape3A_153 {offsets = [0, 8, 0], sizes = [16, 8, 1024], strides = [1, 1, 1]} : vector<16x16x1024xi32> to vector<16x8x1024xi32>
    %ge3A_158 = arith.cmpf oge, %slice3A_154, %slice3A_155 : vector<16x8x1024xf32>
    %select_n3A_159 = arith.select %ge3A_158, %slice3A_154, %slice3A_155 : vector<16x8x1024xi1>, vector<16x8x1024xf32>
    %add3A_160 = arith.constant 8 : i32
    %add3A_161 = vector.broadcast %add3A_160 : i32 to vector<16x8x1024xi32>
    %add3A_162 = arith.addi %slice3A_157, %add3A_161 : vector<16x8x1024xi32>
    %select_n3A_163 = arith.select %ge3A_158, %slice3A_156, %add3A_162 : vector<16x8x1024xi1>, vector<16x8x1024xi32>
    %reshape3A_164 = vector.shape_cast %select_n3A_159 : vector<16x8x1024xf32> to vector<8x16x1024xf32>
    %reshape3A_165 = vector.shape_cast %select_n3A_163 : vector<16x8x1024xi32> to vector<8x16x1024xi32>
    %slice3A_166 = vector.extract_strided_slice %reshape3A_164 {offsets = [0, 0, 0], sizes = [8, 8, 1024], strides = [1, 1, 1]} : vector<8x16x1024xf32> to vector<8x8x1024xf32>
    %slice3A_167 = vector.extract_strided_slice %reshape3A_164 {offsets = [0, 8, 0], sizes = [8, 8, 1024], strides = [1, 1, 1]} : vector<8x16x1024xf32> to vector<8x8x1024xf32>
    %slice3A_168 = vector.extract_strided_slice %reshape3A_165 {offsets = [0, 0, 0], sizes = [8, 8, 1024], strides = [1, 1, 1]} : vector<8x16x1024xi32> to vector<8x8x1024xi32>
    %slice3A_169 = vector.extract_strided_slice %reshape3A_165 {offsets = [0, 8, 0], sizes = [8, 8, 1024], strides = [1, 1, 1]} : vector<8x16x1024xi32> to vector<8x8x1024xi32>
    %ge3A_170 = arith.cmpf oge, %slice3A_166, %slice3A_167 : vector<8x8x1024xf32>
    %select_n3A_171 = arith.select %ge3A_170, %slice3A_166, %slice3A_167 : vector<8x8x1024xi1>, vector<8x8x1024xf32>
    %add3A_172 = arith.constant 16 : i32
    %add3A_173 = vector.broadcast %add3A_172 : i32 to vector<8x8x1024xi32>
    %add3A_174 = arith.addi %slice3A_169, %add3A_173 : vector<8x8x1024xi32>
    %select_n3A_175 = arith.select %ge3A_170, %slice3A_168, %add3A_174 : vector<8x8x1024xi1>, vector<8x8x1024xi32>
    %reshape3A_176 = vector.shape_cast %select_n3A_171 : vector<8x8x1024xf32> to vector<4x16x1024xf32>
    %reshape3A_177 = vector.shape_cast %select_n3A_175 : vector<8x8x1024xi32> to vector<4x16x1024xi32>
    %slice3A_178 = vector.extract_strided_slice %reshape3A_176 {offsets = [0, 0, 0], sizes = [4, 8, 1024], strides = [1, 1, 1]} : vector<4x16x1024xf32> to vector<4x8x1024xf32>
    %slice3A_179 = vector.extract_strided_slice %reshape3A_176 {offsets = [0, 8, 0], sizes = [4, 8, 1024], strides = [1, 1, 1]} : vector<4x16x1024xf32> to vector<4x8x1024xf32>
    %slice3A_180 = vector.extract_strided_slice %reshape3A_177 {offsets = [0, 0, 0], sizes = [4, 8, 1024], strides = [1, 1, 1]} : vector<4x16x1024xi32> to vector<4x8x1024xi32>
    %slice3A_181 = vector.extract_strided_slice %reshape3A_177 {offsets = [0, 8, 0], sizes = [4, 8, 1024], strides = [1, 1, 1]} : vector<4x16x1024xi32> to vector<4x8x1024xi32>
    %ge3A_182 = arith.cmpf oge, %slice3A_178, %slice3A_179 : vector<4x8x1024xf32>
    %select_n3A_183 = arith.select %ge3A_182, %slice3A_178, %slice3A_179 : vector<4x8x1024xi1>, vector<4x8x1024xf32>
    %add3A_184 = arith.constant 32 : i32
    %add3A_185 = vector.broadcast %add3A_184 : i32 to vector<4x8x1024xi32>
    %add3A_186 = arith.addi %slice3A_181, %add3A_185 : vector<4x8x1024xi32>
    %select_n3A_187 = arith.select %ge3A_182, %slice3A_180, %add3A_186 : vector<4x8x1024xi1>, vector<4x8x1024xi32>
    %reshape3A_188 = vector.shape_cast %select_n3A_183 : vector<4x8x1024xf32> to vector<2x16x1024xf32>
    %reshape3A_189 = vector.shape_cast %select_n3A_187 : vector<4x8x1024xi32> to vector<2x16x1024xi32>
    %slice3A_190 = vector.extract_strided_slice %reshape3A_188 {offsets = [0, 0, 0], sizes = [2, 8, 1024], strides = [1, 1, 1]} : vector<2x16x1024xf32> to vector<2x8x1024xf32>
    %slice3A_191 = vector.extract_strided_slice %reshape3A_188 {offsets = [0, 8, 0], sizes = [2, 8, 1024], strides = [1, 1, 1]} : vector<2x16x1024xf32> to vector<2x8x1024xf32>
    %slice3A_192 = vector.extract_strided_slice %reshape3A_189 {offsets = [0, 0, 0], sizes = [2, 8, 1024], strides = [1, 1, 1]} : vector<2x16x1024xi32> to vector<2x8x1024xi32>
    %slice3A_193 = vector.extract_strided_slice %reshape3A_189 {offsets = [0, 8, 0], sizes = [2, 8, 1024], strides = [1, 1, 1]} : vector<2x16x1024xi32> to vector<2x8x1024xi32>
    %ge3A_194 = arith.cmpf oge, %slice3A_190, %slice3A_191 : vector<2x8x1024xf32>
    %select_n3A_195 = arith.select %ge3A_194, %slice3A_190, %slice3A_191 : vector<2x8x1024xi1>, vector<2x8x1024xf32>
    %add3A_196 = arith.constant 64 : i32
    %add3A_197 = vector.broadcast %add3A_196 : i32 to vector<2x8x1024xi32>
    %add3A_198 = arith.addi %slice3A_193, %add3A_197 : vector<2x8x1024xi32>
    %select_n3A_199 = arith.select %ge3A_194, %slice3A_192, %add3A_198 : vector<2x8x1024xi1>, vector<2x8x1024xi32>
    %reshape3A_200 = vector.shape_cast %select_n3A_195 : vector<2x8x1024xf32> to vector<1x16x1024xf32>
    %reshape3A_201 = vector.shape_cast %select_n3A_199 : vector<2x8x1024xi32> to vector<1x16x1024xi32>
    %slice3A_202 = vector.extract_strided_slice %reshape3A_200 {offsets = [0, 0, 0], sizes = [1, 8, 1024], strides = [1, 1, 1]} : vector<1x16x1024xf32> to vector<1x8x1024xf32>
    %slice3A_203 = vector.extract_strided_slice %reshape3A_200 {offsets = [0, 8, 0], sizes = [1, 8, 1024], strides = [1, 1, 1]} : vector<1x16x1024xf32> to vector<1x8x1024xf32>
    %slice3A_204 = vector.extract_strided_slice %reshape3A_201 {offsets = [0, 0, 0], sizes = [1, 8, 1024], strides = [1, 1, 1]} : vector<1x16x1024xi32> to vector<1x8x1024xi32>
    %slice3A_205 = vector.extract_strided_slice %reshape3A_201 {offsets = [0, 8, 0], sizes = [1, 8, 1024], strides = [1, 1, 1]} : vector<1x16x1024xi32> to vector<1x8x1024xi32>
    %ge3A_206 = arith.cmpf oge, %slice3A_202, %slice3A_203 : vector<1x8x1024xf32>
    %select_n3A_207 = arith.select %ge3A_206, %slice3A_202, %slice3A_203 : vector<1x8x1024xi1>, vector<1x8x1024xf32>
    %add3A_208 = arith.constant 128 : i32
    %add3A_209 = vector.broadcast %add3A_208 : i32 to vector<1x8x1024xi32>
    %add3A_210 = arith.addi %slice3A_205, %add3A_209 : vector<1x8x1024xi32>
    %select_n3A_211 = arith.select %ge3A_206, %slice3A_204, %add3A_210 : vector<1x8x1024xi1>, vector<1x8x1024xi32>
    %reshape3A_212 = vector.shape_cast %select_n3A_207 : vector<1x8x1024xf32> to vector<8x1024xf32>
    %reshape3A_213 = vector.shape_cast %select_n3A_211 : vector<1x8x1024xi32> to vector<8x1024xi32>
    %mul3A_214 = arith.constant 8 : i32
    %mul3A_215 = vector.broadcast %mul3A_214 : i32 to vector<8x1024xi32>
    %mul3A_216 = arith.muli %reshape3A_213, %mul3A_215 : vector<8x1024xi32>
    %add3A_217 = arith.constant 2048 : i32
    %add3A_218 = vector.broadcast %add3A_217 : i32 to vector<8x1024xi32>
    %add3A_219 = arith.addi %mul3A_216, %add3A_218 : vector<8x1024xi32>
    %get3A_220 = arith.constant 6144 : index
    %get3A_221 = arith.constant 0 : index
    %get3A_222 = vector.load %arg2[%get3A_220, %get3A_221] : memref<8192x64xf32, #tpu.memory_space<vmem>>, vector<2048x64xf32>
    %dot_general3A_223 = arith.constant dense<0.000000e+00> : vector<2048x1024xf32>
    %dot_general3A_224 = tpu.matmul %get3A_222, %div3A_7, %dot_general3A_223 {dimension_numbers = #tpu.dot_dimension_numbers<[1], [0], [0], [1], [0, 0, 1, 1], [], []>, transpose_lhs_hint = false} : vector<2048x64xf32>, vector<64x1024xf32>, vector<2048x1024xf32> -> vector<2048x1024xf32>
    %reshape3A_225 = vector.shape_cast %dot_general3A_117 : vector<2048x1024xf32> to vector<128x16x1024xf32>
    %slice3A_226 = vector.extract_strided_slice %reshape3A_225 {offsets = [0, 0, 0], sizes = [128, 8, 1024], strides = [1, 1, 1]} : vector<128x16x1024xf32> to vector<128x8x1024xf32>
    %slice3A_227 = vector.extract_strided_slice %reshape3A_225 {offsets = [0, 8, 0], sizes = [128, 8, 1024], strides = [1, 1, 1]} : vector<128x16x1024xf32> to vector<128x8x1024xf32>
    %ge3A_228 = arith.cmpf oge, %slice3A_226, %slice3A_227 : vector<128x8x1024xf32>
    %select_n3A_229 = arith.select %ge3A_228, %slice3A_226, %slice3A_227 : vector<128x8x1024xi1>, vector<128x8x1024xf32>
    %jit3A_230 = arith.constant 0 : i32
    %jit3A_231 = arith.constant 1 : i32
    %broadcast_in_dim3A_232 = vector.broadcast %jit3A_230 : i32 to vector<128x8x1024xi32>
    %broadcast_in_dim3A_233 = vector.broadcast %jit3A_231 : i32 to vector<128x8x1024xi32>
    %select_n3A_234 = arith.select %ge3A_228, %broadcast_in_dim3A_232, %broadcast_in_dim3A_233 : vector<128x8x1024xi1>, vector<128x8x1024xi32>
    %reshape3A_235 = vector.shape_cast %select_n3A_229 : vector<128x8x1024xf32> to vector<64x16x1024xf32>
    %reshape3A_236 = vector.shape_cast %select_n3A_234 : vector<128x8x1024xi32> to vector<64x16x1024xi32>
    %slice3A_237 = vector.extract_strided_slice %reshape3A_235 {offsets = [0, 0, 0], sizes = [64, 8, 1024], strides = [1, 1, 1]} : vector<64x16x1024xf32> to vector<64x8x1024xf32>
    %slice3A_238 = vector.extract_strided_slice %reshape3A_235 {offsets = [0, 8, 0], sizes = [64, 8, 1024], strides = [1, 1, 1]} : vector<64x16x1024xf32> to vector<64x8x1024xf32>
    %slice3A_239 = vector.extract_strided_slice %reshape3A_236 {offsets = [0, 0, 0], sizes = [64, 8, 1024], strides = [1, 1, 1]} : vector<64x16x1024xi32> to vector<64x8x1024xi32>
    %slice3A_240 = vector.extract_strided_slice %reshape3A_236 {offsets = [0, 8, 0], sizes = [64, 8, 1024], strides = [1, 1, 1]} : vector<64x16x1024xi32> to vector<64x8x1024xi32>
    %ge3A_241 = arith.cmpf oge, %slice3A_237, %slice3A_238 : vector<64x8x1024xf32>
    %select_n3A_242 = arith.select %ge3A_241, %slice3A_237, %slice3A_238 : vector<64x8x1024xi1>, vector<64x8x1024xf32>
    %add3A_243 = arith.constant 2 : i32
    %add3A_244 = vector.broadcast %add3A_243 : i32 to vector<64x8x1024xi32>
    %add3A_245 = arith.addi %slice3A_240, %add3A_244 : vector<64x8x1024xi32>
    %select_n3A_246 = arith.select %ge3A_241, %slice3A_239, %add3A_245 : vector<64x8x1024xi1>, vector<64x8x1024xi32>
    %reshape3A_247 = vector.shape_cast %select_n3A_242 : vector<64x8x1024xf32> to vector<32x16x1024xf32>
    %reshape3A_248 = vector.shape_cast %select_n3A_246 : vector<64x8x1024xi32> to vector<32x16x1024xi32>
    %slice3A_249 = vector.extract_strided_slice %reshape3A_247 {offsets = [0, 0, 0], sizes = [32, 8, 1024], strides = [1, 1, 1]} : vector<32x16x1024xf32> to vector<32x8x1024xf32>
    %slice3A_250 = vector.extract_strided_slice %reshape3A_247 {offsets = [0, 8, 0], sizes = [32, 8, 1024], strides = [1, 1, 1]} : vector<32x16x1024xf32> to vector<32x8x1024xf32>
    %slice3A_251 = vector.extract_strided_slice %reshape3A_248 {offsets = [0, 0, 0], sizes = [32, 8, 1024], strides = [1, 1, 1]} : vector<32x16x1024xi32> to vector<32x8x1024xi32>
    %slice3A_252 = vector.extract_strided_slice %reshape3A_248 {offsets = [0, 8, 0], sizes = [32, 8, 1024], strides = [1, 1, 1]} : vector<32x16x1024xi32> to vector<32x8x1024xi32>
    %ge3A_253 = arith.cmpf oge, %slice3A_249, %slice3A_250 : vector<32x8x1024xf32>
    %select_n3A_254 = arith.select %ge3A_253, %slice3A_249, %slice3A_250 : vector<32x8x1024xi1>, vector<32x8x1024xf32>
    %add3A_255 = arith.constant 4 : i32
    %add3A_256 = vector.broadcast %add3A_255 : i32 to vector<32x8x1024xi32>
    %add3A_257 = arith.addi %slice3A_252, %add3A_256 : vector<32x8x1024xi32>
    %select_n3A_258 = arith.select %ge3A_253, %slice3A_251, %add3A_257 : vector<32x8x1024xi1>, vector<32x8x1024xi32>
    %reshape3A_259 = vector.shape_cast %select_n3A_254 : vector<32x8x1024xf32> to vector<16x16x1024xf32>
    %reshape3A_260 = vector.shape_cast %select_n3A_258 : vector<32x8x1024xi32> to vector<16x16x1024xi32>
    %slice3A_261 = vector.extract_strided_slice %reshape3A_259 {offsets = [0, 0, 0], sizes = [16, 8, 1024], strides = [1, 1, 1]} : vector<16x16x1024xf32> to vector<16x8x1024xf32>
    %slice3A_262 = vector.extract_strided_slice %reshape3A_259 {offsets = [0, 8, 0], sizes = [16, 8, 1024], strides = [1, 1, 1]} : vector<16x16x1024xf32> to vector<16x8x1024xf32>
    %slice3A_263 = vector.extract_strided_slice %reshape3A_260 {offsets = [0, 0, 0], sizes = [16, 8, 1024], strides = [1, 1, 1]} : vector<16x16x1024xi32> to vector<16x8x1024xi32>
    %slice3A_264 = vector.extract_strided_slice %reshape3A_260 {offsets = [0, 8, 0], sizes = [16, 8, 1024], strides = [1, 1, 1]} : vector<16x16x1024xi32> to vector<16x8x1024xi32>
    %ge3A_265 = arith.cmpf oge, %slice3A_261, %slice3A_262 : vector<16x8x1024xf32>
    %select_n3A_266 = arith.select %ge3A_265, %slice3A_261, %slice3A_262 : vector<16x8x1024xi1>, vector<16x8x1024xf32>
    %add3A_267 = arith.constant 8 : i32
    %add3A_268 = vector.broadcast %add3A_267 : i32 to vector<16x8x1024xi32>
    %add3A_269 = arith.addi %slice3A_264, %add3A_268 : vector<16x8x1024xi32>
    %select_n3A_270 = arith.select %ge3A_265, %slice3A_263, %add3A_269 : vector<16x8x1024xi1>, vector<16x8x1024xi32>
    %reshape3A_271 = vector.shape_cast %select_n3A_266 : vector<16x8x1024xf32> to vector<8x16x1024xf32>
    %reshape3A_272 = vector.shape_cast %select_n3A_270 : vector<16x8x1024xi32> to vector<8x16x1024xi32>
    %slice3A_273 = vector.extract_strided_slice %reshape3A_271 {offsets = [0, 0, 0], sizes = [8, 8, 1024], strides = [1, 1, 1]} : vector<8x16x1024xf32> to vector<8x8x1024xf32>
    %slice3A_274 = vector.extract_strided_slice %reshape3A_271 {offsets = [0, 8, 0], sizes = [8, 8, 1024], strides = [1, 1, 1]} : vector<8x16x1024xf32> to vector<8x8x1024xf32>
    %slice3A_275 = vector.extract_strided_slice %reshape3A_272 {offsets = [0, 0, 0], sizes = [8, 8, 1024], strides = [1, 1, 1]} : vector<8x16x1024xi32> to vector<8x8x1024xi32>
    %slice3A_276 = vector.extract_strided_slice %reshape3A_272 {offsets = [0, 8, 0], sizes = [8, 8, 1024], strides = [1, 1, 1]} : vector<8x16x1024xi32> to vector<8x8x1024xi32>
    %ge3A_277 = arith.cmpf oge, %slice3A_273, %slice3A_274 : vector<8x8x1024xf32>
    %select_n3A_278 = arith.select %ge3A_277, %slice3A_273, %slice3A_274 : vector<8x8x1024xi1>, vector<8x8x1024xf32>
    %add3A_279 = arith.constant 16 : i32
    %add3A_280 = vector.broadcast %add3A_279 : i32 to vector<8x8x1024xi32>
    %add3A_281 = arith.addi %slice3A_276, %add3A_280 : vector<8x8x1024xi32>
    %select_n3A_282 = arith.select %ge3A_277, %slice3A_275, %add3A_281 : vector<8x8x1024xi1>, vector<8x8x1024xi32>
    %reshape3A_283 = vector.shape_cast %select_n3A_278 : vector<8x8x1024xf32> to vector<4x16x1024xf32>
    %reshape3A_284 = vector.shape_cast %select_n3A_282 : vector<8x8x1024xi32> to vector<4x16x1024xi32>
    %slice3A_285 = vector.extract_strided_slice %reshape3A_283 {offsets = [0, 0, 0], sizes = [4, 8, 1024], strides = [1, 1, 1]} : vector<4x16x1024xf32> to vector<4x8x1024xf32>
    %slice3A_286 = vector.extract_strided_slice %reshape3A_283 {offsets = [0, 8, 0], sizes = [4, 8, 1024], strides = [1, 1, 1]} : vector<4x16x1024xf32> to vector<4x8x1024xf32>
    %slice3A_287 = vector.extract_strided_slice %reshape3A_284 {offsets = [0, 0, 0], sizes = [4, 8, 1024], strides = [1, 1, 1]} : vector<4x16x1024xi32> to vector<4x8x1024xi32>
    %slice3A_288 = vector.extract_strided_slice %reshape3A_284 {offsets = [0, 8, 0], sizes = [4, 8, 1024], strides = [1, 1, 1]} : vector<4x16x1024xi32> to vector<4x8x1024xi32>
    %ge3A_289 = arith.cmpf oge, %slice3A_285, %slice3A_286 : vector<4x8x1024xf32>
    %select_n3A_290 = arith.select %ge3A_289, %slice3A_285, %slice3A_286 : vector<4x8x1024xi1>, vector<4x8x1024xf32>
    %add3A_291 = arith.constant 32 : i32
    %add3A_292 = vector.broadcast %add3A_291 : i32 to vector<4x8x1024xi32>
    %add3A_293 = arith.addi %slice3A_288, %add3A_292 : vector<4x8x1024xi32>
    %select_n3A_294 = arith.select %ge3A_289, %slice3A_287, %add3A_293 : vector<4x8x1024xi1>, vector<4x8x1024xi32>
    %reshape3A_295 = vector.shape_cast %select_n3A_290 : vector<4x8x1024xf32> to vector<2x16x1024xf32>
    %reshape3A_296 = vector.shape_cast %select_n3A_294 : vector<4x8x1024xi32> to vector<2x16x1024xi32>
    %slice3A_297 = vector.extract_strided_slice %reshape3A_295 {offsets = [0, 0, 0], sizes = [2, 8, 1024], strides = [1, 1, 1]} : vector<2x16x1024xf32> to vector<2x8x1024xf32>
    %slice3A_298 = vector.extract_strided_slice %reshape3A_295 {offsets = [0, 8, 0], sizes = [2, 8, 1024], strides = [1, 1, 1]} : vector<2x16x1024xf32> to vector<2x8x1024xf32>
    %slice3A_299 = vector.extract_strided_slice %reshape3A_296 {offsets = [0, 0, 0], sizes = [2, 8, 1024], strides = [1, 1, 1]} : vector<2x16x1024xi32> to vector<2x8x1024xi32>
    %slice3A_300 = vector.extract_strided_slice %reshape3A_296 {offsets = [0, 8, 0], sizes = [2, 8, 1024], strides = [1, 1, 1]} : vector<2x16x1024xi32> to vector<2x8x1024xi32>
    %ge3A_301 = arith.cmpf oge, %slice3A_297, %slice3A_298 : vector<2x8x1024xf32>
    %select_n3A_302 = arith.select %ge3A_301, %slice3A_297, %slice3A_298 : vector<2x8x1024xi1>, vector<2x8x1024xf32>
    %add3A_303 = arith.constant 64 : i32
    %add3A_304 = vector.broadcast %add3A_303 : i32 to vector<2x8x1024xi32>
    %add3A_305 = arith.addi %slice3A_300, %add3A_304 : vector<2x8x1024xi32>
    %select_n3A_306 = arith.select %ge3A_301, %slice3A_299, %add3A_305 : vector<2x8x1024xi1>, vector<2x8x1024xi32>
    %reshape3A_307 = vector.shape_cast %select_n3A_302 : vector<2x8x1024xf32> to vector<1x16x1024xf32>
    %reshape3A_308 = vector.shape_cast %select_n3A_306 : vector<2x8x1024xi32> to vector<1x16x1024xi32>
    %slice3A_309 = vector.extract_strided_slice %reshape3A_307 {offsets = [0, 0, 0], sizes = [1, 8, 1024], strides = [1, 1, 1]} : vector<1x16x1024xf32> to vector<1x8x1024xf32>
    %slice3A_310 = vector.extract_strided_slice %reshape3A_307 {offsets = [0, 8, 0], sizes = [1, 8, 1024], strides = [1, 1, 1]} : vector<1x16x1024xf32> to vector<1x8x1024xf32>
    %slice3A_311 = vector.extract_strided_slice %reshape3A_308 {offsets = [0, 0, 0], sizes = [1, 8, 1024], strides = [1, 1, 1]} : vector<1x16x1024xi32> to vector<1x8x1024xi32>
    %slice3A_312 = vector.extract_strided_slice %reshape3A_308 {offsets = [0, 8, 0], sizes = [1, 8, 1024], strides = [1, 1, 1]} : vector<1x16x1024xi32> to vector<1x8x1024xi32>
    %ge3A_313 = arith.cmpf oge, %slice3A_309, %slice3A_310 : vector<1x8x1024xf32>
    %select_n3A_314 = arith.select %ge3A_313, %slice3A_309, %slice3A_310 : vector<1x8x1024xi1>, vector<1x8x1024xf32>
    %add3A_315 = arith.constant 128 : i32
    %add3A_316 = vector.broadcast %add3A_315 : i32 to vector<1x8x1024xi32>
    %add3A_317 = arith.addi %slice3A_312, %add3A_316 : vector<1x8x1024xi32>
    %select_n3A_318 = arith.select %ge3A_313, %slice3A_311, %add3A_317 : vector<1x8x1024xi1>, vector<1x8x1024xi32>
    %reshape3A_319 = vector.shape_cast %select_n3A_314 : vector<1x8x1024xf32> to vector<8x1024xf32>
    %reshape3A_320 = vector.shape_cast %select_n3A_318 : vector<1x8x1024xi32> to vector<8x1024xi32>
    %mul3A_321 = arith.constant 8 : i32
    %mul3A_322 = vector.broadcast %mul3A_321 : i32 to vector<8x1024xi32>
    %mul3A_323 = arith.muli %reshape3A_320, %mul3A_322 : vector<8x1024xi32>
    %add3A_324 = arith.constant 4096 : i32
    %add3A_325 = vector.broadcast %add3A_324 : i32 to vector<8x1024xi32>
    %add3A_326 = arith.addi %mul3A_323, %add3A_325 : vector<8x1024xi32>
    %reshape3A_327 = vector.shape_cast %dot_general3A_224 : vector<2048x1024xf32> to vector<128x16x1024xf32>
    %slice3A_328 = vector.extract_strided_slice %reshape3A_327 {offsets = [0, 0, 0], sizes = [128, 8, 1024], strides = [1, 1, 1]} : vector<128x16x1024xf32> to vector<128x8x1024xf32>
    %slice3A_329 = vector.extract_strided_slice %reshape3A_327 {offsets = [0, 8, 0], sizes = [128, 8, 1024], strides = [1, 1, 1]} : vector<128x16x1024xf32> to vector<128x8x1024xf32>
    %ge3A_330 = arith.cmpf oge, %slice3A_328, %slice3A_329 : vector<128x8x1024xf32>
    %select_n3A_331 = arith.select %ge3A_330, %slice3A_328, %slice3A_329 : vector<128x8x1024xi1>, vector<128x8x1024xf32>
    %jit3A_332 = arith.constant 0 : i32
    %jit3A_333 = arith.constant 1 : i32
    %broadcast_in_dim3A_334 = vector.broadcast %jit3A_332 : i32 to vector<128x8x1024xi32>
    %broadcast_in_dim3A_335 = vector.broadcast %jit3A_333 : i32 to vector<128x8x1024xi32>
    %select_n3A_336 = arith.select %ge3A_330, %broadcast_in_dim3A_334, %broadcast_in_dim3A_335 : vector<128x8x1024xi1>, vector<128x8x1024xi32>
    %reshape3A_337 = vector.shape_cast %select_n3A_331 : vector<128x8x1024xf32> to vector<64x16x1024xf32>
    %reshape3A_338 = vector.shape_cast %select_n3A_336 : vector<128x8x1024xi32> to vector<64x16x1024xi32>
    %slice3A_339 = vector.extract_strided_slice %reshape3A_337 {offsets = [0, 0, 0], sizes = [64, 8, 1024], strides = [1, 1, 1]} : vector<64x16x1024xf32> to vector<64x8x1024xf32>
    %slice3A_340 = vector.extract_strided_slice %reshape3A_337 {offsets = [0, 8, 0], sizes = [64, 8, 1024], strides = [1, 1, 1]} : vector<64x16x1024xf32> to vector<64x8x1024xf32>
    %slice3A_341 = vector.extract_strided_slice %reshape3A_338 {offsets = [0, 0, 0], sizes = [64, 8, 1024], strides = [1, 1, 1]} : vector<64x16x1024xi32> to vector<64x8x1024xi32>
    %slice3A_342 = vector.extract_strided_slice %reshape3A_338 {offsets = [0, 8, 0], sizes = [64, 8, 1024], strides = [1, 1, 1]} : vector<64x16x1024xi32> to vector<64x8x1024xi32>
    %ge3A_343 = arith.cmpf oge, %slice3A_339, %slice3A_340 : vector<64x8x1024xf32>
    %select_n3A_344 = arith.select %ge3A_343, %slice3A_339, %slice3A_340 : vector<64x8x1024xi1>, vector<64x8x1024xf32>
    %add3A_345 = arith.constant 2 : i32
    %add3A_346 = vector.broadcast %add3A_345 : i32 to vector<64x8x1024xi32>
    %add3A_347 = arith.addi %slice3A_342, %add3A_346 : vector<64x8x1024xi32>
    %select_n3A_348 = arith.select %ge3A_343, %slice3A_341, %add3A_347 : vector<64x8x1024xi1>, vector<64x8x1024xi32>
    %reshape3A_349 = vector.shape_cast %select_n3A_344 : vector<64x8x1024xf32> to vector<32x16x1024xf32>
    %reshape3A_350 = vector.shape_cast %select_n3A_348 : vector<64x8x1024xi32> to vector<32x16x1024xi32>
    %slice3A_351 = vector.extract_strided_slice %reshape3A_349 {offsets = [0, 0, 0], sizes = [32, 8, 1024], strides = [1, 1, 1]} : vector<32x16x1024xf32> to vector<32x8x1024xf32>
    %slice3A_352 = vector.extract_strided_slice %reshape3A_349 {offsets = [0, 8, 0], sizes = [32, 8, 1024], strides = [1, 1, 1]} : vector<32x16x1024xf32> to vector<32x8x1024xf32>
    %slice3A_353 = vector.extract_strided_slice %reshape3A_350 {offsets = [0, 0, 0], sizes = [32, 8, 1024], strides = [1, 1, 1]} : vector<32x16x1024xi32> to vector<32x8x1024xi32>
    %slice3A_354 = vector.extract_strided_slice %reshape3A_350 {offsets = [0, 8, 0], sizes = [32, 8, 1024], strides = [1, 1, 1]} : vector<32x16x1024xi32> to vector<32x8x1024xi32>
    %ge3A_355 = arith.cmpf oge, %slice3A_351, %slice3A_352 : vector<32x8x1024xf32>
    %select_n3A_356 = arith.select %ge3A_355, %slice3A_351, %slice3A_352 : vector<32x8x1024xi1>, vector<32x8x1024xf32>
    %add3A_357 = arith.constant 4 : i32
    %add3A_358 = vector.broadcast %add3A_357 : i32 to vector<32x8x1024xi32>
    %add3A_359 = arith.addi %slice3A_354, %add3A_358 : vector<32x8x1024xi32>
    %select_n3A_360 = arith.select %ge3A_355, %slice3A_353, %add3A_359 : vector<32x8x1024xi1>, vector<32x8x1024xi32>
    %reshape3A_361 = vector.shape_cast %select_n3A_356 : vector<32x8x1024xf32> to vector<16x16x1024xf32>
    %reshape3A_362 = vector.shape_cast %select_n3A_360 : vector<32x8x1024xi32> to vector<16x16x1024xi32>
    %slice3A_363 = vector.extract_strided_slice %reshape3A_361 {offsets = [0, 0, 0], sizes = [16, 8, 1024], strides = [1, 1, 1]} : vector<16x16x1024xf32> to vector<16x8x1024xf32>
    %slice3A_364 = vector.extract_strided_slice %reshape3A_361 {offsets = [0, 8, 0], sizes = [16, 8, 1024], strides = [1, 1, 1]} : vector<16x16x1024xf32> to vector<16x8x1024xf32>
    %slice3A_365 = vector.extract_strided_slice %reshape3A_362 {offsets = [0, 0, 0], sizes = [16, 8, 1024], strides = [1, 1, 1]} : vector<16x16x1024xi32> to vector<16x8x1024xi32>
    %slice3A_366 = vector.extract_strided_slice %reshape3A_362 {offsets = [0, 8, 0], sizes = [16, 8, 1024], strides = [1, 1, 1]} : vector<16x16x1024xi32> to vector<16x8x1024xi32>
    %ge3A_367 = arith.cmpf oge, %slice3A_363, %slice3A_364 : vector<16x8x1024xf32>
    %select_n3A_368 = arith.select %ge3A_367, %slice3A_363, %slice3A_364 : vector<16x8x1024xi1>, vector<16x8x1024xf32>
    %add3A_369 = arith.constant 8 : i32
    %add3A_370 = vector.broadcast %add3A_369 : i32 to vector<16x8x1024xi32>
    %add3A_371 = arith.addi %slice3A_366, %add3A_370 : vector<16x8x1024xi32>
    %select_n3A_372 = arith.select %ge3A_367, %slice3A_365, %add3A_371 : vector<16x8x1024xi1>, vector<16x8x1024xi32>
    %reshape3A_373 = vector.shape_cast %select_n3A_368 : vector<16x8x1024xf32> to vector<8x16x1024xf32>
    %reshape3A_374 = vector.shape_cast %select_n3A_372 : vector<16x8x1024xi32> to vector<8x16x1024xi32>
    %slice3A_375 = vector.extract_strided_slice %reshape3A_373 {offsets = [0, 0, 0], sizes = [8, 8, 1024], strides = [1, 1, 1]} : vector<8x16x1024xf32> to vector<8x8x1024xf32>
    %slice3A_376 = vector.extract_strided_slice %reshape3A_373 {offsets = [0, 8, 0], sizes = [8, 8, 1024], strides = [1, 1, 1]} : vector<8x16x1024xf32> to vector<8x8x1024xf32>
    %slice3A_377 = vector.extract_strided_slice %reshape3A_374 {offsets = [0, 0, 0], sizes = [8, 8, 1024], strides = [1, 1, 1]} : vector<8x16x1024xi32> to vector<8x8x1024xi32>
    %slice3A_378 = vector.extract_strided_slice %reshape3A_374 {offsets = [0, 8, 0], sizes = [8, 8, 1024], strides = [1, 1, 1]} : vector<8x16x1024xi32> to vector<8x8x1024xi32>
    %ge3A_379 = arith.cmpf oge, %slice3A_375, %slice3A_376 : vector<8x8x1024xf32>
    %select_n3A_380 = arith.select %ge3A_379, %slice3A_375, %slice3A_376 : vector<8x8x1024xi1>, vector<8x8x1024xf32>
    %add3A_381 = arith.constant 16 : i32
    %add3A_382 = vector.broadcast %add3A_381 : i32 to vector<8x8x1024xi32>
    %add3A_383 = arith.addi %slice3A_378, %add3A_382 : vector<8x8x1024xi32>
    %select_n3A_384 = arith.select %ge3A_379, %slice3A_377, %add3A_383 : vector<8x8x1024xi1>, vector<8x8x1024xi32>
    %reshape3A_385 = vector.shape_cast %select_n3A_380 : vector<8x8x1024xf32> to vector<4x16x1024xf32>
    %reshape3A_386 = vector.shape_cast %select_n3A_384 : vector<8x8x1024xi32> to vector<4x16x1024xi32>
    %slice3A_387 = vector.extract_strided_slice %reshape3A_385 {offsets = [0, 0, 0], sizes = [4, 8, 1024], strides = [1, 1, 1]} : vector<4x16x1024xf32> to vector<4x8x1024xf32>
    %slice3A_388 = vector.extract_strided_slice %reshape3A_385 {offsets = [0, 8, 0], sizes = [4, 8, 1024], strides = [1, 1, 1]} : vector<4x16x1024xf32> to vector<4x8x1024xf32>
    %slice3A_389 = vector.extract_strided_slice %reshape3A_386 {offsets = [0, 0, 0], sizes = [4, 8, 1024], strides = [1, 1, 1]} : vector<4x16x1024xi32> to vector<4x8x1024xi32>
    %slice3A_390 = vector.extract_strided_slice %reshape3A_386 {offsets = [0, 8, 0], sizes = [4, 8, 1024], strides = [1, 1, 1]} : vector<4x16x1024xi32> to vector<4x8x1024xi32>
    %ge3A_391 = arith.cmpf oge, %slice3A_387, %slice3A_388 : vector<4x8x1024xf32>
    %select_n3A_392 = arith.select %ge3A_391, %slice3A_387, %slice3A_388 : vector<4x8x1024xi1>, vector<4x8x1024xf32>
    %add3A_393 = arith.constant 32 : i32
    %add3A_394 = vector.broadcast %add3A_393 : i32 to vector<4x8x1024xi32>
    %add3A_395 = arith.addi %slice3A_390, %add3A_394 : vector<4x8x1024xi32>
    %select_n3A_396 = arith.select %ge3A_391, %slice3A_389, %add3A_395 : vector<4x8x1024xi1>, vector<4x8x1024xi32>
    %reshape3A_397 = vector.shape_cast %select_n3A_392 : vector<4x8x1024xf32> to vector<2x16x1024xf32>
    %reshape3A_398 = vector.shape_cast %select_n3A_396 : vector<4x8x1024xi32> to vector<2x16x1024xi32>
    %slice3A_399 = vector.extract_strided_slice %reshape3A_397 {offsets = [0, 0, 0], sizes = [2, 8, 1024], strides = [1, 1, 1]} : vector<2x16x1024xf32> to vector<2x8x1024xf32>
    %slice3A_400 = vector.extract_strided_slice %reshape3A_397 {offsets = [0, 8, 0], sizes = [2, 8, 1024], strides = [1, 1, 1]} : vector<2x16x1024xf32> to vector<2x8x1024xf32>
    %slice3A_401 = vector.extract_strided_slice %reshape3A_398 {offsets = [0, 0, 0], sizes = [2, 8, 1024], strides = [1, 1, 1]} : vector<2x16x1024xi32> to vector<2x8x1024xi32>
    %slice3A_402 = vector.extract_strided_slice %reshape3A_398 {offsets = [0, 8, 0], sizes = [2, 8, 1024], strides = [1, 1, 1]} : vector<2x16x1024xi32> to vector<2x8x1024xi32>
    %ge3A_403 = arith.cmpf oge, %slice3A_399, %slice3A_400 : vector<2x8x1024xf32>
    %select_n3A_404 = arith.select %ge3A_403, %slice3A_399, %slice3A_400 : vector<2x8x1024xi1>, vector<2x8x1024xf32>
    %add3A_405 = arith.constant 64 : i32
    %add3A_406 = vector.broadcast %add3A_405 : i32 to vector<2x8x1024xi32>
    %add3A_407 = arith.addi %slice3A_402, %add3A_406 : vector<2x8x1024xi32>
    %select_n3A_408 = arith.select %ge3A_403, %slice3A_401, %add3A_407 : vector<2x8x1024xi1>, vector<2x8x1024xi32>
    %reshape3A_409 = vector.shape_cast %select_n3A_404 : vector<2x8x1024xf32> to vector<1x16x1024xf32>
    %reshape3A_410 = vector.shape_cast %select_n3A_408 : vector<2x8x1024xi32> to vector<1x16x1024xi32>
    %slice3A_411 = vector.extract_strided_slice %reshape3A_409 {offsets = [0, 0, 0], sizes = [1, 8, 1024], strides = [1, 1, 1]} : vector<1x16x1024xf32> to vector<1x8x1024xf32>
    %slice3A_412 = vector.extract_strided_slice %reshape3A_409 {offsets = [0, 8, 0], sizes = [1, 8, 1024], strides = [1, 1, 1]} : vector<1x16x1024xf32> to vector<1x8x1024xf32>
    %slice3A_413 = vector.extract_strided_slice %reshape3A_410 {offsets = [0, 0, 0], sizes = [1, 8, 1024], strides = [1, 1, 1]} : vector<1x16x1024xi32> to vector<1x8x1024xi32>
    %slice3A_414 = vector.extract_strided_slice %reshape3A_410 {offsets = [0, 8, 0], sizes = [1, 8, 1024], strides = [1, 1, 1]} : vector<1x16x1024xi32> to vector<1x8x1024xi32>
    %ge3A_415 = arith.cmpf oge, %slice3A_411, %slice3A_412 : vector<1x8x1024xf32>
    %select_n3A_416 = arith.select %ge3A_415, %slice3A_411, %slice3A_412 : vector<1x8x1024xi1>, vector<1x8x1024xf32>
    %add3A_417 = arith.constant 128 : i32
    %add3A_418 = vector.broadcast %add3A_417 : i32 to vector<1x8x1024xi32>
    %add3A_419 = arith.addi %slice3A_414, %add3A_418 : vector<1x8x1024xi32>
    %select_n3A_420 = arith.select %ge3A_415, %slice3A_413, %add3A_419 : vector<1x8x1024xi1>, vector<1x8x1024xi32>
    %reshape3A_421 = vector.shape_cast %select_n3A_416 : vector<1x8x1024xf32> to vector<8x1024xf32>
    %reshape3A_422 = vector.shape_cast %select_n3A_420 : vector<1x8x1024xi32> to vector<8x1024xi32>
    %mul3A_423 = arith.constant 8 : i32
    %mul3A_424 = vector.broadcast %mul3A_423 : i32 to vector<8x1024xi32>
    %mul3A_425 = arith.muli %reshape3A_422, %mul3A_424 : vector<8x1024xi32>
    %add3A_426 = arith.constant 6144 : i32
    %add3A_427 = vector.broadcast %add3A_426 : i32 to vector<8x1024xi32>
    %add3A_428 = arith.addi %mul3A_425, %add3A_427 : vector<8x1024xi32>
    %iota3A = tpu.iota {dimensions = array<i32: 0>} : vector<8x1024xi32>
    %add3A_429 = arith.addi %add3A_112, %iota3A : vector<8x1024xi32>
    %add3A_430 = arith.addi %add3A_219, %iota3A : vector<8x1024xi32>
    %ge3A_431 = arith.cmpf oge, %reshape3A_105, %reshape3A_212 : vector<8x1024xf32>
    %select_n3A_432 = arith.select %ge3A_431, %reshape3A_105, %reshape3A_212 : vector<8x1024xi1>, vector<8x1024xf32>
    %select_n3A_433 = arith.select %ge3A_431, %add3A_429, %add3A_430 : vector<8x1024xi1>, vector<8x1024xi32>
    %add3A_434 = arith.addi %add3A_326, %iota3A : vector<8x1024xi32>
    %ge3A_435 = arith.cmpf oge, %select_n3A_432, %reshape3A_319 : vector<8x1024xf32>
    %select_n3A_436 = arith.select %ge3A_435, %select_n3A_432, %reshape3A_319 : vector<8x1024xi1>, vector<8x1024xf32>
    %select_n3A_437 = arith.select %ge3A_435, %select_n3A_433, %add3A_434 : vector<8x1024xi1>, vector<8x1024xi32>
    %add3A_438 = arith.addi %add3A_428, %iota3A : vector<8x1024xi32>
    %ge3A_439 = arith.cmpf oge, %select_n3A_436, %reshape3A_421 : vector<8x1024xf32>
    %select_n3A_440 = arith.select %ge3A_439, %select_n3A_436, %reshape3A_421 : vector<8x1024xi1>, vector<8x1024xf32>
    %select_n3A_441 = arith.select %ge3A_439, %select_n3A_437, %add3A_438 : vector<8x1024xi1>, vector<8x1024xi32>
    %slice3A_442 = vector.extract_strided_slice %select_n3A_440 {offsets = [0, 0], sizes = [4, 1024], strides = [1, 1]} : vector<8x1024xf32> to vector<4x1024xf32>
    %slice3A_443 = vector.extract_strided_slice %select_n3A_440 {offsets = [4, 0], sizes = [4, 1024], strides = [1, 1]} : vector<8x1024xf32> to vector<4x1024xf32>
    %slice3A_444 = vector.extract_strided_slice %select_n3A_441 {offsets = [0, 0], sizes = [4, 1024], strides = [1, 1]} : vector<8x1024xi32> to vector<4x1024xi32>
    %slice3A_445 = vector.extract_strided_slice %select_n3A_441 {offsets = [4, 0], sizes = [4, 1024], strides = [1, 1]} : vector<8x1024xi32> to vector<4x1024xi32>
    %gt3A = arith.cmpf ogt, %slice3A_442, %slice3A_443 : vector<4x1024xf32>
    %eq3A = arith.cmpf oeq, %slice3A_442, %slice3A_443 : vector<4x1024xf32>
    %lt3A = arith.cmpi slt, %slice3A_444, %slice3A_445 : vector<4x1024xi32>
    %and3A = arith.andi %eq3A, %lt3A : vector<4x1024xi1>
    %or3A = arith.ori %gt3A, %and3A : vector<4x1024xi1>
    %select_n3A_446 = arith.select %or3A, %slice3A_442, %slice3A_443 : vector<4x1024xi1>, vector<4x1024xf32>
    %select_n3A_447 = arith.select %or3A, %slice3A_444, %slice3A_445 : vector<4x1024xi1>, vector<4x1024xi32>
    %slice3A_448 = vector.extract_strided_slice %select_n3A_446 {offsets = [0, 0], sizes = [2, 1024], strides = [1, 1]} : vector<4x1024xf32> to vector<2x1024xf32>
    %slice3A_449 = vector.extract_strided_slice %select_n3A_446 {offsets = [2, 0], sizes = [2, 1024], strides = [1, 1]} : vector<4x1024xf32> to vector<2x1024xf32>
    %slice3A_450 = vector.extract_strided_slice %select_n3A_447 {offsets = [0, 0], sizes = [2, 1024], strides = [1, 1]} : vector<4x1024xi32> to vector<2x1024xi32>
    %slice3A_451 = vector.extract_strided_slice %select_n3A_447 {offsets = [2, 0], sizes = [2, 1024], strides = [1, 1]} : vector<4x1024xi32> to vector<2x1024xi32>
    %gt3A_452 = arith.cmpf ogt, %slice3A_448, %slice3A_449 : vector<2x1024xf32>
    %eq3A_453 = arith.cmpf oeq, %slice3A_448, %slice3A_449 : vector<2x1024xf32>
    %lt3A_454 = arith.cmpi slt, %slice3A_450, %slice3A_451 : vector<2x1024xi32>
    %and3A_455 = arith.andi %eq3A_453, %lt3A_454 : vector<2x1024xi1>
    %or3A_456 = arith.ori %gt3A_452, %and3A_455 : vector<2x1024xi1>
    %select_n3A_457 = arith.select %or3A_456, %slice3A_448, %slice3A_449 : vector<2x1024xi1>, vector<2x1024xf32>
    %select_n3A_458 = arith.select %or3A_456, %slice3A_450, %slice3A_451 : vector<2x1024xi1>, vector<2x1024xi32>
    %slice3A_459 = vector.extract_strided_slice %select_n3A_457 {offsets = [0, 0], sizes = [1, 1024], strides = [1, 1]} : vector<2x1024xf32> to vector<1x1024xf32>
    %slice3A_460 = vector.extract_strided_slice %select_n3A_457 {offsets = [1, 0], sizes = [1, 1024], strides = [1, 1]} : vector<2x1024xf32> to vector<1x1024xf32>
    %slice3A_461 = vector.extract_strided_slice %select_n3A_458 {offsets = [0, 0], sizes = [1, 1024], strides = [1, 1]} : vector<2x1024xi32> to vector<1x1024xi32>
    %slice3A_462 = vector.extract_strided_slice %select_n3A_458 {offsets = [1, 0], sizes = [1, 1024], strides = [1, 1]} : vector<2x1024xi32> to vector<1x1024xi32>
    %gt3A_463 = arith.cmpf ogt, %slice3A_459, %slice3A_460 : vector<1x1024xf32>
    %eq3A_464 = arith.cmpf oeq, %slice3A_459, %slice3A_460 : vector<1x1024xf32>
    %lt3A_465 = arith.cmpi slt, %slice3A_461, %slice3A_462 : vector<1x1024xi32>
    %and3A_466 = arith.andi %eq3A_464, %lt3A_465 : vector<1x1024xi1>
    %or3A_467 = arith.ori %gt3A_463, %and3A_466 : vector<1x1024xi1>
    %select_n3A_468 = arith.select %or3A_467, %slice3A_461, %slice3A_462 : vector<1x1024xi1>, vector<1x1024xi32>
    %swap3A = arith.constant 0 : index
    %swap3A_469 = arith.constant 0 : index
    %swap3A_470 = arith.constant 0 : index
    %swap3A_471 = vector.load %arg3[%swap3A, %swap3A_469, %swap3A_470] : memref<4x1x1024xi32, #tpu.memory_space<vmem>>, vector<1x1x1024xi32>
    %swap3A_472 = vector.shape_cast %swap3A_471 : vector<1x1x1024xi32> to vector<1x1024xi32>
    %swap3A_473 = vector.shape_cast %select_n3A_468 : vector<1x1024xi32> to vector<1x1x1024xi32>
    tpu.vector_store %arg3[%swap3A, %swap3A_469, %swap3A_470], %swap3A_473 {strides = array<i32>} : memref<4x1x1024xi32, #tpu.memory_space<vmem>>, vector<1x1x1024xi32>,
    %get3A_474 = arith.constant 1 : index
    %get3A_475 = arith.constant 0 : index
    %get3A_476 = arith.constant 0 : index
    %get3A_477 = vector.load %arg1[%get3A_474, %get3A_475, %get3A_476] : memref<4x64x1024xf32, #tpu.memory_space<vmem>>, vector<1x64x1024xf32>
    %get3A_478 = vector.shape_cast %get3A_477 : vector<1x64x1024xf32> to vector<64x1024xf32>
    %mul3A_479 = arith.mulf %get3A_478, %get3A_478 : vector<64x1024xf32>
    %reduce_sum3A_480 = arith.constant dense<0.000000e+00> : vector<1024xf32>
    %reduce_sum3A_481 = vector.multi_reduction <add>, %mul3A_479, %reduce_sum3A_480 [0] : vector<64x1024xf32> to vector<1024xf32>
    %broadcast_in_dim3A_482 = vector.shape_cast %reduce_sum3A_481 : vector<1024xf32> to vector<1x1024xf32>
    %sqrt3A_483 = math.sqrt %broadcast_in_dim3A_482 : vector<1x1024xf32>
    %max3A_484 = arith.constant 9.99999996E-13 : f32
    %max3A_485 = vector.broadcast %max3A_484 : f32 to vector<1x1024xf32>
    %max3A_486 = arith.maximumf %sqrt3A_483, %max3A_485 : vector<1x1024xf32>
    %div3A_487 = vector.broadcast %max3A_486 : vector<1x1024xf32> to vector<64x1024xf32>
    %div3A_488 = arith.divf %get3A_478, %div3A_487 : vector<64x1024xf32>
    %get3A_489 = arith.constant 0 : index
    %get3A_490 = arith.constant 0 : index
    %get3A_491 = vector.load %arg2[%get3A_489, %get3A_490] : memref<8192x64xf32, #tpu.memory_space<vmem>>, vector<2048x64xf32>
    %dot_general3A_492 = arith.constant dense<0.000000e+00> : vector<2048x1024xf32>
    %dot_general3A_493 = tpu.matmul %get3A_491, %div3A_488, %dot_general3A_492 {dimension_numbers = #tpu.dot_dimension_numbers<[1], [0], [0], [1], [0, 0, 1, 1], [], []>, transpose_lhs_hint = false} : vector<2048x64xf32>, vector<64x1024xf32>, vector<2048x1024xf32> -> vector<2048x1024xf32>
    %get3A_494 = arith.constant 2048 : index
    %get3A_495 = arith.constant 0 : index
    %get3A_496 = vector.load %arg2[%get3A_494, %get3A_495] : memref<8192x64xf32, #tpu.memory_space<vmem>>, vector<2048x64xf32>
    %dot_general3A_497 = arith.constant dense<0.000000e+00> : vector<2048x1024xf32>
    %dot_general3A_498 = tpu.matmul %get3A_496, %div3A_488, %dot_general3A_497 {dimension_numbers = #tpu.dot_dimension_numbers<[1], [0], [0], [1], [0, 0, 1, 1], [], []>, transpose_lhs_hint = false} : vector<2048x64xf32>, vector<64x1024xf32>, vector<2048x1024xf32> -> vector<2048x1024xf32>
    %reshape3A_499 = vector.shape_cast %dot_general3A_493 : vector<2048x1024xf32> to vector<128x16x1024xf32>
    %slice3A_500 = vector.extract_strided_slice %reshape3A_499 {offsets = [0, 0, 0], sizes = [128, 8, 1024], strides = [1, 1, 1]} : vector<128x16x1024xf32> to vector<128x8x1024xf32>
    %slice3A_501 = vector.extract_strided_slice %reshape3A_499 {offsets = [0, 8, 0], sizes = [128, 8, 1024], strides = [1, 1, 1]} : vector<128x16x1024xf32> to vector<128x8x1024xf32>
    %ge3A_502 = arith.cmpf oge, %slice3A_500, %slice3A_501 : vector<128x8x1024xf32>
    %select_n3A_503 = arith.select %ge3A_502, %slice3A_500, %slice3A_501 : vector<128x8x1024xi1>, vector<128x8x1024xf32>
    %jit3A_504 = arith.constant 0 : i32
    %jit3A_505 = arith.constant 1 : i32
    %broadcast_in_dim3A_506 = vector.broadcast %jit3A_504 : i32 to vector<128x8x1024xi32>
    %broadcast_in_dim3A_507 = vector.broadcast %jit3A_505 : i32 to vector<128x8x1024xi32>
    %select_n3A_508 = arith.select %ge3A_502, %broadcast_in_dim3A_506, %broadcast_in_dim3A_507 : vector<128x8x1024xi1>, vector<128x8x1024xi32>
    %reshape3A_509 = vector.shape_cast %select_n3A_503 : vector<128x8x1024xf32> to vector<64x16x1024xf32>
    %reshape3A_510 = vector.shape_cast %select_n3A_508 : vector<128x8x1024xi32> to vector<64x16x1024xi32>
    %slice3A_511 = vector.extract_strided_slice %reshape3A_509 {offsets = [0, 0, 0], sizes = [64, 8, 1024], strides = [1, 1, 1]} : vector<64x16x1024xf32> to vector<64x8x1024xf32>
    %slice3A_512 = vector.extract_strided_slice %reshape3A_509 {offsets = [0, 8, 0], sizes = [64, 8, 1024], strides = [1, 1, 1]} : vector<64x16x1024xf32> to vector<64x8x1024xf32>
    %slice3A_513 = vector.extract_strided_slice %reshape3A_510 {offsets = [0, 0, 0], sizes = [64, 8, 1024], strides = [1, 1, 1]} : vector<64x16x1024xi32> to vector<64x8x1024xi32>
    %slice3A_514 = vector.extract_strided_slice %reshape3A_510 {offsets = [0, 8, 0], sizes = [64, 8, 1024], strides = [1, 1, 1]} : vector<64x16x1024xi32> to vector<64x8x1024xi32>
    %ge3A_515 = arith.cmpf oge, %slice3A_511, %slice3A_512 : vector<64x8x1024xf32>
    %select_n3A_516 = arith.select %ge3A_515, %slice3A_511, %slice3A_512 : vector<64x8x1024xi1>, vector<64x8x1024xf32>
    %add3A_517 = arith.constant 2 : i32
    %add3A_518 = vector.broadcast %add3A_517 : i32 to vector<64x8x1024xi32>
    %add3A_519 = arith.addi %slice3A_514, %add3A_518 : vector<64x8x1024xi32>
    %select_n3A_520 = arith.select %ge3A_515, %slice3A_513, %add3A_519 : vector<64x8x1024xi1>, vector<64x8x1024xi32>
    %reshape3A_521 = vector.shape_cast %select_n3A_516 : vector<64x8x1024xf32> to vector<32x16x1024xf32>
    %reshape3A_522 = vector.shape_cast %select_n3A_520 : vector<64x8x1024xi32> to vector<32x16x1024xi32>
    %slice3A_523 = vector.extract_strided_slice %reshape3A_521 {offsets = [0, 0, 0], sizes = [32, 8, 1024], strides = [1, 1, 1]} : vector<32x16x1024xf32> to vector<32x8x1024xf32>
    %slice3A_524 = vector.extract_strided_slice %reshape3A_521 {offsets = [0, 8, 0], sizes = [32, 8, 1024], strides = [1, 1, 1]} : vector<32x16x1024xf32> to vector<32x8x1024xf32>
    %slice3A_525 = vector.extract_strided_slice %reshape3A_522 {offsets = [0, 0, 0], sizes = [32, 8, 1024], strides = [1, 1, 1]} : vector<32x16x1024xi32> to vector<32x8x1024xi32>
    %slice3A_526 = vector.extract_strided_slice %reshape3A_522 {offsets = [0, 8, 0], sizes = [32, 8, 1024], strides = [1, 1, 1]} : vector<32x16x1024xi32> to vector<32x8x1024xi32>
    %ge3A_527 = arith.cmpf oge, %slice3A_523, %slice3A_524 : vector<32x8x1024xf32>
    %select_n3A_528 = arith.select %ge3A_527, %slice3A_523, %slice3A_524 : vector<32x8x1024xi1>, vector<32x8x1024xf32>
    %add3A_529 = arith.constant 4 : i32
    %add3A_530 = vector.broadcast %add3A_529 : i32 to vector<32x8x1024xi32>
    %add3A_531 = arith.addi %slice3A_526, %add3A_530 : vector<32x8x1024xi32>
    %select_n3A_532 = arith.select %ge3A_527, %slice3A_525, %add3A_531 : vector<32x8x1024xi1>, vector<32x8x1024xi32>
    %reshape3A_533 = vector.shape_cast %select_n3A_528 : vector<32x8x1024xf32> to vector<16x16x1024xf32>
    %reshape3A_534 = vector.shape_cast %select_n3A_532 : vector<32x8x1024xi32> to vector<16x16x1024xi32>
    %slice3A_535 = vector.extract_strided_slice %reshape3A_533 {offsets = [0, 0, 0], sizes = [16, 8, 1024], strides = [1, 1, 1]} : vector<16x16x1024xf32> to vector<16x8x1024xf32>
    %slice3A_536 = vector.extract_strided_slice %reshape3A_533 {offsets = [0, 8, 0], sizes = [16, 8, 1024], strides = [1, 1, 1]} : vector<16x16x1024xf32> to vector<16x8x1024xf32>
    %slice3A_537 = vector.extract_strided_slice %reshape3A_534 {offsets = [0, 0, 0], sizes = [16, 8, 1024], strides = [1, 1, 1]} : vector<16x16x1024xi32> to vector<16x8x1024xi32>
    %slice3A_538 = vector.extract_strided_slice %reshape3A_534 {offsets = [0, 8, 0], sizes = [16, 8, 1024], strides = [1, 1, 1]} : vector<16x16x1024xi32> to vector<16x8x1024xi32>
    %ge3A_539 = arith.cmpf oge, %slice3A_535, %slice3A_536 : vector<16x8x1024xf32>
    %select_n3A_540 = arith.select %ge3A_539, %slice3A_535, %slice3A_536 : vector<16x8x1024xi1>, vector<16x8x1024xf32>
    %add3A_541 = arith.constant 8 : i32
    %add3A_542 = vector.broadcast %add3A_541 : i32 to vector<16x8x1024xi32>
    %add3A_543 = arith.addi %slice3A_538, %add3A_542 : vector<16x8x1024xi32>
    %select_n3A_544 = arith.select %ge3A_539, %slice3A_537, %add3A_543 : vector<16x8x1024xi1>, vector<16x8x1024xi32>
    %reshape3A_545 = vector.shape_cast %select_n3A_540 : vector<16x8x1024xf32> to vector<8x16x1024xf32>
    %reshape3A_546 = vector.shape_cast %select_n3A_544 : vector<16x8x1024xi32> to vector<8x16x1024xi32>
    %slice3A_547 = vector.extract_strided_slice %reshape3A_545 {offsets = [0, 0, 0], sizes = [8, 8, 1024], strides = [1, 1, 1]} : vector<8x16x1024xf32> to vector<8x8x1024xf32>
    %slice3A_548 = vector.extract_strided_slice %reshape3A_545 {offsets = [0, 8, 0], sizes = [8, 8, 1024], strides = [1, 1, 1]} : vector<8x16x1024xf32> to vector<8x8x1024xf32>
    %slice3A_549 = vector.extract_strided_slice %reshape3A_546 {offsets = [0, 0, 0], sizes = [8, 8, 1024], strides = [1, 1, 1]} : vector<8x16x1024xi32> to vector<8x8x1024xi32>
    %slice3A_550 = vector.extract_strided_slice %reshape3A_546 {offsets = [0, 8, 0], sizes = [8, 8, 1024], strides = [1, 1, 1]} : vector<8x16x1024xi32> to vector<8x8x1024xi32>
    %ge3A_551 = arith.cmpf oge, %slice3A_547, %slice3A_548 : vector<8x8x1024xf32>
    %select_n3A_552 = arith.select %ge3A_551, %slice3A_547, %slice3A_548 : vector<8x8x1024xi1>, vector<8x8x1024xf32>
    %add3A_553 = arith.constant 16 : i32
    %add3A_554 = vector.broadcast %add3A_553 : i32 to vector<8x8x1024xi32>
    %add3A_555 = arith.addi %slice3A_550, %add3A_554 : vector<8x8x1024xi32>
    %select_n3A_556 = arith.select %ge3A_551, %slice3A_549, %add3A_555 : vector<8x8x1024xi1>, vector<8x8x1024xi32>
    %reshape3A_557 = vector.shape_cast %select_n3A_552 : vector<8x8x1024xf32> to vector<4x16x1024xf32>
    %reshape3A_558 = vector.shape_cast %select_n3A_556 : vector<8x8x1024xi32> to vector<4x16x1024xi32>
    %slice3A_559 = vector.extract_strided_slice %reshape3A_557 {offsets = [0, 0, 0], sizes = [4, 8, 1024], strides = [1, 1, 1]} : vector<4x16x1024xf32> to vector<4x8x1024xf32>
    %slice3A_560 = vector.extract_strided_slice %reshape3A_557 {offsets = [0, 8, 0], sizes = [4, 8, 1024], strides = [1, 1, 1]} : vector<4x16x1024xf32> to vector<4x8x1024xf32>
    %slice3A_561 = vector.extract_strided_slice %reshape3A_558 {offsets = [0, 0, 0], sizes = [4, 8, 1024], strides = [1, 1, 1]} : vector<4x16x1024xi32> to vector<4x8x1024xi32>
    %slice3A_562 = vector.extract_strided_slice %reshape3A_558 {offsets = [0, 8, 0], sizes = [4, 8, 1024], strides = [1, 1, 1]} : vector<4x16x1024xi32> to vector<4x8x1024xi32>
    %ge3A_563 = arith.cmpf oge, %slice3A_559, %slice3A_560 : vector<4x8x1024xf32>
    %select_n3A_564 = arith.select %ge3A_563, %slice3A_559, %slice3A_560 : vector<4x8x1024xi1>, vector<4x8x1024xf32>
    %add3A_565 = arith.constant 32 : i32
    %add3A_566 = vector.broadcast %add3A_565 : i32 to vector<4x8x1024xi32>
    %add3A_567 = arith.addi %slice3A_562, %add3A_566 : vector<4x8x1024xi32>
    %select_n3A_568 = arith.select %ge3A_563, %slice3A_561, %add3A_567 : vector<4x8x1024xi1>, vector<4x8x1024xi32>
    %reshape3A_569 = vector.shape_cast %select_n3A_564 : vector<4x8x1024xf32> to vector<2x16x1024xf32>
    %reshape3A_570 = vector.shape_cast %select_n3A_568 : vector<4x8x1024xi32> to vector<2x16x1024xi32>
    %slice3A_571 = vector.extract_strided_slice %reshape3A_569 {offsets = [0, 0, 0], sizes = [2, 8, 1024], strides = [1, 1, 1]} : vector<2x16x1024xf32> to vector<2x8x1024xf32>
    %slice3A_572 = vector.extract_strided_slice %reshape3A_569 {offsets = [0, 8, 0], sizes = [2, 8, 1024], strides = [1, 1, 1]} : vector<2x16x1024xf32> to vector<2x8x1024xf32>
    %slice3A_573 = vector.extract_strided_slice %reshape3A_570 {offsets = [0, 0, 0], sizes = [2, 8, 1024], strides = [1, 1, 1]} : vector<2x16x1024xi32> to vector<2x8x1024xi32>
    %slice3A_574 = vector.extract_strided_slice %reshape3A_570 {offsets = [0, 8, 0], sizes = [2, 8, 1024], strides = [1, 1, 1]} : vector<2x16x1024xi32> to vector<2x8x1024xi32>
    %ge3A_575 = arith.cmpf oge, %slice3A_571, %slice3A_572 : vector<2x8x1024xf32>
    %select_n3A_576 = arith.select %ge3A_575, %slice3A_571, %slice3A_572 : vector<2x8x1024xi1>, vector<2x8x1024xf32>
    %add3A_577 = arith.constant 64 : i32
    %add3A_578 = vector.broadcast %add3A_577 : i32 to vector<2x8x1024xi32>
    %add3A_579 = arith.addi %slice3A_574, %add3A_578 : vector<2x8x1024xi32>
    %select_n3A_580 = arith.select %ge3A_575, %slice3A_573, %add3A_579 : vector<2x8x1024xi1>, vector<2x8x1024xi32>
    %reshape3A_581 = vector.shape_cast %select_n3A_576 : vector<2x8x1024xf32> to vector<1x16x1024xf32>
    %reshape3A_582 = vector.shape_cast %select_n3A_580 : vector<2x8x1024xi32> to vector<1x16x1024xi32>
    %slice3A_583 = vector.extract_strided_slice %reshape3A_581 {offsets = [0, 0, 0], sizes = [1, 8, 1024], strides = [1, 1, 1]} : vector<1x16x1024xf32> to vector<1x8x1024xf32>
    %slice3A_584 = vector.extract_strided_slice %reshape3A_581 {offsets = [0, 8, 0], sizes = [1, 8, 1024], strides = [1, 1, 1]} : vector<1x16x1024xf32> to vector<1x8x1024xf32>
    %slice3A_585 = vector.extract_strided_slice %reshape3A_582 {offsets = [0, 0, 0], sizes = [1, 8, 1024], strides = [1, 1, 1]} : vector<1x16x1024xi32> to vector<1x8x1024xi32>
    %slice3A_586 = vector.extract_strided_slice %reshape3A_582 {offsets = [0, 8, 0], sizes = [1, 8, 1024], strides = [1, 1, 1]} : vector<1x16x1024xi32> to vector<1x8x1024xi32>
    %ge3A_587 = arith.cmpf oge, %slice3A_583, %slice3A_584 : vector<1x8x1024xf32>
    %select_n3A_588 = arith.select %ge3A_587, %slice3A_583, %slice3A_584 : vector<1x8x1024xi1>, vector<1x8x1024xf32>
    %add3A_589 = arith.constant 128 : i32
    %add3A_590 = vector.broadcast %add3A_589 : i32 to vector<1x8x1024xi32>
    %add3A_591 = arith.addi %slice3A_586, %add3A_590 : vector<1x8x1024xi32>
    %select_n3A_592 = arith.select %ge3A_587, %slice3A_585, %add3A_591 : vector<1x8x1024xi1>, vector<1x8x1024xi32>
    %reshape3A_593 = vector.shape_cast %select_n3A_588 : vector<1x8x1024xf32> to vector<8x1024xf32>
    %reshape3A_594 = vector.shape_cast %select_n3A_592 : vector<1x8x1024xi32> to vector<8x1024xi32>
    %mul3A_595 = arith.constant 8 : i32
    %mul3A_596 = vector.broadcast %mul3A_595 : i32 to vector<8x1024xi32>
    %mul3A_597 = arith.muli %reshape3A_594, %mul3A_596 : vector<8x1024xi32>
    %add3A_598 = arith.constant 0 : i32
    %add3A_599 = vector.broadcast %add3A_598 : i32 to vector<8x1024xi32>
    %add3A_600 = arith.addi %mul3A_597, %add3A_599 : vector<8x1024xi32>
    %get3A_601 = arith.constant 4096 : index
    %get3A_602 = arith.constant 0 : index
    %get3A_603 = vector.load %arg2[%get3A_601, %get3A_602] : memref<8192x64xf32, #tpu.memory_space<vmem>>, vector<2048x64xf32>
    %dot_general3A_604 = arith.constant dense<0.000000e+00> : vector<2048x1024xf32>
    %dot_general3A_605 = tpu.matmul %get3A_603, %div3A_488, %dot_general3A_604 {dimension_numbers = #tpu.dot_dimension_numbers<[1], [0], [0], [1], [0, 0, 1, 1], [], []>, transpose_lhs_hint = false} : vector<2048x64xf32>, vector<64x1024xf32>, vector<2048x1024xf32> -> vector<2048x1024xf32>
    %reshape3A_606 = vector.shape_cast %dot_general3A_498 : vector<2048x1024xf32> to vector<128x16x1024xf32>
    %slice3A_607 = vector.extract_strided_slice %reshape3A_606 {offsets = [0, 0, 0], sizes = [128, 8, 1024], strides = [1, 1, 1]} : vector<128x16x1024xf32> to vector<128x8x1024xf32>
    %slice3A_608 = vector.extract_strided_slice %reshape3A_606 {offsets = [0, 8, 0], sizes = [128, 8, 1024], strides = [1, 1, 1]} : vector<128x16x1024xf32> to vector<128x8x1024xf32>
    %ge3A_609 = arith.cmpf oge, %slice3A_607, %slice3A_608 : vector<128x8x1024xf32>
    %select_n3A_610 = arith.select %ge3A_609, %slice3A_607, %slice3A_608 : vector<128x8x1024xi1>, vector<128x8x1024xf32>
    %jit3A_611 = arith.constant 0 : i32
    %jit3A_612 = arith.constant 1 : i32
    %broadcast_in_dim3A_613 = vector.broadcast %jit3A_611 : i32 to vector<128x8x1024xi32>
    %broadcast_in_dim3A_614 = vector.broadcast %jit3A_612 : i32 to vector<128x8x1024xi32>
    %select_n3A_615 = arith.select %ge3A_609, %broadcast_in_dim3A_613, %broadcast_in_dim3A_614 : vector<128x8x1024xi1>, vector<128x8x1024xi32>
    %reshape3A_616 = vector.shape_cast %select_n3A_610 : vector<128x8x1024xf32> to vector<64x16x1024xf32>
    %reshape3A_617 = vector.shape_cast %select_n3A_615 : vector<128x8x1024xi32> to vector<64x16x1024xi32>
    %slice3A_618 = vector.extract_strided_slice %reshape3A_616 {offsets = [0, 0, 0], sizes = [64, 8, 1024], strides = [1, 1, 1]} : vector<64x16x1024xf32> to vector<64x8x1024xf32>
    %slice3A_619 = vector.extract_strided_slice %reshape3A_616 {offsets = [0, 8, 0], sizes = [64, 8, 1024], strides = [1, 1, 1]} : vector<64x16x1024xf32> to vector<64x8x1024xf32>
    %slice3A_620 = vector.extract_strided_slice %reshape3A_617 {offsets = [0, 0, 0], sizes = [64, 8, 1024], strides = [1, 1, 1]} : vector<64x16x1024xi32> to vector<64x8x1024xi32>
    %slice3A_621 = vector.extract_strided_slice %reshape3A_617 {offsets = [0, 8, 0], sizes = [64, 8, 1024], strides = [1, 1, 1]} : vector<64x16x1024xi32> to vector<64x8x1024xi32>
    %ge3A_622 = arith.cmpf oge, %slice3A_618, %slice3A_619 : vector<64x8x1024xf32>
    %select_n3A_623 = arith.select %ge3A_622, %slice3A_618, %slice3A_619 : vector<64x8x1024xi1>, vector<64x8x1024xf32>
    %add3A_624 = arith.constant 2 : i32
    %add3A_625 = vector.broadcast %add3A_624 : i32 to vector<64x8x1024xi32>
    %add3A_626 = arith.addi %slice3A_621, %add3A_625 : vector<64x8x1024xi32>
    %select_n3A_627 = arith.select %ge3A_622, %slice3A_620, %add3A_626 : vector<64x8x1024xi1>, vector<64x8x1024xi32>
    %reshape3A_628 = vector.shape_cast %select_n3A_623 : vector<64x8x1024xf32> to vector<32x16x1024xf32>
    %reshape3A_629 = vector.shape_cast %select_n3A_627 : vector<64x8x1024xi32> to vector<32x16x1024xi32>
    %slice3A_630 = vector.extract_strided_slice %reshape3A_628 {offsets = [0, 0, 0], sizes = [32, 8, 1024], strides = [1, 1, 1]} : vector<32x16x1024xf32> to vector<32x8x1024xf32>
    %slice3A_631 = vector.extract_strided_slice %reshape3A_628 {offsets = [0, 8, 0], sizes = [32, 8, 1024], strides = [1, 1, 1]} : vector<32x16x1024xf32> to vector<32x8x1024xf32>
    %slice3A_632 = vector.extract_strided_slice %reshape3A_629 {offsets = [0, 0, 0], sizes = [32, 8, 1024], strides = [1, 1, 1]} : vector<32x16x1024xi32> to vector<32x8x1024xi32>
    %slice3A_633 = vector.extract_strided_slice %reshape3A_629 {offsets = [0, 8, 0], sizes = [32, 8, 1024], strides = [1, 1, 1]} : vector<32x16x1024xi32> to vector<32x8x1024xi32>
    %ge3A_634 = arith.cmpf oge, %slice3A_630, %slice3A_631 : vector<32x8x1024xf32>
    %select_n3A_635 = arith.select %ge3A_634, %slice3A_630, %slice3A_631 : vector<32x8x1024xi1>, vector<32x8x1024xf32>
    %add3A_636 = arith.constant 4 : i32
    %add3A_637 = vector.broadcast %add3A_636 : i32 to vector<32x8x1024xi32>
    %add3A_638 = arith.addi %slice3A_633, %add3A_637 : vector<32x8x1024xi32>
    %select_n3A_639 = arith.select %ge3A_634, %slice3A_632, %add3A_638 : vector<32x8x1024xi1>, vector<32x8x1024xi32>
    %reshape3A_640 = vector.shape_cast %select_n3A_635 : vector<32x8x1024xf32> to vector<16x16x1024xf32>
    %reshape3A_641 = vector.shape_cast %select_n3A_639 : vector<32x8x1024xi32> to vector<16x16x1024xi32>
    %slice3A_642 = vector.extract_strided_slice %reshape3A_640 {offsets = [0, 0, 0], sizes = [16, 8, 1024], strides = [1, 1, 1]} : vector<16x16x1024xf32> to vector<16x8x1024xf32>
    %slice3A_643 = vector.extract_strided_slice %reshape3A_640 {offsets = [0, 8, 0], sizes = [16, 8, 1024], strides = [1, 1, 1]} : vector<16x16x1024xf32> to vector<16x8x1024xf32>
    %slice3A_644 = vector.extract_strided_slice %reshape3A_641 {offsets = [0, 0, 0], sizes = [16, 8, 1024], strides = [1, 1, 1]} : vector<16x16x1024xi32> to vector<16x8x1024xi32>
    %slice3A_645 = vector.extract_strided_slice %reshape3A_641 {offsets = [0, 8, 0], sizes = [16, 8, 1024], strides = [1, 1, 1]} : vector<16x16x1024xi32> to vector<16x8x1024xi32>
    %ge3A_646 = arith.cmpf oge, %slice3A_642, %slice3A_643 : vector<16x8x1024xf32>
    %select_n3A_647 = arith.select %ge3A_646, %slice3A_642, %slice3A_643 : vector<16x8x1024xi1>, vector<16x8x1024xf32>
    %add3A_648 = arith.constant 8 : i32
    %add3A_649 = vector.broadcast %add3A_648 : i32 to vector<16x8x1024xi32>
    %add3A_650 = arith.addi %slice3A_645, %add3A_649 : vector<16x8x1024xi32>
    %select_n3A_651 = arith.select %ge3A_646, %slice3A_644, %add3A_650 : vector<16x8x1024xi1>, vector<16x8x1024xi32>
    %reshape3A_652 = vector.shape_cast %select_n3A_647 : vector<16x8x1024xf32> to vector<8x16x1024xf32>
    %reshape3A_653 = vector.shape_cast %select_n3A_651 : vector<16x8x1024xi32> to vector<8x16x1024xi32>
    %slice3A_654 = vector.extract_strided_slice %reshape3A_652 {offsets = [0, 0, 0], sizes = [8, 8, 1024], strides = [1, 1, 1]} : vector<8x16x1024xf32> to vector<8x8x1024xf32>
    %slice3A_655 = vector.extract_strided_slice %reshape3A_652 {offsets = [0, 8, 0], sizes = [8, 8, 1024], strides = [1, 1, 1]} : vector<8x16x1024xf32> to vector<8x8x1024xf32>
    %slice3A_656 = vector.extract_strided_slice %reshape3A_653 {offsets = [0, 0, 0], sizes = [8, 8, 1024], strides = [1, 1, 1]} : vector<8x16x1024xi32> to vector<8x8x1024xi32>
    %slice3A_657 = vector.extract_strided_slice %reshape3A_653 {offsets = [0, 8, 0], sizes = [8, 8, 1024], strides = [1, 1, 1]} : vector<8x16x1024xi32> to vector<8x8x1024xi32>
    %ge3A_658 = arith.cmpf oge, %slice3A_654, %slice3A_655 : vector<8x8x1024xf32>
    %select_n3A_659 = arith.select %ge3A_658, %slice3A_654, %slice3A_655 : vector<8x8x1024xi1>, vector<8x8x1024xf32>
    %add3A_660 = arith.constant 16 : i32
    %add3A_661 = vector.broadcast %add3A_660 : i32 to vector<8x8x1024xi32>
    %add3A_662 = arith.addi %slice3A_657, %add3A_661 : vector<8x8x1024xi32>
    %select_n3A_663 = arith.select %ge3A_658, %slice3A_656, %add3A_662 : vector<8x8x1024xi1>, vector<8x8x1024xi32>
    %reshape3A_664 = vector.shape_cast %select_n3A_659 : vector<8x8x1024xf32> to vector<4x16x1024xf32>
    %reshape3A_665 = vector.shape_cast %select_n3A_663 : vector<8x8x1024xi32> to vector<4x16x1024xi32>
    %slice3A_666 = vector.extract_strided_slice %reshape3A_664 {offsets = [0, 0, 0], sizes = [4, 8, 1024], strides = [1, 1, 1]} : vector<4x16x1024xf32> to vector<4x8x1024xf32>
    %slice3A_667 = vector.extract_strided_slice %reshape3A_664 {offsets = [0, 8, 0], sizes = [4, 8, 1024], strides = [1, 1, 1]} : vector<4x16x1024xf32> to vector<4x8x1024xf32>
    %slice3A_668 = vector.extract_strided_slice %reshape3A_665 {offsets = [0, 0, 0], sizes = [4, 8, 1024], strides = [1, 1, 1]} : vector<4x16x1024xi32> to vector<4x8x1024xi32>
    %slice3A_669 = vector.extract_strided_slice %reshape3A_665 {offsets = [0, 8, 0], sizes = [4, 8, 1024], strides = [1, 1, 1]} : vector<4x16x1024xi32> to vector<4x8x1024xi32>
    %ge3A_670 = arith.cmpf oge, %slice3A_666, %slice3A_667 : vector<4x8x1024xf32>
    %select_n3A_671 = arith.select %ge3A_670, %slice3A_666, %slice3A_667 : vector<4x8x1024xi1>, vector<4x8x1024xf32>
    %add3A_672 = arith.constant 32 : i32
    %add3A_673 = vector.broadcast %add3A_672 : i32 to vector<4x8x1024xi32>
    %add3A_674 = arith.addi %slice3A_669, %add3A_673 : vector<4x8x1024xi32>
    %select_n3A_675 = arith.select %ge3A_670, %slice3A_668, %add3A_674 : vector<4x8x1024xi1>, vector<4x8x1024xi32>
    %reshape3A_676 = vector.shape_cast %select_n3A_671 : vector<4x8x1024xf32> to vector<2x16x1024xf32>
    %reshape3A_677 = vector.shape_cast %select_n3A_675 : vector<4x8x1024xi32> to vector<2x16x1024xi32>
    %slice3A_678 = vector.extract_strided_slice %reshape3A_676 {offsets = [0, 0, 0], sizes = [2, 8, 1024], strides = [1, 1, 1]} : vector<2x16x1024xf32> to vector<2x8x1024xf32>
    %slice3A_679 = vector.extract_strided_slice %reshape3A_676 {offsets = [0, 8, 0], sizes = [2, 8, 1024], strides = [1, 1, 1]} : vector<2x16x1024xf32> to vector<2x8x1024xf32>
    %slice3A_680 = vector.extract_strided_slice %reshape3A_677 {offsets = [0, 0, 0], sizes = [2, 8, 1024], strides = [1, 1, 1]} : vector<2x16x1024xi32> to vector<2x8x1024xi32>
    %slice3A_681 = vector.extract_strided_slice %reshape3A_677 {offsets = [0, 8, 0], sizes = [2, 8, 1024], strides = [1, 1, 1]} : vector<2x16x1024xi32> to vector<2x8x1024xi32>
    %ge3A_682 = arith.cmpf oge, %slice3A_678, %slice3A_679 : vector<2x8x1024xf32>
    %select_n3A_683 = arith.select %ge3A_682, %slice3A_678, %slice3A_679 : vector<2x8x1024xi1>, vector<2x8x1024xf32>
    %add3A_684 = arith.constant 64 : i32
    %add3A_685 = vector.broadcast %add3A_684 : i32 to vector<2x8x1024xi32>
    %add3A_686 = arith.addi %slice3A_681, %add3A_685 : vector<2x8x1024xi32>
    %select_n3A_687 = arith.select %ge3A_682, %slice3A_680, %add3A_686 : vector<2x8x1024xi1>, vector<2x8x1024xi32>
    %reshape3A_688 = vector.shape_cast %select_n3A_683 : vector<2x8x1024xf32> to vector<1x16x1024xf32>
    %reshape3A_689 = vector.shape_cast %select_n3A_687 : vector<2x8x1024xi32> to vector<1x16x1024xi32>
    %slice3A_690 = vector.extract_strided_slice %reshape3A_688 {offsets = [0, 0, 0], sizes = [1, 8, 1024], strides = [1, 1, 1]} : vector<1x16x1024xf32> to vector<1x8x1024xf32>
    %slice3A_691 = vector.extract_strided_slice %reshape3A_688 {offsets = [0, 8, 0], sizes = [1, 8, 1024], strides = [1, 1, 1]} : vector<1x16x1024xf32> to vector<1x8x1024xf32>
    %slice3A_692 = vector.extract_strided_slice %reshape3A_689 {offsets = [0, 0, 0], sizes = [1, 8, 1024], strides = [1, 1, 1]} : vector<1x16x1024xi32> to vector<1x8x1024xi32>
    %slice3A_693 = vector.extract_strided_slice %reshape3A_689 {offsets = [0, 8, 0], sizes = [1, 8, 1024], strides = [1, 1, 1]} : vector<1x16x1024xi32> to vector<1x8x1024xi32>
    %ge3A_694 = arith.cmpf oge, %slice3A_690, %slice3A_691 : vector<1x8x1024xf32>
    %select_n3A_695 = arith.select %ge3A_694, %slice3A_690, %slice3A_691 : vector<1x8x1024xi1>, vector<1x8x1024xf32>
    %add3A_696 = arith.constant 128 : i32
    %add3A_697 = vector.broadcast %add3A_696 : i32 to vector<1x8x1024xi32>
    %add3A_698 = arith.addi %slice3A_693, %add3A_697 : vector<1x8x1024xi32>
    %select_n3A_699 = arith.select %ge3A_694, %slice3A_692, %add3A_698 : vector<1x8x1024xi1>, vector<1x8x1024xi32>
    %reshape3A_700 = vector.shape_cast %select_n3A_695 : vector<1x8x1024xf32> to vector<8x1024xf32>
    %reshape3A_701 = vector.shape_cast %select_n3A_699 : vector<1x8x1024xi32> to vector<8x1024xi32>
    %mul3A_702 = arith.constant 8 : i32
    %mul3A_703 = vector.broadcast %mul3A_702 : i32 to vector<8x1024xi32>
    %mul3A_704 = arith.muli %reshape3A_701, %mul3A_703 : vector<8x1024xi32>
    %add3A_705 = arith.constant 2048 : i32
    %add3A_706 = vector.broadcast %add3A_705 : i32 to vector<8x1024xi32>
    %add3A_707 = arith.addi %mul3A_704, %add3A_706 : vector<8x1024xi32>
    %get3A_708 = arith.constant 6144 : index
    %get3A_709 = arith.constant 0 : index
    %get3A_710 = vector.load %arg2[%get3A_708, %get3A_709] : memref<8192x64xf32, #tpu.memory_space<vmem>>, vector<2048x64xf32>
    %dot_general3A_711 = arith.constant dense<0.000000e+00> : vector<2048x1024xf32>
    %dot_general3A_712 = tpu.matmul %get3A_710, %div3A_488, %dot_general3A_711 {dimension_numbers = #tpu.dot_dimension_numbers<[1], [0], [0], [1], [0, 0, 1, 1], [], []>, transpose_lhs_hint = false} : vector<2048x64xf32>, vector<64x1024xf32>, vector<2048x1024xf32> -> vector<2048x1024xf32>
    %reshape3A_713 = vector.shape_cast %dot_general3A_605 : vector<2048x1024xf32> to vector<128x16x1024xf32>
    %slice3A_714 = vector.extract_strided_slice %reshape3A_713 {offsets = [0, 0, 0], sizes = [128, 8, 1024], strides = [1, 1, 1]} : vector<128x16x1024xf32> to vector<128x8x1024xf32>
    %slice3A_715 = vector.extract_strided_slice %reshape3A_713 {offsets = [0, 8, 0], sizes = [128, 8, 1024], strides = [1, 1, 1]} : vector<128x16x1024xf32> to vector<128x8x1024xf32>
    %ge3A_716 = arith.cmpf oge, %slice3A_714, %slice3A_715 : vector<128x8x1024xf32>
    %select_n3A_717 = arith.select %ge3A_716, %slice3A_714, %slice3A_715 : vector<128x8x1024xi1>, vector<128x8x1024xf32>
    %jit3A_718 = arith.constant 0 : i32
    %jit3A_719 = arith.constant 1 : i32
    %broadcast_in_dim3A_720 = vector.broadcast %jit3A_718 : i32 to vector<128x8x1024xi32>
    %broadcast_in_dim3A_721 = vector.broadcast %jit3A_719 : i32 to vector<128x8x1024xi32>
    %select_n3A_722 = arith.select %ge3A_716, %broadcast_in_dim3A_720, %broadcast_in_dim3A_721 : vector<128x8x1024xi1>, vector<128x8x1024xi32>
    %reshape3A_723 = vector.shape_cast %select_n3A_717 : vector<128x8x1024xf32> to vector<64x16x1024xf32>
    %reshape3A_724 = vector.shape_cast %select_n3A_722 : vector<128x8x1024xi32> to vector<64x16x1024xi32>
    %slice3A_725 = vector.extract_strided_slice %reshape3A_723 {offsets = [0, 0, 0], sizes = [64, 8, 1024], strides = [1, 1, 1]} : vector<64x16x1024xf32> to vector<64x8x1024xf32>
    %slice3A_726 = vector.extract_strided_slice %reshape3A_723 {offsets = [0, 8, 0], sizes = [64, 8, 1024], strides = [1, 1, 1]} : vector<64x16x1024xf32> to vector<64x8x1024xf32>
    %slice3A_727 = vector.extract_strided_slice %reshape3A_724 {offsets = [0, 0, 0], sizes = [64, 8, 1024], strides = [1, 1, 1]} : vector<64x16x1024xi32> to vector<64x8x1024xi32>
    %slice3A_728 = vector.extract_strided_slice %reshape3A_724 {offsets = [0, 8, 0], sizes = [64, 8, 1024], strides = [1, 1, 1]} : vector<64x16x1024xi32> to vector<64x8x1024xi32>
    %ge3A_729 = arith.cmpf oge, %slice3A_725, %slice3A_726 : vector<64x8x1024xf32>
    %select_n3A_730 = arith.select %ge3A_729, %slice3A_725, %slice3A_726 : vector<64x8x1024xi1>, vector<64x8x1024xf32>
    %add3A_731 = arith.constant 2 : i32
    %add3A_732 = vector.broadcast %add3A_731 : i32 to vector<64x8x1024xi32>
    %add3A_733 = arith.addi %slice3A_728, %add3A_732 : vector<64x8x1024xi32>
    %select_n3A_734 = arith.select %ge3A_729, %slice3A_727, %add3A_733 : vector<64x8x1024xi1>, vector<64x8x1024xi32>
    %reshape3A_735 = vector.shape_cast %select_n3A_730 : vector<64x8x1024xf32> to vector<32x16x1024xf32>
    %reshape3A_736 = vector.shape_cast %select_n3A_734 : vector<64x8x1024xi32> to vector<32x16x1024xi32>
    %slice3A_737 = vector.extract_strided_slice %reshape3A_735 {offsets = [0, 0, 0], sizes = [32, 8, 1024], strides = [1, 1, 1]} : vector<32x16x1024xf32> to vector<32x8x1024xf32>
    %slice3A_738 = vector.extract_strided_slice %reshape3A_735 {offsets = [0, 8, 0], sizes = [32, 8, 1024], strides = [1, 1, 1]} : vector<32x16x1024xf32> to vector<32x8x1024xf32>
    %slice3A_739 = vector.extract_strided_slice %reshape3A_736 {offsets = [0, 0, 0], sizes = [32, 8, 1024], strides = [1, 1, 1]} : vector<32x16x1024xi32> to vector<32x8x1024xi32>
    %slice3A_740 = vector.extract_strided_slice %reshape3A_736 {offsets = [0, 8, 0], sizes = [32, 8, 1024], strides = [1, 1, 1]} : vector<32x16x1024xi32> to vector<32x8x1024xi32>
    %ge3A_741 = arith.cmpf oge, %slice3A_737, %slice3A_738 : vector<32x8x1024xf32>
    %select_n3A_742 = arith.select %ge3A_741, %slice3A_737, %slice3A_738 : vector<32x8x1024xi1>, vector<32x8x1024xf32>
    %add3A_743 = arith.constant 4 : i32
    %add3A_744 = vector.broadcast %add3A_743 : i32 to vector<32x8x1024xi32>
    %add3A_745 = arith.addi %slice3A_740, %add3A_744 : vector<32x8x1024xi32>
    %select_n3A_746 = arith.select %ge3A_741, %slice3A_739, %add3A_745 : vector<32x8x1024xi1>, vector<32x8x1024xi32>
    %reshape3A_747 = vector.shape_cast %select_n3A_742 : vector<32x8x1024xf32> to vector<16x16x1024xf32>
    %reshape3A_748 = vector.shape_cast %select_n3A_746 : vector<32x8x1024xi32> to vector<16x16x1024xi32>
    %slice3A_749 = vector.extract_strided_slice %reshape3A_747 {offsets = [0, 0, 0], sizes = [16, 8, 1024], strides = [1, 1, 1]} : vector<16x16x1024xf32> to vector<16x8x1024xf32>
    %slice3A_750 = vector.extract_strided_slice %reshape3A_747 {offsets = [0, 8, 0], sizes = [16, 8, 1024], strides = [1, 1, 1]} : vector<16x16x1024xf32> to vector<16x8x1024xf32>
    %slice3A_751 = vector.extract_strided_slice %reshape3A_748 {offsets = [0, 0, 0], sizes = [16, 8, 1024], strides = [1, 1, 1]} : vector<16x16x1024xi32> to vector<16x8x1024xi32>
    %slice3A_752 = vector.extract_strided_slice %reshape3A_748 {offsets = [0, 8, 0], sizes = [16, 8, 1024], strides = [1, 1, 1]} : vector<16x16x1024xi32> to vector<16x8x1024xi32>
    %ge3A_753 = arith.cmpf oge, %slice3A_749, %slice3A_750 : vector<16x8x1024xf32>
    %select_n3A_754 = arith.select %ge3A_753, %slice3A_749, %slice3A_750 : vector<16x8x1024xi1>, vector<16x8x1024xf32>
    %add3A_755 = arith.constant 8 : i32
    %add3A_756 = vector.broadcast %add3A_755 : i32 to vector<16x8x1024xi32>
    %add3A_757 = arith.addi %slice3A_752, %add3A_756 : vector<16x8x1024xi32>
    %select_n3A_758 = arith.select %ge3A_753, %slice3A_751, %add3A_757 : vector<16x8x1024xi1>, vector<16x8x1024xi32>
    %reshape3A_759 = vector.shape_cast %select_n3A_754 : vector<16x8x1024xf32> to vector<8x16x1024xf32>
    %reshape3A_760 = vector.shape_cast %select_n3A_758 : vector<16x8x1024xi32> to vector<8x16x1024xi32>
    %slice3A_761 = vector.extract_strided_slice %reshape3A_759 {offsets = [0, 0, 0], sizes = [8, 8, 1024], strides = [1, 1, 1]} : vector<8x16x1024xf32> to vector<8x8x1024xf32>
    %slice3A_762 = vector.extract_strided_slice %reshape3A_759 {offsets = [0, 8, 0], sizes = [8, 8, 1024], strides = [1, 1, 1]} : vector<8x16x1024xf32> to vector<8x8x1024xf32>
    %slice3A_763 = vector.extract_strided_slice %reshape3A_760 {offsets = [0, 0, 0], sizes = [8, 8, 1024], strides = [1, 1, 1]} : vector<8x16x1024xi32> to vector<8x8x1024xi32>
    %slice3A_764 = vector.extract_strided_slice %reshape3A_760 {offsets = [0, 8, 0], sizes = [8, 8, 1024], strides = [1, 1, 1]} : vector<8x16x1024xi32> to vector<8x8x1024xi32>
    %ge3A_765 = arith.cmpf oge, %slice3A_761, %slice3A_762 : vector<8x8x1024xf32>
    %select_n3A_766 = arith.select %ge3A_765, %slice3A_761, %slice3A_762 : vector<8x8x1024xi1>, vector<8x8x1024xf32>
    %add3A_767 = arith.constant 16 : i32
    %add3A_768 = vector.broadcast %add3A_767 : i32 to vector<8x8x1024xi32>
    %add3A_769 = arith.addi %slice3A_764, %add3A_768 : vector<8x8x1024xi32>
    %select_n3A_770 = arith.select %ge3A_765, %slice3A_763, %add3A_769 : vector<8x8x1024xi1>, vector<8x8x1024xi32>
    %reshape3A_771 = vector.shape_cast %select_n3A_766 : vector<8x8x1024xf32> to vector<4x16x1024xf32>
    %reshape3A_772 = vector.shape_cast %select_n3A_770 : vector<8x8x1024xi32> to vector<4x16x1024xi32>
    %slice3A_773 = vector.extract_strided_slice %reshape3A_771 {offsets = [0, 0, 0], sizes = [4, 8, 1024], strides = [1, 1, 1]} : vector<4x16x1024xf32> to vector<4x8x1024xf32>
    %slice3A_774 = vector.extract_strided_slice %reshape3A_771 {offsets = [0, 8, 0], sizes = [4, 8, 1024], strides = [1, 1, 1]} : vector<4x16x1024xf32> to vector<4x8x1024xf32>
    %slice3A_775 = vector.extract_strided_slice %reshape3A_772 {offsets = [0, 0, 0], sizes = [4, 8, 1024], strides = [1, 1, 1]} : vector<4x16x1024xi32> to vector<4x8x1024xi32>
    %slice3A_776 = vector.extract_strided_slice %reshape3A_772 {offsets = [0, 8, 0], sizes = [4, 8, 1024], strides = [1, 1, 1]} : vector<4x16x1024xi32> to vector<4x8x1024xi32>
    %ge3A_777 = arith.cmpf oge, %slice3A_773, %slice3A_774 : vector<4x8x1024xf32>
    %select_n3A_778 = arith.select %ge3A_777, %slice3A_773, %slice3A_774 : vector<4x8x1024xi1>, vector<4x8x1024xf32>
    %add3A_779 = arith.constant 32 : i32
    %add3A_780 = vector.broadcast %add3A_779 : i32 to vector<4x8x1024xi32>
    %add3A_781 = arith.addi %slice3A_776, %add3A_780 : vector<4x8x1024xi32>
    %select_n3A_782 = arith.select %ge3A_777, %slice3A_775, %add3A_781 : vector<4x8x1024xi1>, vector<4x8x1024xi32>
    %reshape3A_783 = vector.shape_cast %select_n3A_778 : vector<4x8x1024xf32> to vector<2x16x1024xf32>
    %reshape3A_784 = vector.shape_cast %select_n3A_782 : vector<4x8x1024xi32> to vector<2x16x1024xi32>
    %slice3A_785 = vector.extract_strided_slice %reshape3A_783 {offsets = [0, 0, 0], sizes = [2, 8, 1024], strides = [1, 1, 1]} : vector<2x16x1024xf32> to vector<2x8x1024xf32>
    %slice3A_786 = vector.extract_strided_slice %reshape3A_783 {offsets = [0, 8, 0], sizes = [2, 8, 1024], strides = [1, 1, 1]} : vector<2x16x1024xf32> to vector<2x8x1024xf32>
    %slice3A_787 = vector.extract_strided_slice %reshape3A_784 {offsets = [0, 0, 0], sizes = [2, 8, 1024], strides = [1, 1, 1]} : vector<2x16x1024xi32> to vector<2x8x1024xi32>
    %slice3A_788 = vector.extract_strided_slice %reshape3A_784 {offsets = [0, 8, 0], sizes = [2, 8, 1024], strides = [1, 1, 1]} : vector<2x16x1024xi32> to vector<2x8x1024xi32>
    %ge3A_789 = arith.cmpf oge, %slice3A_785, %slice3A_786 : vector<2x8x1024xf32>
    %select_n3A_790 = arith.select %ge3A_789, %slice3A_785, %slice3A_786 : vector<2x8x1024xi1>, vector<2x8x1024xf32>
    %add3A_791 = arith.constant 64 : i32
    %add3A_792 = vector.broadcast %add3A_791 : i32 to vector<2x8x1024xi32>
    %add3A_793 = arith.addi %slice3A_788, %add3A_792 : vector<2x8x1024xi32>
    %select_n3A_794 = arith.select %ge3A_789, %slice3A_787, %add3A_793 : vector<2x8x1024xi1>, vector<2x8x1024xi32>
    %reshape3A_795 = vector.shape_cast %select_n3A_790 : vector<2x8x1024xf32> to vector<1x16x1024xf32>
    %reshape3A_796 = vector.shape_cast %select_n3A_794 : vector<2x8x1024xi32> to vector<1x16x1024xi32>
    %slice3A_797 = vector.extract_strided_slice %reshape3A_795 {offsets = [0, 0, 0], sizes = [1, 8, 1024], strides = [1, 1, 1]} : vector<1x16x1024xf32> to vector<1x8x1024xf32>
    %slice3A_798 = vector.extract_strided_slice %reshape3A_795 {offsets = [0, 8, 0], sizes = [1, 8, 1024], strides = [1, 1, 1]} : vector<1x16x1024xf32> to vector<1x8x1024xf32>
    %slice3A_799 = vector.extract_strided_slice %reshape3A_796 {offsets = [0, 0, 0], sizes = [1, 8, 1024], strides = [1, 1, 1]} : vector<1x16x1024xi32> to vector<1x8x1024xi32>
    %slice3A_800 = vector.extract_strided_slice %reshape3A_796 {offsets = [0, 8, 0], sizes = [1, 8, 1024], strides = [1, 1, 1]} : vector<1x16x1024xi32> to vector<1x8x1024xi32>
    %ge3A_801 = arith.cmpf oge, %slice3A_797, %slice3A_798 : vector<1x8x1024xf32>
    %select_n3A_802 = arith.select %ge3A_801, %slice3A_797, %slice3A_798 : vector<1x8x1024xi1>, vector<1x8x1024xf32>
    %add3A_803 = arith.constant 128 : i32
    %add3A_804 = vector.broadcast %add3A_803 : i32 to vector<1x8x1024xi32>
    %add3A_805 = arith.addi %slice3A_800, %add3A_804 : vector<1x8x1024xi32>
    %select_n3A_806 = arith.select %ge3A_801, %slice3A_799, %add3A_805 : vector<1x8x1024xi1>, vector<1x8x1024xi32>
    %reshape3A_807 = vector.shape_cast %select_n3A_802 : vector<1x8x1024xf32> to vector<8x1024xf32>
    %reshape3A_808 = vector.shape_cast %select_n3A_806 : vector<1x8x1024xi32> to vector<8x1024xi32>
    %mul3A_809 = arith.constant 8 : i32
    %mul3A_810 = vector.broadcast %mul3A_809 : i32 to vector<8x1024xi32>
    %mul3A_811 = arith.muli %reshape3A_808, %mul3A_810 : vector<8x1024xi32>
    %add3A_812 = arith.constant 4096 : i32
    %add3A_813 = vector.broadcast %add3A_812 : i32 to vector<8x1024xi32>
    %add3A_814 = arith.addi %mul3A_811, %add3A_813 : vector<8x1024xi32>
    %reshape3A_815 = vector.shape_cast %dot_general3A_712 : vector<2048x1024xf32> to vector<128x16x1024xf32>
    %slice3A_816 = vector.extract_strided_slice %reshape3A_815 {offsets = [0, 0, 0], sizes = [128, 8, 1024], strides = [1, 1, 1]} : vector<128x16x1024xf32> to vector<128x8x1024xf32>
    %slice3A_817 = vector.extract_strided_slice %reshape3A_815 {offsets = [0, 8, 0], sizes = [128, 8, 1024], strides = [1, 1, 1]} : vector<128x16x1024xf32> to vector<128x8x1024xf32>
    %ge3A_818 = arith.cmpf oge, %slice3A_816, %slice3A_817 : vector<128x8x1024xf32>
    %select_n3A_819 = arith.select %ge3A_818, %slice3A_816, %slice3A_817 : vector<128x8x1024xi1>, vector<128x8x1024xf32>
    %jit3A_820 = arith.constant 0 : i32
    %jit3A_821 = arith.constant 1 : i32
    %broadcast_in_dim3A_822 = vector.broadcast %jit3A_820 : i32 to vector<128x8x1024xi32>
    %broadcast_in_dim3A_823 = vector.broadcast %jit3A_821 : i32 to vector<128x8x1024xi32>
    %select_n3A_824 = arith.select %ge3A_818, %broadcast_in_dim3A_822, %broadcast_in_dim3A_823 : vector<128x8x1024xi1>, vector<128x8x1024xi32>
    %reshape3A_825 = vector.shape_cast %select_n3A_819 : vector<128x8x1024xf32> to vector<64x16x1024xf32>
    %reshape3A_826 = vector.shape_cast %select_n3A_824 : vector<128x8x1024xi32> to vector<64x16x1024xi32>
    %slice3A_827 = vector.extract_strided_slice %reshape3A_825 {offsets = [0, 0, 0], sizes = [64, 8, 1024], strides = [1, 1, 1]} : vector<64x16x1024xf32> to vector<64x8x1024xf32>
    %slice3A_828 = vector.extract_strided_slice %reshape3A_825 {offsets = [0, 8, 0], sizes = [64, 8, 1024], strides = [1, 1, 1]} : vector<64x16x1024xf32> to vector<64x8x1024xf32>
    %slice3A_829 = vector.extract_strided_slice %reshape3A_826 {offsets = [0, 0, 0], sizes = [64, 8, 1024], strides = [1, 1, 1]} : vector<64x16x1024xi32> to vector<64x8x1024xi32>
    %slice3A_830 = vector.extract_strided_slice %reshape3A_826 {offsets = [0, 8, 0], sizes = [64, 8, 1024], strides = [1, 1, 1]} : vector<64x16x1024xi32> to vector<64x8x1024xi32>
    %ge3A_831 = arith.cmpf oge, %slice3A_827, %slice3A_828 : vector<64x8x1024xf32>
    %select_n3A_832 = arith.select %ge3A_831, %slice3A_827, %slice3A_828 : vector<64x8x1024xi1>, vector<64x8x1024xf32>
    %add3A_833 = arith.constant 2 : i32
    %add3A_834 = vector.broadcast %add3A_833 : i32 to vector<64x8x1024xi32>
    %add3A_835 = arith.addi %slice3A_830, %add3A_834 : vector<64x8x1024xi32>
    %select_n3A_836 = arith.select %ge3A_831, %slice3A_829, %add3A_835 : vector<64x8x1024xi1>, vector<64x8x1024xi32>
    %reshape3A_837 = vector.shape_cast %select_n3A_832 : vector<64x8x1024xf32> to vector<32x16x1024xf32>
    %reshape3A_838 = vector.shape_cast %select_n3A_836 : vector<64x8x1024xi32> to vector<32x16x1024xi32>
    %slice3A_839 = vector.extract_strided_slice %reshape3A_837 {offsets = [0, 0, 0], sizes = [32, 8, 1024], strides = [1, 1, 1]} : vector<32x16x1024xf32> to vector<32x8x1024xf32>
    %slice3A_840 = vector.extract_strided_slice %reshape3A_837 {offsets = [0, 8, 0], sizes = [32, 8, 1024], strides = [1, 1, 1]} : vector<32x16x1024xf32> to vector<32x8x1024xf32>
    %slice3A_841 = vector.extract_strided_slice %reshape3A_838 {offsets = [0, 0, 0], sizes = [32, 8, 1024], strides = [1, 1, 1]} : vector<32x16x1024xi32> to vector<32x8x1024xi32>
    %slice3A_842 = vector.extract_strided_slice %reshape3A_838 {offsets = [0, 8, 0], sizes = [32, 8, 1024], strides = [1, 1, 1]} : vector<32x16x1024xi32> to vector<32x8x1024xi32>
    %ge3A_843 = arith.cmpf oge, %slice3A_839, %slice3A_840 : vector<32x8x1024xf32>
    %select_n3A_844 = arith.select %ge3A_843, %slice3A_839, %slice3A_840 : vector<32x8x1024xi1>, vector<32x8x1024xf32>
    %add3A_845 = arith.constant 4 : i32
    %add3A_846 = vector.broadcast %add3A_845 : i32 to vector<32x8x1024xi32>
    %add3A_847 = arith.addi %slice3A_842, %add3A_846 : vector<32x8x1024xi32>
    %select_n3A_848 = arith.select %ge3A_843, %slice3A_841, %add3A_847 : vector<32x8x1024xi1>, vector<32x8x1024xi32>
    %reshape3A_849 = vector.shape_cast %select_n3A_844 : vector<32x8x1024xf32> to vector<16x16x1024xf32>
    %reshape3A_850 = vector.shape_cast %select_n3A_848 : vector<32x8x1024xi32> to vector<16x16x1024xi32>
    %slice3A_851 = vector.extract_strided_slice %reshape3A_849 {offsets = [0, 0, 0], sizes = [16, 8, 1024], strides = [1, 1, 1]} : vector<16x16x1024xf32> to vector<16x8x1024xf32>
    %slice3A_852 = vector.extract_strided_slice %reshape3A_849 {offsets = [0, 8, 0], sizes = [16, 8, 1024], strides = [1, 1, 1]} : vector<16x16x1024xf32> to vector<16x8x1024xf32>
    %slice3A_853 = vector.extract_strided_slice %reshape3A_850 {offsets = [0, 0, 0], sizes = [16, 8, 1024], strides = [1, 1, 1]} : vector<16x16x1024xi32> to vector<16x8x1024xi32>
    %slice3A_854 = vector.extract_strided_slice %reshape3A_850 {offsets = [0, 8, 0], sizes = [16, 8, 1024], strides = [1, 1, 1]} : vector<16x16x1024xi32> to vector<16x8x1024xi32>
    %ge3A_855 = arith.cmpf oge, %slice3A_851, %slice3A_852 : vector<16x8x1024xf32>
    %select_n3A_856 = arith.select %ge3A_855, %slice3A_851, %slice3A_852 : vector<16x8x1024xi1>, vector<16x8x1024xf32>
    %add3A_857 = arith.constant 8 : i32
    %add3A_858 = vector.broadcast %add3A_857 : i32 to vector<16x8x1024xi32>
    %add3A_859 = arith.addi %slice3A_854, %add3A_858 : vector<16x8x1024xi32>
    %select_n3A_860 = arith.select %ge3A_855, %slice3A_853, %add3A_859 : vector<16x8x1024xi1>, vector<16x8x1024xi32>
    %reshape3A_861 = vector.shape_cast %select_n3A_856 : vector<16x8x1024xf32> to vector<8x16x1024xf32>
    %reshape3A_862 = vector.shape_cast %select_n3A_860 : vector<16x8x1024xi32> to vector<8x16x1024xi32>
    %slice3A_863 = vector.extract_strided_slice %reshape3A_861 {offsets = [0, 0, 0], sizes = [8, 8, 1024], strides = [1, 1, 1]} : vector<8x16x1024xf32> to vector<8x8x1024xf32>
    %slice3A_864 = vector.extract_strided_slice %reshape3A_861 {offsets = [0, 8, 0], sizes = [8, 8, 1024], strides = [1, 1, 1]} : vector<8x16x1024xf32> to vector<8x8x1024xf32>
    %slice3A_865 = vector.extract_strided_slice %reshape3A_862 {offsets = [0, 0, 0], sizes = [8, 8, 1024], strides = [1, 1, 1]} : vector<8x16x1024xi32> to vector<8x8x1024xi32>
    %slice3A_866 = vector.extract_strided_slice %reshape3A_862 {offsets = [0, 8, 0], sizes = [8, 8, 1024], strides = [1, 1, 1]} : vector<8x16x1024xi32> to vector<8x8x1024xi32>
    %ge3A_867 = arith.cmpf oge, %slice3A_863, %slice3A_864 : vector<8x8x1024xf32>
    %select_n3A_868 = arith.select %ge3A_867, %slice3A_863, %slice3A_864 : vector<8x8x1024xi1>, vector<8x8x1024xf32>
    %add3A_869 = arith.constant 16 : i32
    %add3A_870 = vector.broadcast %add3A_869 : i32 to vector<8x8x1024xi32>
    %add3A_871 = arith.addi %slice3A_866, %add3A_870 : vector<8x8x1024xi32>
    %select_n3A_872 = arith.select %ge3A_867, %slice3A_865, %add3A_871 : vector<8x8x1024xi1>, vector<8x8x1024xi32>
    %reshape3A_873 = vector.shape_cast %select_n3A_868 : vector<8x8x1024xf32> to vector<4x16x1024xf32>
    %reshape3A_874 = vector.shape_cast %select_n3A_872 : vector<8x8x1024xi32> to vector<4x16x1024xi32>
    %slice3A_875 = vector.extract_strided_slice %reshape3A_873 {offsets = [0, 0, 0], sizes = [4, 8, 1024], strides = [1, 1, 1]} : vector<4x16x1024xf32> to vector<4x8x1024xf32>
    %slice3A_876 = vector.extract_strided_slice %reshape3A_873 {offsets = [0, 8, 0], sizes = [4, 8, 1024], strides = [1, 1, 1]} : vector<4x16x1024xf32> to vector<4x8x1024xf32>
    %slice3A_877 = vector.extract_strided_slice %reshape3A_874 {offsets = [0, 0, 0], sizes = [4, 8, 1024], strides = [1, 1, 1]} : vector<4x16x1024xi32> to vector<4x8x1024xi32>
    %slice3A_878 = vector.extract_strided_slice %reshape3A_874 {offsets = [0, 8, 0], sizes = [4, 8, 1024], strides = [1, 1, 1]} : vector<4x16x1024xi32> to vector<4x8x1024xi32>
    %ge3A_879 = arith.cmpf oge, %slice3A_875, %slice3A_876 : vector<4x8x1024xf32>
    %select_n3A_880 = arith.select %ge3A_879, %slice3A_875, %slice3A_876 : vector<4x8x1024xi1>, vector<4x8x1024xf32>
    %add3A_881 = arith.constant 32 : i32
    %add3A_882 = vector.broadcast %add3A_881 : i32 to vector<4x8x1024xi32>
    %add3A_883 = arith.addi %slice3A_878, %add3A_882 : vector<4x8x1024xi32>
    %select_n3A_884 = arith.select %ge3A_879, %slice3A_877, %add3A_883 : vector<4x8x1024xi1>, vector<4x8x1024xi32>
    %reshape3A_885 = vector.shape_cast %select_n3A_880 : vector<4x8x1024xf32> to vector<2x16x1024xf32>
    %reshape3A_886 = vector.shape_cast %select_n3A_884 : vector<4x8x1024xi32> to vector<2x16x1024xi32>
    %slice3A_887 = vector.extract_strided_slice %reshape3A_885 {offsets = [0, 0, 0], sizes = [2, 8, 1024], strides = [1, 1, 1]} : vector<2x16x1024xf32> to vector<2x8x1024xf32>
    %slice3A_888 = vector.extract_strided_slice %reshape3A_885 {offsets = [0, 8, 0], sizes = [2, 8, 1024], strides = [1, 1, 1]} : vector<2x16x1024xf32> to vector<2x8x1024xf32>
    %slice3A_889 = vector.extract_strided_slice %reshape3A_886 {offsets = [0, 0, 0], sizes = [2, 8, 1024], strides = [1, 1, 1]} : vector<2x16x1024xi32> to vector<2x8x1024xi32>
    %slice3A_890 = vector.extract_strided_slice %reshape3A_886 {offsets = [0, 8, 0], sizes = [2, 8, 1024], strides = [1, 1, 1]} : vector<2x16x1024xi32> to vector<2x8x1024xi32>
    %ge3A_891 = arith.cmpf oge, %slice3A_887, %slice3A_888 : vector<2x8x1024xf32>
    %select_n3A_892 = arith.select %ge3A_891, %slice3A_887, %slice3A_888 : vector<2x8x1024xi1>, vector<2x8x1024xf32>
    %add3A_893 = arith.constant 64 : i32
    %add3A_894 = vector.broadcast %add3A_893 : i32 to vector<2x8x1024xi32>
    %add3A_895 = arith.addi %slice3A_890, %add3A_894 : vector<2x8x1024xi32>
    %select_n3A_896 = arith.select %ge3A_891, %slice3A_889, %add3A_895 : vector<2x8x1024xi1>, vector<2x8x1024xi32>
    %reshape3A_897 = vector.shape_cast %select_n3A_892 : vector<2x8x1024xf32> to vector<1x16x1024xf32>
    %reshape3A_898 = vector.shape_cast %select_n3A_896 : vector<2x8x1024xi32> to vector<1x16x1024xi32>
    %slice3A_899 = vector.extract_strided_slice %reshape3A_897 {offsets = [0, 0, 0], sizes = [1, 8, 1024], strides = [1, 1, 1]} : vector<1x16x1024xf32> to vector<1x8x1024xf32>
    %slice3A_900 = vector.extract_strided_slice %reshape3A_897 {offsets = [0, 8, 0], sizes = [1, 8, 1024], strides = [1, 1, 1]} : vector<1x16x1024xf32> to vector<1x8x1024xf32>
    %slice3A_901 = vector.extract_strided_slice %reshape3A_898 {offsets = [0, 0, 0], sizes = [1, 8, 1024], strides = [1, 1, 1]} : vector<1x16x1024xi32> to vector<1x8x1024xi32>
    %slice3A_902 = vector.extract_strided_slice %reshape3A_898 {offsets = [0, 8, 0], sizes = [1, 8, 1024], strides = [1, 1, 1]} : vector<1x16x1024xi32> to vector<1x8x1024xi32>
    %ge3A_903 = arith.cmpf oge, %slice3A_899, %slice3A_900 : vector<1x8x1024xf32>
    %select_n3A_904 = arith.select %ge3A_903, %slice3A_899, %slice3A_900 : vector<1x8x1024xi1>, vector<1x8x1024xf32>
    %add3A_905 = arith.constant 128 : i32
    %add3A_906 = vector.broadcast %add3A_905 : i32 to vector<1x8x1024xi32>
    %add3A_907 = arith.addi %slice3A_902, %add3A_906 : vector<1x8x1024xi32>
    %select_n3A_908 = arith.select %ge3A_903, %slice3A_901, %add3A_907 : vector<1x8x1024xi1>, vector<1x8x1024xi32>
    %reshape3A_909 = vector.shape_cast %select_n3A_904 : vector<1x8x1024xf32> to vector<8x1024xf32>
    %reshape3A_910 = vector.shape_cast %select_n3A_908 : vector<1x8x1024xi32> to vector<8x1024xi32>
    %mul3A_911 = arith.constant 8 : i32
    %mul3A_912 = vector.broadcast %mul3A_911 : i32 to vector<8x1024xi32>
    %mul3A_913 = arith.muli %reshape3A_910, %mul3A_912 : vector<8x1024xi32>
    %add3A_914 = arith.constant 6144 : i32
    %add3A_915 = vector.broadcast %add3A_914 : i32 to vector<8x1024xi32>
    %add3A_916 = arith.addi %mul3A_913, %add3A_915 : vector<8x1024xi32>
    %iota3A_917 = tpu.iota {dimensions = array<i32: 0>} : vector<8x1024xi32>
    %add3A_918 = arith.addi %add3A_600, %iota3A_917 : vector<8x1024xi32>
    %add3A_919 = arith.addi %add3A_707, %iota3A_917 : vector<8x1024xi32>
    %ge3A_920 = arith.cmpf oge, %reshape3A_593, %reshape3A_700 : vector<8x1024xf32>
    %select_n3A_921 = arith.select %ge3A_920, %reshape3A_593, %reshape3A_700 : vector<8x1024xi1>, vector<8x1024xf32>
    %select_n3A_922 = arith.select %ge3A_920, %add3A_918, %add3A_919 : vector<8x1024xi1>, vector<8x1024xi32>
    %add3A_923 = arith.addi %add3A_814, %iota3A_917 : vector<8x1024xi32>
    %ge3A_924 = arith.cmpf oge, %select_n3A_921, %reshape3A_807 : vector<8x1024xf32>
    %select_n3A_925 = arith.select %ge3A_924, %select_n3A_921, %reshape3A_807 : vector<8x1024xi1>, vector<8x1024xf32>
    %select_n3A_926 = arith.select %ge3A_924, %select_n3A_922, %add3A_923 : vector<8x1024xi1>, vector<8x1024xi32>
    %add3A_927 = arith.addi %add3A_916, %iota3A_917 : vector<8x1024xi32>
    %ge3A_928 = arith.cmpf oge, %select_n3A_925, %reshape3A_909 : vector<8x1024xf32>
    %select_n3A_929 = arith.select %ge3A_928, %select_n3A_925, %reshape3A_909 : vector<8x1024xi1>, vector<8x1024xf32>
    %select_n3A_930 = arith.select %ge3A_928, %select_n3A_926, %add3A_927 : vector<8x1024xi1>, vector<8x1024xi32>
    %slice3A_931 = vector.extract_strided_slice %select_n3A_929 {offsets = [0, 0], sizes = [4, 1024], strides = [1, 1]} : vector<8x1024xf32> to vector<4x1024xf32>
    %slice3A_932 = vector.extract_strided_slice %select_n3A_929 {offsets = [4, 0], sizes = [4, 1024], strides = [1, 1]} : vector<8x1024xf32> to vector<4x1024xf32>
    %slice3A_933 = vector.extract_strided_slice %select_n3A_930 {offsets = [0, 0], sizes = [4, 1024], strides = [1, 1]} : vector<8x1024xi32> to vector<4x1024xi32>
    %slice3A_934 = vector.extract_strided_slice %select_n3A_930 {offsets = [4, 0], sizes = [4, 1024], strides = [1, 1]} : vector<8x1024xi32> to vector<4x1024xi32>
    %gt3A_935 = arith.cmpf ogt, %slice3A_931, %slice3A_932 : vector<4x1024xf32>
    %eq3A_936 = arith.cmpf oeq, %slice3A_931, %slice3A_932 : vector<4x1024xf32>
    %lt3A_937 = arith.cmpi slt, %slice3A_933, %slice3A_934 : vector<4x1024xi32>
    %and3A_938 = arith.andi %eq3A_936, %lt3A_937 : vector<4x1024xi1>
    %or3A_939 = arith.ori %gt3A_935, %and3A_938 : vector<4x1024xi1>
    %select_n3A_940 = arith.select %or3A_939, %slice3A_931, %slice3A_932 : vector<4x1024xi1>, vector<4x1024xf32>
    %select_n3A_941 = arith.select %or3A_939, %slice3A_933, %slice3A_934 : vector<4x1024xi1>, vector<4x1024xi32>
    %slice3A_942 = vector.extract_strided_slice %select_n3A_940 {offsets = [0, 0], sizes = [2, 1024], strides = [1, 1]} : vector<4x1024xf32> to vector<2x1024xf32>
    %slice3A_943 = vector.extract_strided_slice %select_n3A_940 {offsets = [2, 0], sizes = [2, 1024], strides = [1, 1]} : vector<4x1024xf32> to vector<2x1024xf32>
    %slice3A_944 = vector.extract_strided_slice %select_n3A_941 {offsets = [0, 0], sizes = [2, 1024], strides = [1, 1]} : vector<4x1024xi32> to vector<2x1024xi32>
    %slice3A_945 = vector.extract_strided_slice %select_n3A_941 {offsets = [2, 0], sizes = [2, 1024], strides = [1, 1]} : vector<4x1024xi32> to vector<2x1024xi32>
    %gt3A_946 = arith.cmpf ogt, %slice3A_942, %slice3A_943 : vector<2x1024xf32>
    %eq3A_947 = arith.cmpf oeq, %slice3A_942, %slice3A_943 : vector<2x1024xf32>
    %lt3A_948 = arith.cmpi slt, %slice3A_944, %slice3A_945 : vector<2x1024xi32>
    %and3A_949 = arith.andi %eq3A_947, %lt3A_948 : vector<2x1024xi1>
    %or3A_950 = arith.ori %gt3A_946, %and3A_949 : vector<2x1024xi1>
    %select_n3A_951 = arith.select %or3A_950, %slice3A_942, %slice3A_943 : vector<2x1024xi1>, vector<2x1024xf32>
    %select_n3A_952 = arith.select %or3A_950, %slice3A_944, %slice3A_945 : vector<2x1024xi1>, vector<2x1024xi32>
    %slice3A_953 = vector.extract_strided_slice %select_n3A_951 {offsets = [0, 0], sizes = [1, 1024], strides = [1, 1]} : vector<2x1024xf32> to vector<1x1024xf32>
    %slice3A_954 = vector.extract_strided_slice %select_n3A_951 {offsets = [1, 0], sizes = [1, 1024], strides = [1, 1]} : vector<2x1024xf32> to vector<1x1024xf32>
    %slice3A_955 = vector.extract_strided_slice %select_n3A_952 {offsets = [0, 0], sizes = [1, 1024], strides = [1, 1]} : vector<2x1024xi32> to vector<1x1024xi32>
    %slice3A_956 = vector.extract_strided_slice %select_n3A_952 {offsets = [1, 0], sizes = [1, 1024], strides = [1, 1]} : vector<2x1024xi32> to vector<1x1024xi32>
    %gt3A_957 = arith.cmpf ogt, %slice3A_953, %slice3A_954 : vector<1x1024xf32>
    %eq3A_958 = arith.cmpf oeq, %slice3A_953, %slice3A_954 : vector<1x1024xf32>
    %lt3A_959 = arith.cmpi slt, %slice3A_955, %slice3A_956 : vector<1x1024xi32>
    %and3A_960 = arith.andi %eq3A_958, %lt3A_959 : vector<1x1024xi1>
    %or3A_961 = arith.ori %gt3A_957, %and3A_960 : vector<1x1024xi1>
    %select_n3A_962 = arith.select %or3A_961, %slice3A_955, %slice3A_956 : vector<1x1024xi1>, vector<1x1024xi32>
    %swap3A_963 = arith.constant 1 : index
    %swap3A_964 = arith.constant 0 : index
    %swap3A_965 = arith.constant 0 : index
    %swap3A_966 = vector.load %arg3[%swap3A_963, %swap3A_964, %swap3A_965] : memref<4x1x1024xi32, #tpu.memory_space<vmem>>, vector<1x1x1024xi32>
    %swap3A_967 = vector.shape_cast %swap3A_966 : vector<1x1x1024xi32> to vector<1x1024xi32>
    %swap3A_968 = vector.shape_cast %select_n3A_962 : vector<1x1024xi32> to vector<1x1x1024xi32>
    tpu.vector_store %arg3[%swap3A_963, %swap3A_964, %swap3A_965], %swap3A_968 {strides = array<i32>} : memref<4x1x1024xi32, #tpu.memory_space<vmem>>, vector<1x1x1024xi32>,
    %get3A_969 = arith.constant 2 : index
    %get3A_970 = arith.constant 0 : index
    %get3A_971 = arith.constant 0 : index
    %get3A_972 = vector.load %arg1[%get3A_969, %get3A_970, %get3A_971] : memref<4x64x1024xf32, #tpu.memory_space<vmem>>, vector<1x64x1024xf32>
    %get3A_973 = vector.shape_cast %get3A_972 : vector<1x64x1024xf32> to vector<64x1024xf32>
    %mul3A_974 = arith.mulf %get3A_973, %get3A_973 : vector<64x1024xf32>
    %reduce_sum3A_975 = arith.constant dense<0.000000e+00> : vector<1024xf32>
    %reduce_sum3A_976 = vector.multi_reduction <add>, %mul3A_974, %reduce_sum3A_975 [0] : vector<64x1024xf32> to vector<1024xf32>
    %broadcast_in_dim3A_977 = vector.shape_cast %reduce_sum3A_976 : vector<1024xf32> to vector<1x1024xf32>
    %sqrt3A_978 = math.sqrt %broadcast_in_dim3A_977 : vector<1x1024xf32>
    %max3A_979 = arith.constant 9.99999996E-13 : f32
    %max3A_980 = vector.broadcast %max3A_979 : f32 to vector<1x1024xf32>
    %max3A_981 = arith.maximumf %sqrt3A_978, %max3A_980 : vector<1x1024xf32>
    %div3A_982 = vector.broadcast %max3A_981 : vector<1x1024xf32> to vector<64x1024xf32>
    %div3A_983 = arith.divf %get3A_973, %div3A_982 : vector<64x1024xf32>
    %get3A_984 = arith.constant 0 : index
    %get3A_985 = arith.constant 0 : index
    %get3A_986 = vector.load %arg2[%get3A_984, %get3A_985] : memref<8192x64xf32, #tpu.memory_space<vmem>>, vector<2048x64xf32>
    %dot_general3A_987 = arith.constant dense<0.000000e+00> : vector<2048x1024xf32>
    %dot_general3A_988 = tpu.matmul %get3A_986, %div3A_983, %dot_general3A_987 {dimension_numbers = #tpu.dot_dimension_numbers<[1], [0], [0], [1], [0, 0, 1, 1], [], []>, transpose_lhs_hint = false} : vector<2048x64xf32>, vector<64x1024xf32>, vector<2048x1024xf32> -> vector<2048x1024xf32>
    %get3A_989 = arith.constant 2048 : index
    %get3A_990 = arith.constant 0 : index
    %get3A_991 = vector.load %arg2[%get3A_989, %get3A_990] : memref<8192x64xf32, #tpu.memory_space<vmem>>, vector<2048x64xf32>
    %dot_general3A_992 = arith.constant dense<0.000000e+00> : vector<2048x1024xf32>
    %dot_general3A_993 = tpu.matmul %get3A_991, %div3A_983, %dot_general3A_992 {dimension_numbers = #tpu.dot_dimension_numbers<[1], [0], [0], [1], [0, 0, 1, 1], [], []>, transpose_lhs_hint = false} : vector<2048x64xf32>, vector<64x1024xf32>, vector<2048x1024xf32> -> vector<2048x1024xf32>
    %reshape3A_994 = vector.shape_cast %dot_general3A_988 : vector<2048x1024xf32> to vector<128x16x1024xf32>
    %slice3A_995 = vector.extract_strided_slice %reshape3A_994 {offsets = [0, 0, 0], sizes = [128, 8, 1024], strides = [1, 1, 1]} : vector<128x16x1024xf32> to vector<128x8x1024xf32>
    %slice3A_996 = vector.extract_strided_slice %reshape3A_994 {offsets = [0, 8, 0], sizes = [128, 8, 1024], strides = [1, 1, 1]} : vector<128x16x1024xf32> to vector<128x8x1024xf32>
    %ge3A_997 = arith.cmpf oge, %slice3A_995, %slice3A_996 : vector<128x8x1024xf32>
    %select_n3A_998 = arith.select %ge3A_997, %slice3A_995, %slice3A_996 : vector<128x8x1024xi1>, vector<128x8x1024xf32>
    %jit3A_999 = arith.constant 0 : i32
    %jit3A_1000 = arith.constant 1 : i32
    %broadcast_in_dim3A_1001 = vector.broadcast %jit3A_999 : i32 to vector<128x8x1024xi32>
    %broadcast_in_dim3A_1002 = vector.broadcast %jit3A_1000 : i32 to vector<128x8x1024xi32>
    %select_n3A_1003 = arith.select %ge3A_997, %broadcast_in_dim3A_1001, %broadcast_in_dim3A_1002 : vector<128x8x1024xi1>, vector<128x8x1024xi32>
    %reshape3A_1004 = vector.shape_cast %select_n3A_998 : vector<128x8x1024xf32> to vector<64x16x1024xf32>
    %reshape3A_1005 = vector.shape_cast %select_n3A_1003 : vector<128x8x1024xi32> to vector<64x16x1024xi32>
    %slice3A_1006 = vector.extract_strided_slice %reshape3A_1004 {offsets = [0, 0, 0], sizes = [64, 8, 1024], strides = [1, 1, 1]} : vector<64x16x1024xf32> to vector<64x8x1024xf32>
    %slice3A_1007 = vector.extract_strided_slice %reshape3A_1004 {offsets = [0, 8, 0], sizes = [64, 8, 1024], strides = [1, 1, 1]} : vector<64x16x1024xf32> to vector<64x8x1024xf32>
    %slice3A_1008 = vector.extract_strided_slice %reshape3A_1005 {offsets = [0, 0, 0], sizes = [64, 8, 1024], strides = [1, 1, 1]} : vector<64x16x1024xi32> to vector<64x8x1024xi32>
    %slice3A_1009 = vector.extract_strided_slice %reshape3A_1005 {offsets = [0, 8, 0], sizes = [64, 8, 1024], strides = [1, 1, 1]} : vector<64x16x1024xi32> to vector<64x8x1024xi32>
    %ge3A_1010 = arith.cmpf oge, %slice3A_1006, %slice3A_1007 : vector<64x8x1024xf32>
    %select_n3A_1011 = arith.select %ge3A_1010, %slice3A_1006, %slice3A_1007 : vector<64x8x1024xi1>, vector<64x8x1024xf32>
    %add3A_1012 = arith.constant 2 : i32
    %add3A_1013 = vector.broadcast %add3A_1012 : i32 to vector<64x8x1024xi32>
    %add3A_1014 = arith.addi %slice3A_1009, %add3A_1013 : vector<64x8x1024xi32>
    %select_n3A_1015 = arith.select %ge3A_1010, %slice3A_1008, %add3A_1014 : vector<64x8x1024xi1>, vector<64x8x1024xi32>
    %reshape3A_1016 = vector.shape_cast %select_n3A_1011 : vector<64x8x1024xf32> to vector<32x16x1024xf32>
    %reshape3A_1017 = vector.shape_cast %select_n3A_1015 : vector<64x8x1024xi32> to vector<32x16x1024xi32>
    %slice3A_1018 = vector.extract_strided_slice %reshape3A_1016 {offsets = [0, 0, 0], sizes = [32, 8, 1024], strides = [1, 1, 1]} : vector<32x16x1024xf32> to vector<32x8x1024xf32>
    %slice3A_1019 = vector.extract_strided_slice %reshape3A_1016 {offsets = [0, 8, 0], sizes = [32, 8, 1024], strides = [1, 1, 1]} : vector<32x16x1024xf32> to vector<32x8x1024xf32>
    %slice3A_1020 = vector.extract_strided_slice %reshape3A_1017 {offsets = [0, 0, 0], sizes = [32, 8, 1024], strides = [1, 1, 1]} : vector<32x16x1024xi32> to vector<32x8x1024xi32>
    %slice3A_1021 = vector.extract_strided_slice %reshape3A_1017 {offsets = [0, 8, 0], sizes = [32, 8, 1024], strides = [1, 1, 1]} : vector<32x16x1024xi32> to vector<32x8x1024xi32>
    %ge3A_1022 = arith.cmpf oge, %slice3A_1018, %slice3A_1019 : vector<32x8x1024xf32>
    %select_n3A_1023 = arith.select %ge3A_1022, %slice3A_1018, %slice3A_1019 : vector<32x8x1024xi1>, vector<32x8x1024xf32>
    %add3A_1024 = arith.constant 4 : i32
    %add3A_1025 = vector.broadcast %add3A_1024 : i32 to vector<32x8x1024xi32>
    %add3A_1026 = arith.addi %slice3A_1021, %add3A_1025 : vector<32x8x1024xi32>
    %select_n3A_1027 = arith.select %ge3A_1022, %slice3A_1020, %add3A_1026 : vector<32x8x1024xi1>, vector<32x8x1024xi32>
    %reshape3A_1028 = vector.shape_cast %select_n3A_1023 : vector<32x8x1024xf32> to vector<16x16x1024xf32>
    %reshape3A_1029 = vector.shape_cast %select_n3A_1027 : vector<32x8x1024xi32> to vector<16x16x1024xi32>
    %slice3A_1030 = vector.extract_strided_slice %reshape3A_1028 {offsets = [0, 0, 0], sizes = [16, 8, 1024], strides = [1, 1, 1]} : vector<16x16x1024xf32> to vector<16x8x1024xf32>
    %slice3A_1031 = vector.extract_strided_slice %reshape3A_1028 {offsets = [0, 8, 0], sizes = [16, 8, 1024], strides = [1, 1, 1]} : vector<16x16x1024xf32> to vector<16x8x1024xf32>
    %slice3A_1032 = vector.extract_strided_slice %reshape3A_1029 {offsets = [0, 0, 0], sizes = [16, 8, 1024], strides = [1, 1, 1]} : vector<16x16x1024xi32> to vector<16x8x1024xi32>
    %slice3A_1033 = vector.extract_strided_slice %reshape3A_1029 {offsets = [0, 8, 0], sizes = [16, 8, 1024], strides = [1, 1, 1]} : vector<16x16x1024xi32> to vector<16x8x1024xi32>
    %ge3A_1034 = arith.cmpf oge, %slice3A_1030, %slice3A_1031 : vector<16x8x1024xf32>
    %select_n3A_1035 = arith.select %ge3A_1034, %slice3A_1030, %slice3A_1031 : vector<16x8x1024xi1>, vector<16x8x1024xf32>
    %add3A_1036 = arith.constant 8 : i32
    %add3A_1037 = vector.broadcast %add3A_1036 : i32 to vector<16x8x1024xi32>
    %add3A_1038 = arith.addi %slice3A_1033, %add3A_1037 : vector<16x8x1024xi32>
    %select_n3A_1039 = arith.select %ge3A_1034, %slice3A_1032, %add3A_1038 : vector<16x8x1024xi1>, vector<16x8x1024xi32>
    %reshape3A_1040 = vector.shape_cast %select_n3A_1035 : vector<16x8x1024xf32> to vector<8x16x1024xf32>
    %reshape3A_1041 = vector.shape_cast %select_n3A_1039 : vector<16x8x1024xi32> to vector<8x16x1024xi32>
    %slice3A_1042 = vector.extract_strided_slice %reshape3A_1040 {offsets = [0, 0, 0], sizes = [8, 8, 1024], strides = [1, 1, 1]} : vector<8x16x1024xf32> to vector<8x8x1024xf32>
    %slice3A_1043 = vector.extract_strided_slice %reshape3A_1040 {offsets = [0, 8, 0], sizes = [8, 8, 1024], strides = [1, 1, 1]} : vector<8x16x1024xf32> to vector<8x8x1024xf32>
    %slice3A_1044 = vector.extract_strided_slice %reshape3A_1041 {offsets = [0, 0, 0], sizes = [8, 8, 1024], strides = [1, 1, 1]} : vector<8x16x1024xi32> to vector<8x8x1024xi32>
    %slice3A_1045 = vector.extract_strided_slice %reshape3A_1041 {offsets = [0, 8, 0], sizes = [8, 8, 1024], strides = [1, 1, 1]} : vector<8x16x1024xi32> to vector<8x8x1024xi32>
    %ge3A_1046 = arith.cmpf oge, %slice3A_1042, %slice3A_1043 : vector<8x8x1024xf32>
    %select_n3A_1047 = arith.select %ge3A_1046, %slice3A_1042, %slice3A_1043 : vector<8x8x1024xi1>, vector<8x8x1024xf32>
    %add3A_1048 = arith.constant 16 : i32
    %add3A_1049 = vector.broadcast %add3A_1048 : i32 to vector<8x8x1024xi32>
    %add3A_1050 = arith.addi %slice3A_1045, %add3A_1049 : vector<8x8x1024xi32>
    %select_n3A_1051 = arith.select %ge3A_1046, %slice3A_1044, %add3A_1050 : vector<8x8x1024xi1>, vector<8x8x1024xi32>
    %reshape3A_1052 = vector.shape_cast %select_n3A_1047 : vector<8x8x1024xf32> to vector<4x16x1024xf32>
    %reshape3A_1053 = vector.shape_cast %select_n3A_1051 : vector<8x8x1024xi32> to vector<4x16x1024xi32>
    %slice3A_1054 = vector.extract_strided_slice %reshape3A_1052 {offsets = [0, 0, 0], sizes = [4, 8, 1024], strides = [1, 1, 1]} : vector<4x16x1024xf32> to vector<4x8x1024xf32>
    %slice3A_1055 = vector.extract_strided_slice %reshape3A_1052 {offsets = [0, 8, 0], sizes = [4, 8, 1024], strides = [1, 1, 1]} : vector<4x16x1024xf32> to vector<4x8x1024xf32>
    %slice3A_1056 = vector.extract_strided_slice %reshape3A_1053 {offsets = [0, 0, 0], sizes = [4, 8, 1024], strides = [1, 1, 1]} : vector<4x16x1024xi32> to vector<4x8x1024xi32>
    %slice3A_1057 = vector.extract_strided_slice %reshape3A_1053 {offsets = [0, 8, 0], sizes = [4, 8, 1024], strides = [1, 1, 1]} : vector<4x16x1024xi32> to vector<4x8x1024xi32>
    %ge3A_1058 = arith.cmpf oge, %slice3A_1054, %slice3A_1055 : vector<4x8x1024xf32>
    %select_n3A_1059 = arith.select %ge3A_1058, %slice3A_1054, %slice3A_1055 : vector<4x8x1024xi1>, vector<4x8x1024xf32>
    %add3A_1060 = arith.constant 32 : i32
    %add3A_1061 = vector.broadcast %add3A_1060 : i32 to vector<4x8x1024xi32>
    %add3A_1062 = arith.addi %slice3A_1057, %add3A_1061 : vector<4x8x1024xi32>
    %select_n3A_1063 = arith.select %ge3A_1058, %slice3A_1056, %add3A_1062 : vector<4x8x1024xi1>, vector<4x8x1024xi32>
    %reshape3A_1064 = vector.shape_cast %select_n3A_1059 : vector<4x8x1024xf32> to vector<2x16x1024xf32>
    %reshape3A_1065 = vector.shape_cast %select_n3A_1063 : vector<4x8x1024xi32> to vector<2x16x1024xi32>
    %slice3A_1066 = vector.extract_strided_slice %reshape3A_1064 {offsets = [0, 0, 0], sizes = [2, 8, 1024], strides = [1, 1, 1]} : vector<2x16x1024xf32> to vector<2x8x1024xf32>
    %slice3A_1067 = vector.extract_strided_slice %reshape3A_1064 {offsets = [0, 8, 0], sizes = [2, 8, 1024], strides = [1, 1, 1]} : vector<2x16x1024xf32> to vector<2x8x1024xf32>
    %slice3A_1068 = vector.extract_strided_slice %reshape3A_1065 {offsets = [0, 0, 0], sizes = [2, 8, 1024], strides = [1, 1, 1]} : vector<2x16x1024xi32> to vector<2x8x1024xi32>
    %slice3A_1069 = vector.extract_strided_slice %reshape3A_1065 {offsets = [0, 8, 0], sizes = [2, 8, 1024], strides = [1, 1, 1]} : vector<2x16x1024xi32> to vector<2x8x1024xi32>
    %ge3A_1070 = arith.cmpf oge, %slice3A_1066, %slice3A_1067 : vector<2x8x1024xf32>
    %select_n3A_1071 = arith.select %ge3A_1070, %slice3A_1066, %slice3A_1067 : vector<2x8x1024xi1>, vector<2x8x1024xf32>
    %add3A_1072 = arith.constant 64 : i32
    %add3A_1073 = vector.broadcast %add3A_1072 : i32 to vector<2x8x1024xi32>
    %add3A_1074 = arith.addi %slice3A_1069, %add3A_1073 : vector<2x8x1024xi32>
    %select_n3A_1075 = arith.select %ge3A_1070, %slice3A_1068, %add3A_1074 : vector<2x8x1024xi1>, vector<2x8x1024xi32>
    %reshape3A_1076 = vector.shape_cast %select_n3A_1071 : vector<2x8x1024xf32> to vector<1x16x1024xf32>
    %reshape3A_1077 = vector.shape_cast %select_n3A_1075 : vector<2x8x1024xi32> to vector<1x16x1024xi32>
    %slice3A_1078 = vector.extract_strided_slice %reshape3A_1076 {offsets = [0, 0, 0], sizes = [1, 8, 1024], strides = [1, 1, 1]} : vector<1x16x1024xf32> to vector<1x8x1024xf32>
    %slice3A_1079 = vector.extract_strided_slice %reshape3A_1076 {offsets = [0, 8, 0], sizes = [1, 8, 1024], strides = [1, 1, 1]} : vector<1x16x1024xf32> to vector<1x8x1024xf32>
    %slice3A_1080 = vector.extract_strided_slice %reshape3A_1077 {offsets = [0, 0, 0], sizes = [1, 8, 1024], strides = [1, 1, 1]} : vector<1x16x1024xi32> to vector<1x8x1024xi32>
    %slice3A_1081 = vector.extract_strided_slice %reshape3A_1077 {offsets = [0, 8, 0], sizes = [1, 8, 1024], strides = [1, 1, 1]} : vector<1x16x1024xi32> to vector<1x8x1024xi32>
    %ge3A_1082 = arith.cmpf oge, %slice3A_1078, %slice3A_1079 : vector<1x8x1024xf32>
    %select_n3A_1083 = arith.select %ge3A_1082, %slice3A_1078, %slice3A_1079 : vector<1x8x1024xi1>, vector<1x8x1024xf32>
    %add3A_1084 = arith.constant 128 : i32
    %add3A_1085 = vector.broadcast %add3A_1084 : i32 to vector<1x8x1024xi32>
    %add3A_1086 = arith.addi %slice3A_1081, %add3A_1085 : vector<1x8x1024xi32>
    %select_n3A_1087 = arith.select %ge3A_1082, %slice3A_1080, %add3A_1086 : vector<1x8x1024xi1>, vector<1x8x1024xi32>
    %reshape3A_1088 = vector.shape_cast %select_n3A_1083 : vector<1x8x1024xf32> to vector<8x1024xf32>
    %reshape3A_1089 = vector.shape_cast %select_n3A_1087 : vector<1x8x1024xi32> to vector<8x1024xi32>
    %mul3A_1090 = arith.constant 8 : i32
    %mul3A_1091 = vector.broadcast %mul3A_1090 : i32 to vector<8x1024xi32>
    %mul3A_1092 = arith.muli %reshape3A_1089, %mul3A_1091 : vector<8x1024xi32>
    %add3A_1093 = arith.constant 0 : i32
    %add3A_1094 = vector.broadcast %add3A_1093 : i32 to vector<8x1024xi32>
    %add3A_1095 = arith.addi %mul3A_1092, %add3A_1094 : vector<8x1024xi32>
    %get3A_1096 = arith.constant 4096 : index
    %get3A_1097 = arith.constant 0 : index
    %get3A_1098 = vector.load %arg2[%get3A_1096, %get3A_1097] : memref<8192x64xf32, #tpu.memory_space<vmem>>, vector<2048x64xf32>
    %dot_general3A_1099 = arith.constant dense<0.000000e+00> : vector<2048x1024xf32>
    %dot_general3A_1100 = tpu.matmul %get3A_1098, %div3A_983, %dot_general3A_1099 {dimension_numbers = #tpu.dot_dimension_numbers<[1], [0], [0], [1], [0, 0, 1, 1], [], []>, transpose_lhs_hint = false} : vector<2048x64xf32>, vector<64x1024xf32>, vector<2048x1024xf32> -> vector<2048x1024xf32>
    %reshape3A_1101 = vector.shape_cast %dot_general3A_993 : vector<2048x1024xf32> to vector<128x16x1024xf32>
    %slice3A_1102 = vector.extract_strided_slice %reshape3A_1101 {offsets = [0, 0, 0], sizes = [128, 8, 1024], strides = [1, 1, 1]} : vector<128x16x1024xf32> to vector<128x8x1024xf32>
    %slice3A_1103 = vector.extract_strided_slice %reshape3A_1101 {offsets = [0, 8, 0], sizes = [128, 8, 1024], strides = [1, 1, 1]} : vector<128x16x1024xf32> to vector<128x8x1024xf32>
    %ge3A_1104 = arith.cmpf oge, %slice3A_1102, %slice3A_1103 : vector<128x8x1024xf32>
    %select_n3A_1105 = arith.select %ge3A_1104, %slice3A_1102, %slice3A_1103 : vector<128x8x1024xi1>, vector<128x8x1024xf32>
    %jit3A_1106 = arith.constant 0 : i32
    %jit3A_1107 = arith.constant 1 : i32
    %broadcast_in_dim3A_1108 = vector.broadcast %jit3A_1106 : i32 to vector<128x8x1024xi32>
    %broadcast_in_dim3A_1109 = vector.broadcast %jit3A_1107 : i32 to vector<128x8x1024xi32>
    %select_n3A_1110 = arith.select %ge3A_1104, %broadcast_in_dim3A_1108, %broadcast_in_dim3A_1109 : vector<128x8x1024xi1>, vector<128x8x1024xi32>
    %reshape3A_1111 = vector.shape_cast %select_n3A_1105 : vector<128x8x1024xf32> to vector<64x16x1024xf32>
    %reshape3A_1112 = vector.shape_cast %select_n3A_1110 : vector<128x8x1024xi32> to vector<64x16x1024xi32>
    %slice3A_1113 = vector.extract_strided_slice %reshape3A_1111 {offsets = [0, 0, 0], sizes = [64, 8, 1024], strides = [1, 1, 1]} : vector<64x16x1024xf32> to vector<64x8x1024xf32>
    %slice3A_1114 = vector.extract_strided_slice %reshape3A_1111 {offsets = [0, 8, 0], sizes = [64, 8, 1024], strides = [1, 1, 1]} : vector<64x16x1024xf32> to vector<64x8x1024xf32>
    %slice3A_1115 = vector.extract_strided_slice %reshape3A_1112 {offsets = [0, 0, 0], sizes = [64, 8, 1024], strides = [1, 1, 1]} : vector<64x16x1024xi32> to vector<64x8x1024xi32>
    %slice3A_1116 = vector.extract_strided_slice %reshape3A_1112 {offsets = [0, 8, 0], sizes = [64, 8, 1024], strides = [1, 1, 1]} : vector<64x16x1024xi32> to vector<64x8x1024xi32>
    %ge3A_1117 = arith.cmpf oge, %slice3A_1113, %slice3A_1114 : vector<64x8x1024xf32>
    %select_n3A_1118 = arith.select %ge3A_1117, %slice3A_1113, %slice3A_1114 : vector<64x8x1024xi1>, vector<64x8x1024xf32>
    %add3A_1119 = arith.constant 2 : i32
    %add3A_1120 = vector.broadcast %add3A_1119 : i32 to vector<64x8x1024xi32>
    %add3A_1121 = arith.addi %slice3A_1116, %add3A_1120 : vector<64x8x1024xi32>
    %select_n3A_1122 = arith.select %ge3A_1117, %slice3A_1115, %add3A_1121 : vector<64x8x1024xi1>, vector<64x8x1024xi32>
    %reshape3A_1123 = vector.shape_cast %select_n3A_1118 : vector<64x8x1024xf32> to vector<32x16x1024xf32>
    %reshape3A_1124 = vector.shape_cast %select_n3A_1122 : vector<64x8x1024xi32> to vector<32x16x1024xi32>
    %slice3A_1125 = vector.extract_strided_slice %reshape3A_1123 {offsets = [0, 0, 0], sizes = [32, 8, 1024], strides = [1, 1, 1]} : vector<32x16x1024xf32> to vector<32x8x1024xf32>
    %slice3A_1126 = vector.extract_strided_slice %reshape3A_1123 {offsets = [0, 8, 0], sizes = [32, 8, 1024], strides = [1, 1, 1]} : vector<32x16x1024xf32> to vector<32x8x1024xf32>
    %slice3A_1127 = vector.extract_strided_slice %reshape3A_1124 {offsets = [0, 0, 0], sizes = [32, 8, 1024], strides = [1, 1, 1]} : vector<32x16x1024xi32> to vector<32x8x1024xi32>
    %slice3A_1128 = vector.extract_strided_slice %reshape3A_1124 {offsets = [0, 8, 0], sizes = [32, 8, 1024], strides = [1, 1, 1]} : vector<32x16x1024xi32> to vector<32x8x1024xi32>
    %ge3A_1129 = arith.cmpf oge, %slice3A_1125, %slice3A_1126 : vector<32x8x1024xf32>
    %select_n3A_1130 = arith.select %ge3A_1129, %slice3A_1125, %slice3A_1126 : vector<32x8x1024xi1>, vector<32x8x1024xf32>
    %add3A_1131 = arith.constant 4 : i32
    %add3A_1132 = vector.broadcast %add3A_1131 : i32 to vector<32x8x1024xi32>
    %add3A_1133 = arith.addi %slice3A_1128, %add3A_1132 : vector<32x8x1024xi32>
    %select_n3A_1134 = arith.select %ge3A_1129, %slice3A_1127, %add3A_1133 : vector<32x8x1024xi1>, vector<32x8x1024xi32>
    %reshape3A_1135 = vector.shape_cast %select_n3A_1130 : vector<32x8x1024xf32> to vector<16x16x1024xf32>
    %reshape3A_1136 = vector.shape_cast %select_n3A_1134 : vector<32x8x1024xi32> to vector<16x16x1024xi32>
    %slice3A_1137 = vector.extract_strided_slice %reshape3A_1135 {offsets = [0, 0, 0], sizes = [16, 8, 1024], strides = [1, 1, 1]} : vector<16x16x1024xf32> to vector<16x8x1024xf32>
    %slice3A_1138 = vector.extract_strided_slice %reshape3A_1135 {offsets = [0, 8, 0], sizes = [16, 8, 1024], strides = [1, 1, 1]} : vector<16x16x1024xf32> to vector<16x8x1024xf32>
    %slice3A_1139 = vector.extract_strided_slice %reshape3A_1136 {offsets = [0, 0, 0], sizes = [16, 8, 1024], strides = [1, 1, 1]} : vector<16x16x1024xi32> to vector<16x8x1024xi32>
    %slice3A_1140 = vector.extract_strided_slice %reshape3A_1136 {offsets = [0, 8, 0], sizes = [16, 8, 1024], strides = [1, 1, 1]} : vector<16x16x1024xi32> to vector<16x8x1024xi32>
    %ge3A_1141 = arith.cmpf oge, %slice3A_1137, %slice3A_1138 : vector<16x8x1024xf32>
    %select_n3A_1142 = arith.select %ge3A_1141, %slice3A_1137, %slice3A_1138 : vector<16x8x1024xi1>, vector<16x8x1024xf32>
    %add3A_1143 = arith.constant 8 : i32
    %add3A_1144 = vector.broadcast %add3A_1143 : i32 to vector<16x8x1024xi32>
    %add3A_1145 = arith.addi %slice3A_1140, %add3A_1144 : vector<16x8x1024xi32>
    %select_n3A_1146 = arith.select %ge3A_1141, %slice3A_1139, %add3A_1145 : vector<16x8x1024xi1>, vector<16x8x1024xi32>
    %reshape3A_1147 = vector.shape_cast %select_n3A_1142 : vector<16x8x1024xf32> to vector<8x16x1024xf32>
    %reshape3A_1148 = vector.shape_cast %select_n3A_1146 : vector<16x8x1024xi32> to vector<8x16x1024xi32>
    %slice3A_1149 = vector.extract_strided_slice %reshape3A_1147 {offsets = [0, 0, 0], sizes = [8, 8, 1024], strides = [1, 1, 1]} : vector<8x16x1024xf32> to vector<8x8x1024xf32>
    %slice3A_1150 = vector.extract_strided_slice %reshape3A_1147 {offsets = [0, 8, 0], sizes = [8, 8, 1024], strides = [1, 1, 1]} : vector<8x16x1024xf32> to vector<8x8x1024xf32>
    %slice3A_1151 = vector.extract_strided_slice %reshape3A_1148 {offsets = [0, 0, 0], sizes = [8, 8, 1024], strides = [1, 1, 1]} : vector<8x16x1024xi32> to vector<8x8x1024xi32>
    %slice3A_1152 = vector.extract_strided_slice %reshape3A_1148 {offsets = [0, 8, 0], sizes = [8, 8, 1024], strides = [1, 1, 1]} : vector<8x16x1024xi32> to vector<8x8x1024xi32>
    %ge3A_1153 = arith.cmpf oge, %slice3A_1149, %slice3A_1150 : vector<8x8x1024xf32>
    %select_n3A_1154 = arith.select %ge3A_1153, %slice3A_1149, %slice3A_1150 : vector<8x8x1024xi1>, vector<8x8x1024xf32>
    %add3A_1155 = arith.constant 16 : i32
    %add3A_1156 = vector.broadcast %add3A_1155 : i32 to vector<8x8x1024xi32>
    %add3A_1157 = arith.addi %slice3A_1152, %add3A_1156 : vector<8x8x1024xi32>
    %select_n3A_1158 = arith.select %ge3A_1153, %slice3A_1151, %add3A_1157 : vector<8x8x1024xi1>, vector<8x8x1024xi32>
    %reshape3A_1159 = vector.shape_cast %select_n3A_1154 : vector<8x8x1024xf32> to vector<4x16x1024xf32>
    %reshape3A_1160 = vector.shape_cast %select_n3A_1158 : vector<8x8x1024xi32> to vector<4x16x1024xi32>
    %slice3A_1161 = vector.extract_strided_slice %reshape3A_1159 {offsets = [0, 0, 0], sizes = [4, 8, 1024], strides = [1, 1, 1]} : vector<4x16x1024xf32> to vector<4x8x1024xf32>
    %slice3A_1162 = vector.extract_strided_slice %reshape3A_1159 {offsets = [0, 8, 0], sizes = [4, 8, 1024], strides = [1, 1, 1]} : vector<4x16x1024xf32> to vector<4x8x1024xf32>
    %slice3A_1163 = vector.extract_strided_slice %reshape3A_1160 {offsets = [0, 0, 0], sizes = [4, 8, 1024], strides = [1, 1, 1]} : vector<4x16x1024xi32> to vector<4x8x1024xi32>
    %slice3A_1164 = vector.extract_strided_slice %reshape3A_1160 {offsets = [0, 8, 0], sizes = [4, 8, 1024], strides = [1, 1, 1]} : vector<4x16x1024xi32> to vector<4x8x1024xi32>
    %ge3A_1165 = arith.cmpf oge, %slice3A_1161, %slice3A_1162 : vector<4x8x1024xf32>
    %select_n3A_1166 = arith.select %ge3A_1165, %slice3A_1161, %slice3A_1162 : vector<4x8x1024xi1>, vector<4x8x1024xf32>
    %add3A_1167 = arith.constant 32 : i32
    %add3A_1168 = vector.broadcast %add3A_1167 : i32 to vector<4x8x1024xi32>
    %add3A_1169 = arith.addi %slice3A_1164, %add3A_1168 : vector<4x8x1024xi32>
    %select_n3A_1170 = arith.select %ge3A_1165, %slice3A_1163, %add3A_1169 : vector<4x8x1024xi1>, vector<4x8x1024xi32>
    %reshape3A_1171 = vector.shape_cast %select_n3A_1166 : vector<4x8x1024xf32> to vector<2x16x1024xf32>
    %reshape3A_1172 = vector.shape_cast %select_n3A_1170 : vector<4x8x1024xi32> to vector<2x16x1024xi32>
    %slice3A_1173 = vector.extract_strided_slice %reshape3A_1171 {offsets = [0, 0, 0], sizes = [2, 8, 1024], strides = [1, 1, 1]} : vector<2x16x1024xf32> to vector<2x8x1024xf32>
    %slice3A_1174 = vector.extract_strided_slice %reshape3A_1171 {offsets = [0, 8, 0], sizes = [2, 8, 1024], strides = [1, 1, 1]} : vector<2x16x1024xf32> to vector<2x8x1024xf32>
    %slice3A_1175 = vector.extract_strided_slice %reshape3A_1172 {offsets = [0, 0, 0], sizes = [2, 8, 1024], strides = [1, 1, 1]} : vector<2x16x1024xi32> to vector<2x8x1024xi32>
    %slice3A_1176 = vector.extract_strided_slice %reshape3A_1172 {offsets = [0, 8, 0], sizes = [2, 8, 1024], strides = [1, 1, 1]} : vector<2x16x1024xi32> to vector<2x8x1024xi32>
    %ge3A_1177 = arith.cmpf oge, %slice3A_1173, %slice3A_1174 : vector<2x8x1024xf32>
    %select_n3A_1178 = arith.select %ge3A_1177, %slice3A_1173, %slice3A_1174 : vector<2x8x1024xi1>, vector<2x8x1024xf32>
    %add3A_1179 = arith.constant 64 : i32
    %add3A_1180 = vector.broadcast %add3A_1179 : i32 to vector<2x8x1024xi32>
    %add3A_1181 = arith.addi %slice3A_1176, %add3A_1180 : vector<2x8x1024xi32>
    %select_n3A_1182 = arith.select %ge3A_1177, %slice3A_1175, %add3A_1181 : vector<2x8x1024xi1>, vector<2x8x1024xi32>
    %reshape3A_1183 = vector.shape_cast %select_n3A_1178 : vector<2x8x1024xf32> to vector<1x16x1024xf32>
    %reshape3A_1184 = vector.shape_cast %select_n3A_1182 : vector<2x8x1024xi32> to vector<1x16x1024xi32>
    %slice3A_1185 = vector.extract_strided_slice %reshape3A_1183 {offsets = [0, 0, 0], sizes = [1, 8, 1024], strides = [1, 1, 1]} : vector<1x16x1024xf32> to vector<1x8x1024xf32>
    %slice3A_1186 = vector.extract_strided_slice %reshape3A_1183 {offsets = [0, 8, 0], sizes = [1, 8, 1024], strides = [1, 1, 1]} : vector<1x16x1024xf32> to vector<1x8x1024xf32>
    %slice3A_1187 = vector.extract_strided_slice %reshape3A_1184 {offsets = [0, 0, 0], sizes = [1, 8, 1024], strides = [1, 1, 1]} : vector<1x16x1024xi32> to vector<1x8x1024xi32>
    %slice3A_1188 = vector.extract_strided_slice %reshape3A_1184 {offsets = [0, 8, 0], sizes = [1, 8, 1024], strides = [1, 1, 1]} : vector<1x16x1024xi32> to vector<1x8x1024xi32>
    %ge3A_1189 = arith.cmpf oge, %slice3A_1185, %slice3A_1186 : vector<1x8x1024xf32>
    %select_n3A_1190 = arith.select %ge3A_1189, %slice3A_1185, %slice3A_1186 : vector<1x8x1024xi1>, vector<1x8x1024xf32>
    %add3A_1191 = arith.constant 128 : i32
    %add3A_1192 = vector.broadcast %add3A_1191 : i32 to vector<1x8x1024xi32>
    %add3A_1193 = arith.addi %slice3A_1188, %add3A_1192 : vector<1x8x1024xi32>
    %select_n3A_1194 = arith.select %ge3A_1189, %slice3A_1187, %add3A_1193 : vector<1x8x1024xi1>, vector<1x8x1024xi32>
    %reshape3A_1195 = vector.shape_cast %select_n3A_1190 : vector<1x8x1024xf32> to vector<8x1024xf32>
    %reshape3A_1196 = vector.shape_cast %select_n3A_1194 : vector<1x8x1024xi32> to vector<8x1024xi32>
    %mul3A_1197 = arith.constant 8 : i32
    %mul3A_1198 = vector.broadcast %mul3A_1197 : i32 to vector<8x1024xi32>
    %mul3A_1199 = arith.muli %reshape3A_1196, %mul3A_1198 : vector<8x1024xi32>
    %add3A_1200 = arith.constant 2048 : i32
    %add3A_1201 = vector.broadcast %add3A_1200 : i32 to vector<8x1024xi32>
    %add3A_1202 = arith.addi %mul3A_1199, %add3A_1201 : vector<8x1024xi32>
    %get3A_1203 = arith.constant 6144 : index
    %get3A_1204 = arith.constant 0 : index
    %get3A_1205 = vector.load %arg2[%get3A_1203, %get3A_1204] : memref<8192x64xf32, #tpu.memory_space<vmem>>, vector<2048x64xf32>
    %dot_general3A_1206 = arith.constant dense<0.000000e+00> : vector<2048x1024xf32>
    %dot_general3A_1207 = tpu.matmul %get3A_1205, %div3A_983, %dot_general3A_1206 {dimension_numbers = #tpu.dot_dimension_numbers<[1], [0], [0], [1], [0, 0, 1, 1], [], []>, transpose_lhs_hint = false} : vector<2048x64xf32>, vector<64x1024xf32>, vector<2048x1024xf32> -> vector<2048x1024xf32>
    %reshape3A_1208 = vector.shape_cast %dot_general3A_1100 : vector<2048x1024xf32> to vector<128x16x1024xf32>
    %slice3A_1209 = vector.extract_strided_slice %reshape3A_1208 {offsets = [0, 0, 0], sizes = [128, 8, 1024], strides = [1, 1, 1]} : vector<128x16x1024xf32> to vector<128x8x1024xf32>
    %slice3A_1210 = vector.extract_strided_slice %reshape3A_1208 {offsets = [0, 8, 0], sizes = [128, 8, 1024], strides = [1, 1, 1]} : vector<128x16x1024xf32> to vector<128x8x1024xf32>
    %ge3A_1211 = arith.cmpf oge, %slice3A_1209, %slice3A_1210 : vector<128x8x1024xf32>
    %select_n3A_1212 = arith.select %ge3A_1211, %slice3A_1209, %slice3A_1210 : vector<128x8x1024xi1>, vector<128x8x1024xf32>
    %jit3A_1213 = arith.constant 0 : i32
    %jit3A_1214 = arith.constant 1 : i32
    %broadcast_in_dim3A_1215 = vector.broadcast %jit3A_1213 : i32 to vector<128x8x1024xi32>
    %broadcast_in_dim3A_1216 = vector.broadcast %jit3A_1214 : i32 to vector<128x8x1024xi32>
    %select_n3A_1217 = arith.select %ge3A_1211, %broadcast_in_dim3A_1215, %broadcast_in_dim3A_1216 : vector<128x8x1024xi1>, vector<128x8x1024xi32>
    %reshape3A_1218 = vector.shape_cast %select_n3A_1212 : vector<128x8x1024xf32> to vector<64x16x1024xf32>
    %reshape3A_1219 = vector.shape_cast %select_n3A_1217 : vector<128x8x1024xi32> to vector<64x16x1024xi32>
    %slice3A_1220 = vector.extract_strided_slice %reshape3A_1218 {offsets = [0, 0, 0], sizes = [64, 8, 1024], strides = [1, 1, 1]} : vector<64x16x1024xf32> to vector<64x8x1024xf32>
    %slice3A_1221 = vector.extract_strided_slice %reshape3A_1218 {offsets = [0, 8, 0], sizes = [64, 8, 1024], strides = [1, 1, 1]} : vector<64x16x1024xf32> to vector<64x8x1024xf32>
    %slice3A_1222 = vector.extract_strided_slice %reshape3A_1219 {offsets = [0, 0, 0], sizes = [64, 8, 1024], strides = [1, 1, 1]} : vector<64x16x1024xi32> to vector<64x8x1024xi32>
    %slice3A_1223 = vector.extract_strided_slice %reshape3A_1219 {offsets = [0, 8, 0], sizes = [64, 8, 1024], strides = [1, 1, 1]} : vector<64x16x1024xi32> to vector<64x8x1024xi32>
    %ge3A_1224 = arith.cmpf oge, %slice3A_1220, %slice3A_1221 : vector<64x8x1024xf32>
    %select_n3A_1225 = arith.select %ge3A_1224, %slice3A_1220, %slice3A_1221 : vector<64x8x1024xi1>, vector<64x8x1024xf32>
    %add3A_1226 = arith.constant 2 : i32
    %add3A_1227 = vector.broadcast %add3A_1226 : i32 to vector<64x8x1024xi32>
    %add3A_1228 = arith.addi %slice3A_1223, %add3A_1227 : vector<64x8x1024xi32>
    %select_n3A_1229 = arith.select %ge3A_1224, %slice3A_1222, %add3A_1228 : vector<64x8x1024xi1>, vector<64x8x1024xi32>
    %reshape3A_1230 = vector.shape_cast %select_n3A_1225 : vector<64x8x1024xf32> to vector<32x16x1024xf32>
    %reshape3A_1231 = vector.shape_cast %select_n3A_1229 : vector<64x8x1024xi32> to vector<32x16x1024xi32>
    %slice3A_1232 = vector.extract_strided_slice %reshape3A_1230 {offsets = [0, 0, 0], sizes = [32, 8, 1024], strides = [1, 1, 1]} : vector<32x16x1024xf32> to vector<32x8x1024xf32>
    %slice3A_1233 = vector.extract_strided_slice %reshape3A_1230 {offsets = [0, 8, 0], sizes = [32, 8, 1024], strides = [1, 1, 1]} : vector<32x16x1024xf32> to vector<32x8x1024xf32>
    %slice3A_1234 = vector.extract_strided_slice %reshape3A_1231 {offsets = [0, 0, 0], sizes = [32, 8, 1024], strides = [1, 1, 1]} : vector<32x16x1024xi32> to vector<32x8x1024xi32>
    %slice3A_1235 = vector.extract_strided_slice %reshape3A_1231 {offsets = [0, 8, 0], sizes = [32, 8, 1024], strides = [1, 1, 1]} : vector<32x16x1024xi32> to vector<32x8x1024xi32>
    %ge3A_1236 = arith.cmpf oge, %slice3A_1232, %slice3A_1233 : vector<32x8x1024xf32>
    %select_n3A_1237 = arith.select %ge3A_1236, %slice3A_1232, %slice3A_1233 : vector<32x8x1024xi1>, vector<32x8x1024xf32>
    %add3A_1238 = arith.constant 4 : i32
    %add3A_1239 = vector.broadcast %add3A_1238 : i32 to vector<32x8x1024xi32>
    %add3A_1240 = arith.addi %slice3A_1235, %add3A_1239 : vector<32x8x1024xi32>
    %select_n3A_1241 = arith.select %ge3A_1236, %slice3A_1234, %add3A_1240 : vector<32x8x1024xi1>, vector<32x8x1024xi32>
    %reshape3A_1242 = vector.shape_cast %select_n3A_1237 : vector<32x8x1024xf32> to vector<16x16x1024xf32>
    %reshape3A_1243 = vector.shape_cast %select_n3A_1241 : vector<32x8x1024xi32> to vector<16x16x1024xi32>
    %slice3A_1244 = vector.extract_strided_slice %reshape3A_1242 {offsets = [0, 0, 0], sizes = [16, 8, 1024], strides = [1, 1, 1]} : vector<16x16x1024xf32> to vector<16x8x1024xf32>
    %slice3A_1245 = vector.extract_strided_slice %reshape3A_1242 {offsets = [0, 8, 0], sizes = [16, 8, 1024], strides = [1, 1, 1]} : vector<16x16x1024xf32> to vector<16x8x1024xf32>
    %slice3A_1246 = vector.extract_strided_slice %reshape3A_1243 {offsets = [0, 0, 0], sizes = [16, 8, 1024], strides = [1, 1, 1]} : vector<16x16x1024xi32> to vector<16x8x1024xi32>
    %slice3A_1247 = vector.extract_strided_slice %reshape3A_1243 {offsets = [0, 8, 0], sizes = [16, 8, 1024], strides = [1, 1, 1]} : vector<16x16x1024xi32> to vector<16x8x1024xi32>
    %ge3A_1248 = arith.cmpf oge, %slice3A_1244, %slice3A_1245 : vector<16x8x1024xf32>
    %select_n3A_1249 = arith.select %ge3A_1248, %slice3A_1244, %slice3A_1245 : vector<16x8x1024xi1>, vector<16x8x1024xf32>
    %add3A_1250 = arith.constant 8 : i32
    %add3A_1251 = vector.broadcast %add3A_1250 : i32 to vector<16x8x1024xi32>
    %add3A_1252 = arith.addi %slice3A_1247, %add3A_1251 : vector<16x8x1024xi32>
    %select_n3A_1253 = arith.select %ge3A_1248, %slice3A_1246, %add3A_1252 : vector<16x8x1024xi1>, vector<16x8x1024xi32>
    %reshape3A_1254 = vector.shape_cast %select_n3A_1249 : vector<16x8x1024xf32> to vector<8x16x1024xf32>
    %reshape3A_1255 = vector.shape_cast %select_n3A_1253 : vector<16x8x1024xi32> to vector<8x16x1024xi32>
    %slice3A_1256 = vector.extract_strided_slice %reshape3A_1254 {offsets = [0, 0, 0], sizes = [8, 8, 1024], strides = [1, 1, 1]} : vector<8x16x1024xf32> to vector<8x8x1024xf32>
    %slice3A_1257 = vector.extract_strided_slice %reshape3A_1254 {offsets = [0, 8, 0], sizes = [8, 8, 1024], strides = [1, 1, 1]} : vector<8x16x1024xf32> to vector<8x8x1024xf32>
    %slice3A_1258 = vector.extract_strided_slice %reshape3A_1255 {offsets = [0, 0, 0], sizes = [8, 8, 1024], strides = [1, 1, 1]} : vector<8x16x1024xi32> to vector<8x8x1024xi32>
    %slice3A_1259 = vector.extract_strided_slice %reshape3A_1255 {offsets = [0, 8, 0], sizes = [8, 8, 1024], strides = [1, 1, 1]} : vector<8x16x1024xi32> to vector<8x8x1024xi32>
    %ge3A_1260 = arith.cmpf oge, %slice3A_1256, %slice3A_1257 : vector<8x8x1024xf32>
    %select_n3A_1261 = arith.select %ge3A_1260, %slice3A_1256, %slice3A_1257 : vector<8x8x1024xi1>, vector<8x8x1024xf32>
    %add3A_1262 = arith.constant 16 : i32
    %add3A_1263 = vector.broadcast %add3A_1262 : i32 to vector<8x8x1024xi32>
    %add3A_1264 = arith.addi %slice3A_1259, %add3A_1263 : vector<8x8x1024xi32>
    %select_n3A_1265 = arith.select %ge3A_1260, %slice3A_1258, %add3A_1264 : vector<8x8x1024xi1>, vector<8x8x1024xi32>
    %reshape3A_1266 = vector.shape_cast %select_n3A_1261 : vector<8x8x1024xf32> to vector<4x16x1024xf32>
    %reshape3A_1267 = vector.shape_cast %select_n3A_1265 : vector<8x8x1024xi32> to vector<4x16x1024xi32>
    %slice3A_1268 = vector.extract_strided_slice %reshape3A_1266 {offsets = [0, 0, 0], sizes = [4, 8, 1024], strides = [1, 1, 1]} : vector<4x16x1024xf32> to vector<4x8x1024xf32>
    %slice3A_1269 = vector.extract_strided_slice %reshape3A_1266 {offsets = [0, 8, 0], sizes = [4, 8, 1024], strides = [1, 1, 1]} : vector<4x16x1024xf32> to vector<4x8x1024xf32>
    %slice3A_1270 = vector.extract_strided_slice %reshape3A_1267 {offsets = [0, 0, 0], sizes = [4, 8, 1024], strides = [1, 1, 1]} : vector<4x16x1024xi32> to vector<4x8x1024xi32>
    %slice3A_1271 = vector.extract_strided_slice %reshape3A_1267 {offsets = [0, 8, 0], sizes = [4, 8, 1024], strides = [1, 1, 1]} : vector<4x16x1024xi32> to vector<4x8x1024xi32>
    %ge3A_1272 = arith.cmpf oge, %slice3A_1268, %slice3A_1269 : vector<4x8x1024xf32>
    %select_n3A_1273 = arith.select %ge3A_1272, %slice3A_1268, %slice3A_1269 : vector<4x8x1024xi1>, vector<4x8x1024xf32>
    %add3A_1274 = arith.constant 32 : i32
    %add3A_1275 = vector.broadcast %add3A_1274 : i32 to vector<4x8x1024xi32>
    %add3A_1276 = arith.addi %slice3A_1271, %add3A_1275 : vector<4x8x1024xi32>
    %select_n3A_1277 = arith.select %ge3A_1272, %slice3A_1270, %add3A_1276 : vector<4x8x1024xi1>, vector<4x8x1024xi32>
    %reshape3A_1278 = vector.shape_cast %select_n3A_1273 : vector<4x8x1024xf32> to vector<2x16x1024xf32>
    %reshape3A_1279 = vector.shape_cast %select_n3A_1277 : vector<4x8x1024xi32> to vector<2x16x1024xi32>
    %slice3A_1280 = vector.extract_strided_slice %reshape3A_1278 {offsets = [0, 0, 0], sizes = [2, 8, 1024], strides = [1, 1, 1]} : vector<2x16x1024xf32> to vector<2x8x1024xf32>
    %slice3A_1281 = vector.extract_strided_slice %reshape3A_1278 {offsets = [0, 8, 0], sizes = [2, 8, 1024], strides = [1, 1, 1]} : vector<2x16x1024xf32> to vector<2x8x1024xf32>
    %slice3A_1282 = vector.extract_strided_slice %reshape3A_1279 {offsets = [0, 0, 0], sizes = [2, 8, 1024], strides = [1, 1, 1]} : vector<2x16x1024xi32> to vector<2x8x1024xi32>
    %slice3A_1283 = vector.extract_strided_slice %reshape3A_1279 {offsets = [0, 8, 0], sizes = [2, 8, 1024], strides = [1, 1, 1]} : vector<2x16x1024xi32> to vector<2x8x1024xi32>
    %ge3A_1284 = arith.cmpf oge, %slice3A_1280, %slice3A_1281 : vector<2x8x1024xf32>
    %select_n3A_1285 = arith.select %ge3A_1284, %slice3A_1280, %slice3A_1281 : vector<2x8x1024xi1>, vector<2x8x1024xf32>
    %add3A_1286 = arith.constant 64 : i32
    %add3A_1287 = vector.broadcast %add3A_1286 : i32 to vector<2x8x1024xi32>
    %add3A_1288 = arith.addi %slice3A_1283, %add3A_1287 : vector<2x8x1024xi32>
    %select_n3A_1289 = arith.select %ge3A_1284, %slice3A_1282, %add3A_1288 : vector<2x8x1024xi1>, vector<2x8x1024xi32>
    %reshape3A_1290 = vector.shape_cast %select_n3A_1285 : vector<2x8x1024xf32> to vector<1x16x1024xf32>
    %reshape3A_1291 = vector.shape_cast %select_n3A_1289 : vector<2x8x1024xi32> to vector<1x16x1024xi32>
    %slice3A_1292 = vector.extract_strided_slice %reshape3A_1290 {offsets = [0, 0, 0], sizes = [1, 8, 1024], strides = [1, 1, 1]} : vector<1x16x1024xf32> to vector<1x8x1024xf32>
    %slice3A_1293 = vector.extract_strided_slice %reshape3A_1290 {offsets = [0, 8, 0], sizes = [1, 8, 1024], strides = [1, 1, 1]} : vector<1x16x1024xf32> to vector<1x8x1024xf32>
    %slice3A_1294 = vector.extract_strided_slice %reshape3A_1291 {offsets = [0, 0, 0], sizes = [1, 8, 1024], strides = [1, 1, 1]} : vector<1x16x1024xi32> to vector<1x8x1024xi32>
    %slice3A_1295 = vector.extract_strided_slice %reshape3A_1291 {offsets = [0, 8, 0], sizes = [1, 8, 1024], strides = [1, 1, 1]} : vector<1x16x1024xi32> to vector<1x8x1024xi32>
    %ge3A_1296 = arith.cmpf oge, %slice3A_1292, %slice3A_1293 : vector<1x8x1024xf32>
    %select_n3A_1297 = arith.select %ge3A_1296, %slice3A_1292, %slice3A_1293 : vector<1x8x1024xi1>, vector<1x8x1024xf32>
    %add3A_1298 = arith.constant 128 : i32
    %add3A_1299 = vector.broadcast %add3A_1298 : i32 to vector<1x8x1024xi32>
    %add3A_1300 = arith.addi %slice3A_1295, %add3A_1299 : vector<1x8x1024xi32>
    %select_n3A_1301 = arith.select %ge3A_1296, %slice3A_1294, %add3A_1300 : vector<1x8x1024xi1>, vector<1x8x1024xi32>
    %reshape3A_1302 = vector.shape_cast %select_n3A_1297 : vector<1x8x1024xf32> to vector<8x1024xf32>
    %reshape3A_1303 = vector.shape_cast %select_n3A_1301 : vector<1x8x1024xi32> to vector<8x1024xi32>
    %mul3A_1304 = arith.constant 8 : i32
    %mul3A_1305 = vector.broadcast %mul3A_1304 : i32 to vector<8x1024xi32>
    %mul3A_1306 = arith.muli %reshape3A_1303, %mul3A_1305 : vector<8x1024xi32>
    %add3A_1307 = arith.constant 4096 : i32
    %add3A_1308 = vector.broadcast %add3A_1307 : i32 to vector<8x1024xi32>
    %add3A_1309 = arith.addi %mul3A_1306, %add3A_1308 : vector<8x1024xi32>
    %reshape3A_1310 = vector.shape_cast %dot_general3A_1207 : vector<2048x1024xf32> to vector<128x16x1024xf32>
    %slice3A_1311 = vector.extract_strided_slice %reshape3A_1310 {offsets = [0, 0, 0], sizes = [128, 8, 1024], strides = [1, 1, 1]} : vector<128x16x1024xf32> to vector<128x8x1024xf32>
    %slice3A_1312 = vector.extract_strided_slice %reshape3A_1310 {offsets = [0, 8, 0], sizes = [128, 8, 1024], strides = [1, 1, 1]} : vector<128x16x1024xf32> to vector<128x8x1024xf32>
    %ge3A_1313 = arith.cmpf oge, %slice3A_1311, %slice3A_1312 : vector<128x8x1024xf32>
    %select_n3A_1314 = arith.select %ge3A_1313, %slice3A_1311, %slice3A_1312 : vector<128x8x1024xi1>, vector<128x8x1024xf32>
    %jit3A_1315 = arith.constant 0 : i32
    %jit3A_1316 = arith.constant 1 : i32
    %broadcast_in_dim3A_1317 = vector.broadcast %jit3A_1315 : i32 to vector<128x8x1024xi32>
    %broadcast_in_dim3A_1318 = vector.broadcast %jit3A_1316 : i32 to vector<128x8x1024xi32>
    %select_n3A_1319 = arith.select %ge3A_1313, %broadcast_in_dim3A_1317, %broadcast_in_dim3A_1318 : vector<128x8x1024xi1>, vector<128x8x1024xi32>
    %reshape3A_1320 = vector.shape_cast %select_n3A_1314 : vector<128x8x1024xf32> to vector<64x16x1024xf32>
    %reshape3A_1321 = vector.shape_cast %select_n3A_1319 : vector<128x8x1024xi32> to vector<64x16x1024xi32>
    %slice3A_1322 = vector.extract_strided_slice %reshape3A_1320 {offsets = [0, 0, 0], sizes = [64, 8, 1024], strides = [1, 1, 1]} : vector<64x16x1024xf32> to vector<64x8x1024xf32>
    %slice3A_1323 = vector.extract_strided_slice %reshape3A_1320 {offsets = [0, 8, 0], sizes = [64, 8, 1024], strides = [1, 1, 1]} : vector<64x16x1024xf32> to vector<64x8x1024xf32>
    %slice3A_1324 = vector.extract_strided_slice %reshape3A_1321 {offsets = [0, 0, 0], sizes = [64, 8, 1024], strides = [1, 1, 1]} : vector<64x16x1024xi32> to vector<64x8x1024xi32>
    %slice3A_1325 = vector.extract_strided_slice %reshape3A_1321 {offsets = [0, 8, 0], sizes = [64, 8, 1024], strides = [1, 1, 1]} : vector<64x16x1024xi32> to vector<64x8x1024xi32>
    %ge3A_1326 = arith.cmpf oge, %slice3A_1322, %slice3A_1323 : vector<64x8x1024xf32>
    %select_n3A_1327 = arith.select %ge3A_1326, %slice3A_1322, %slice3A_1323 : vector<64x8x1024xi1>, vector<64x8x1024xf32>
    %add3A_1328 = arith.constant 2 : i32
    %add3A_1329 = vector.broadcast %add3A_1328 : i32 to vector<64x8x1024xi32>
    %add3A_1330 = arith.addi %slice3A_1325, %add3A_1329 : vector<64x8x1024xi32>
    %select_n3A_1331 = arith.select %ge3A_1326, %slice3A_1324, %add3A_1330 : vector<64x8x1024xi1>, vector<64x8x1024xi32>
    %reshape3A_1332 = vector.shape_cast %select_n3A_1327 : vector<64x8x1024xf32> to vector<32x16x1024xf32>
    %reshape3A_1333 = vector.shape_cast %select_n3A_1331 : vector<64x8x1024xi32> to vector<32x16x1024xi32>
    %slice3A_1334 = vector.extract_strided_slice %reshape3A_1332 {offsets = [0, 0, 0], sizes = [32, 8, 1024], strides = [1, 1, 1]} : vector<32x16x1024xf32> to vector<32x8x1024xf32>
    %slice3A_1335 = vector.extract_strided_slice %reshape3A_1332 {offsets = [0, 8, 0], sizes = [32, 8, 1024], strides = [1, 1, 1]} : vector<32x16x1024xf32> to vector<32x8x1024xf32>
    %slice3A_1336 = vector.extract_strided_slice %reshape3A_1333 {offsets = [0, 0, 0], sizes = [32, 8, 1024], strides = [1, 1, 1]} : vector<32x16x1024xi32> to vector<32x8x1024xi32>
    %slice3A_1337 = vector.extract_strided_slice %reshape3A_1333 {offsets = [0, 8, 0], sizes = [32, 8, 1024], strides = [1, 1, 1]} : vector<32x16x1024xi32> to vector<32x8x1024xi32>
    %ge3A_1338 = arith.cmpf oge, %slice3A_1334, %slice3A_1335 : vector<32x8x1024xf32>
    %select_n3A_1339 = arith.select %ge3A_1338, %slice3A_1334, %slice3A_1335 : vector<32x8x1024xi1>, vector<32x8x1024xf32>
    %add3A_1340 = arith.constant 4 : i32
    %add3A_1341 = vector.broadcast %add3A_1340 : i32 to vector<32x8x1024xi32>
    %add3A_1342 = arith.addi %slice3A_1337, %add3A_1341 : vector<32x8x1024xi32>
    %select_n3A_1343 = arith.select %ge3A_1338, %slice3A_1336, %add3A_1342 : vector<32x8x1024xi1>, vector<32x8x1024xi32>
    %reshape3A_1344 = vector.shape_cast %select_n3A_1339 : vector<32x8x1024xf32> to vector<16x16x1024xf32>
    %reshape3A_1345 = vector.shape_cast %select_n3A_1343 : vector<32x8x1024xi32> to vector<16x16x1024xi32>
    %slice3A_1346 = vector.extract_strided_slice %reshape3A_1344 {offsets = [0, 0, 0], sizes = [16, 8, 1024], strides = [1, 1, 1]} : vector<16x16x1024xf32> to vector<16x8x1024xf32>
    %slice3A_1347 = vector.extract_strided_slice %reshape3A_1344 {offsets = [0, 8, 0], sizes = [16, 8, 1024], strides = [1, 1, 1]} : vector<16x16x1024xf32> to vector<16x8x1024xf32>
    %slice3A_1348 = vector.extract_strided_slice %reshape3A_1345 {offsets = [0, 0, 0], sizes = [16, 8, 1024], strides = [1, 1, 1]} : vector<16x16x1024xi32> to vector<16x8x1024xi32>
    %slice3A_1349 = vector.extract_strided_slice %reshape3A_1345 {offsets = [0, 8, 0], sizes = [16, 8, 1024], strides = [1, 1, 1]} : vector<16x16x1024xi32> to vector<16x8x1024xi32>
    %ge3A_1350 = arith.cmpf oge, %slice3A_1346, %slice3A_1347 : vector<16x8x1024xf32>
    %select_n3A_1351 = arith.select %ge3A_1350, %slice3A_1346, %slice3A_1347 : vector<16x8x1024xi1>, vector<16x8x1024xf32>
    %add3A_1352 = arith.constant 8 : i32
    %add3A_1353 = vector.broadcast %add3A_1352 : i32 to vector<16x8x1024xi32>
    %add3A_1354 = arith.addi %slice3A_1349, %add3A_1353 : vector<16x8x1024xi32>
    %select_n3A_1355 = arith.select %ge3A_1350, %slice3A_1348, %add3A_1354 : vector<16x8x1024xi1>, vector<16x8x1024xi32>
    %reshape3A_1356 = vector.shape_cast %select_n3A_1351 : vector<16x8x1024xf32> to vector<8x16x1024xf32>
    %reshape3A_1357 = vector.shape_cast %select_n3A_1355 : vector<16x8x1024xi32> to vector<8x16x1024xi32>
    %slice3A_1358 = vector.extract_strided_slice %reshape3A_1356 {offsets = [0, 0, 0], sizes = [8, 8, 1024], strides = [1, 1, 1]} : vector<8x16x1024xf32> to vector<8x8x1024xf32>
    %slice3A_1359 = vector.extract_strided_slice %reshape3A_1356 {offsets = [0, 8, 0], sizes = [8, 8, 1024], strides = [1, 1, 1]} : vector<8x16x1024xf32> to vector<8x8x1024xf32>
    %slice3A_1360 = vector.extract_strided_slice %reshape3A_1357 {offsets = [0, 0, 0], sizes = [8, 8, 1024], strides = [1, 1, 1]} : vector<8x16x1024xi32> to vector<8x8x1024xi32>
    %slice3A_1361 = vector.extract_strided_slice %reshape3A_1357 {offsets = [0, 8, 0], sizes = [8, 8, 1024], strides = [1, 1, 1]} : vector<8x16x1024xi32> to vector<8x8x1024xi32>
    %ge3A_1362 = arith.cmpf oge, %slice3A_1358, %slice3A_1359 : vector<8x8x1024xf32>
    %select_n3A_1363 = arith.select %ge3A_1362, %slice3A_1358, %slice3A_1359 : vector<8x8x1024xi1>, vector<8x8x1024xf32>
    %add3A_1364 = arith.constant 16 : i32
    %add3A_1365 = vector.broadcast %add3A_1364 : i32 to vector<8x8x1024xi32>
    %add3A_1366 = arith.addi %slice3A_1361, %add3A_1365 : vector<8x8x1024xi32>
    %select_n3A_1367 = arith.select %ge3A_1362, %slice3A_1360, %add3A_1366 : vector<8x8x1024xi1>, vector<8x8x1024xi32>
    %reshape3A_1368 = vector.shape_cast %select_n3A_1363 : vector<8x8x1024xf32> to vector<4x16x1024xf32>
    %reshape3A_1369 = vector.shape_cast %select_n3A_1367 : vector<8x8x1024xi32> to vector<4x16x1024xi32>
    %slice3A_1370 = vector.extract_strided_slice %reshape3A_1368 {offsets = [0, 0, 0], sizes = [4, 8, 1024], strides = [1, 1, 1]} : vector<4x16x1024xf32> to vector<4x8x1024xf32>
    %slice3A_1371 = vector.extract_strided_slice %reshape3A_1368 {offsets = [0, 8, 0], sizes = [4, 8, 1024], strides = [1, 1, 1]} : vector<4x16x1024xf32> to vector<4x8x1024xf32>
    %slice3A_1372 = vector.extract_strided_slice %reshape3A_1369 {offsets = [0, 0, 0], sizes = [4, 8, 1024], strides = [1, 1, 1]} : vector<4x16x1024xi32> to vector<4x8x1024xi32>
    %slice3A_1373 = vector.extract_strided_slice %reshape3A_1369 {offsets = [0, 8, 0], sizes = [4, 8, 1024], strides = [1, 1, 1]} : vector<4x16x1024xi32> to vector<4x8x1024xi32>
    %ge3A_1374 = arith.cmpf oge, %slice3A_1370, %slice3A_1371 : vector<4x8x1024xf32>
    %select_n3A_1375 = arith.select %ge3A_1374, %slice3A_1370, %slice3A_1371 : vector<4x8x1024xi1>, vector<4x8x1024xf32>
    %add3A_1376 = arith.constant 32 : i32
    %add3A_1377 = vector.broadcast %add3A_1376 : i32 to vector<4x8x1024xi32>
    %add3A_1378 = arith.addi %slice3A_1373, %add3A_1377 : vector<4x8x1024xi32>
    %select_n3A_1379 = arith.select %ge3A_1374, %slice3A_1372, %add3A_1378 : vector<4x8x1024xi1>, vector<4x8x1024xi32>
    %reshape3A_1380 = vector.shape_cast %select_n3A_1375 : vector<4x8x1024xf32> to vector<2x16x1024xf32>
    %reshape3A_1381 = vector.shape_cast %select_n3A_1379 : vector<4x8x1024xi32> to vector<2x16x1024xi32>
    %slice3A_1382 = vector.extract_strided_slice %reshape3A_1380 {offsets = [0, 0, 0], sizes = [2, 8, 1024], strides = [1, 1, 1]} : vector<2x16x1024xf32> to vector<2x8x1024xf32>
    %slice3A_1383 = vector.extract_strided_slice %reshape3A_1380 {offsets = [0, 8, 0], sizes = [2, 8, 1024], strides = [1, 1, 1]} : vector<2x16x1024xf32> to vector<2x8x1024xf32>
    %slice3A_1384 = vector.extract_strided_slice %reshape3A_1381 {offsets = [0, 0, 0], sizes = [2, 8, 1024], strides = [1, 1, 1]} : vector<2x16x1024xi32> to vector<2x8x1024xi32>
    %slice3A_1385 = vector.extract_strided_slice %reshape3A_1381 {offsets = [0, 8, 0], sizes = [2, 8, 1024], strides = [1, 1, 1]} : vector<2x16x1024xi32> to vector<2x8x1024xi32>
    %ge3A_1386 = arith.cmpf oge, %slice3A_1382, %slice3A_1383 : vector<2x8x1024xf32>
    %select_n3A_1387 = arith.select %ge3A_1386, %slice3A_1382, %slice3A_1383 : vector<2x8x1024xi1>, vector<2x8x1024xf32>
    %add3A_1388 = arith.constant 64 : i32
    %add3A_1389 = vector.broadcast %add3A_1388 : i32 to vector<2x8x1024xi32>
    %add3A_1390 = arith.addi %slice3A_1385, %add3A_1389 : vector<2x8x1024xi32>
    %select_n3A_1391 = arith.select %ge3A_1386, %slice3A_1384, %add3A_1390 : vector<2x8x1024xi1>, vector<2x8x1024xi32>
    %reshape3A_1392 = vector.shape_cast %select_n3A_1387 : vector<2x8x1024xf32> to vector<1x16x1024xf32>
    %reshape3A_1393 = vector.shape_cast %select_n3A_1391 : vector<2x8x1024xi32> to vector<1x16x1024xi32>
    %slice3A_1394 = vector.extract_strided_slice %reshape3A_1392 {offsets = [0, 0, 0], sizes = [1, 8, 1024], strides = [1, 1, 1]} : vector<1x16x1024xf32> to vector<1x8x1024xf32>
    %slice3A_1395 = vector.extract_strided_slice %reshape3A_1392 {offsets = [0, 8, 0], sizes = [1, 8, 1024], strides = [1, 1, 1]} : vector<1x16x1024xf32> to vector<1x8x1024xf32>
    %slice3A_1396 = vector.extract_strided_slice %reshape3A_1393 {offsets = [0, 0, 0], sizes = [1, 8, 1024], strides = [1, 1, 1]} : vector<1x16x1024xi32> to vector<1x8x1024xi32>
    %slice3A_1397 = vector.extract_strided_slice %reshape3A_1393 {offsets = [0, 8, 0], sizes = [1, 8, 1024], strides = [1, 1, 1]} : vector<1x16x1024xi32> to vector<1x8x1024xi32>
    %ge3A_1398 = arith.cmpf oge, %slice3A_1394, %slice3A_1395 : vector<1x8x1024xf32>
    %select_n3A_1399 = arith.select %ge3A_1398, %slice3A_1394, %slice3A_1395 : vector<1x8x1024xi1>, vector<1x8x1024xf32>
    %add3A_1400 = arith.constant 128 : i32
    %add3A_1401 = vector.broadcast %add3A_1400 : i32 to vector<1x8x1024xi32>
    %add3A_1402 = arith.addi %slice3A_1397, %add3A_1401 : vector<1x8x1024xi32>
    %select_n3A_1403 = arith.select %ge3A_1398, %slice3A_1396, %add3A_1402 : vector<1x8x1024xi1>, vector<1x8x1024xi32>
    %reshape3A_1404 = vector.shape_cast %select_n3A_1399 : vector<1x8x1024xf32> to vector<8x1024xf32>
    %reshape3A_1405 = vector.shape_cast %select_n3A_1403 : vector<1x8x1024xi32> to vector<8x1024xi32>
    %mul3A_1406 = arith.constant 8 : i32
    %mul3A_1407 = vector.broadcast %mul3A_1406 : i32 to vector<8x1024xi32>
    %mul3A_1408 = arith.muli %reshape3A_1405, %mul3A_1407 : vector<8x1024xi32>
    %add3A_1409 = arith.constant 6144 : i32
    %add3A_1410 = vector.broadcast %add3A_1409 : i32 to vector<8x1024xi32>
    %add3A_1411 = arith.addi %mul3A_1408, %add3A_1410 : vector<8x1024xi32>
    %iota3A_1412 = tpu.iota {dimensions = array<i32: 0>} : vector<8x1024xi32>
    %add3A_1413 = arith.addi %add3A_1095, %iota3A_1412 : vector<8x1024xi32>
    %add3A_1414 = arith.addi %add3A_1202, %iota3A_1412 : vector<8x1024xi32>
    %ge3A_1415 = arith.cmpf oge, %reshape3A_1088, %reshape3A_1195 : vector<8x1024xf32>
    %select_n3A_1416 = arith.select %ge3A_1415, %reshape3A_1088, %reshape3A_1195 : vector<8x1024xi1>, vector<8x1024xf32>
    %select_n3A_1417 = arith.select %ge3A_1415, %add3A_1413, %add3A_1414 : vector<8x1024xi1>, vector<8x1024xi32>
    %add3A_1418 = arith.addi %add3A_1309, %iota3A_1412 : vector<8x1024xi32>
    %ge3A_1419 = arith.cmpf oge, %select_n3A_1416, %reshape3A_1302 : vector<8x1024xf32>
    %select_n3A_1420 = arith.select %ge3A_1419, %select_n3A_1416, %reshape3A_1302 : vector<8x1024xi1>, vector<8x1024xf32>
    %select_n3A_1421 = arith.select %ge3A_1419, %select_n3A_1417, %add3A_1418 : vector<8x1024xi1>, vector<8x1024xi32>
    %add3A_1422 = arith.addi %add3A_1411, %iota3A_1412 : vector<8x1024xi32>
    %ge3A_1423 = arith.cmpf oge, %select_n3A_1420, %reshape3A_1404 : vector<8x1024xf32>
    %select_n3A_1424 = arith.select %ge3A_1423, %select_n3A_1420, %reshape3A_1404 : vector<8x1024xi1>, vector<8x1024xf32>
    %select_n3A_1425 = arith.select %ge3A_1423, %select_n3A_1421, %add3A_1422 : vector<8x1024xi1>, vector<8x1024xi32>
    %slice3A_1426 = vector.extract_strided_slice %select_n3A_1424 {offsets = [0, 0], sizes = [4, 1024], strides = [1, 1]} : vector<8x1024xf32> to vector<4x1024xf32>
    %slice3A_1427 = vector.extract_strided_slice %select_n3A_1424 {offsets = [4, 0], sizes = [4, 1024], strides = [1, 1]} : vector<8x1024xf32> to vector<4x1024xf32>
    %slice3A_1428 = vector.extract_strided_slice %select_n3A_1425 {offsets = [0, 0], sizes = [4, 1024], strides = [1, 1]} : vector<8x1024xi32> to vector<4x1024xi32>
    %slice3A_1429 = vector.extract_strided_slice %select_n3A_1425 {offsets = [4, 0], sizes = [4, 1024], strides = [1, 1]} : vector<8x1024xi32> to vector<4x1024xi32>
    %gt3A_1430 = arith.cmpf ogt, %slice3A_1426, %slice3A_1427 : vector<4x1024xf32>
    %eq3A_1431 = arith.cmpf oeq, %slice3A_1426, %slice3A_1427 : vector<4x1024xf32>
    %lt3A_1432 = arith.cmpi slt, %slice3A_1428, %slice3A_1429 : vector<4x1024xi32>
    %and3A_1433 = arith.andi %eq3A_1431, %lt3A_1432 : vector<4x1024xi1>
    %or3A_1434 = arith.ori %gt3A_1430, %and3A_1433 : vector<4x1024xi1>
    %select_n3A_1435 = arith.select %or3A_1434, %slice3A_1426, %slice3A_1427 : vector<4x1024xi1>, vector<4x1024xf32>
    %select_n3A_1436 = arith.select %or3A_1434, %slice3A_1428, %slice3A_1429 : vector<4x1024xi1>, vector<4x1024xi32>
    %slice3A_1437 = vector.extract_strided_slice %select_n3A_1435 {offsets = [0, 0], sizes = [2, 1024], strides = [1, 1]} : vector<4x1024xf32> to vector<2x1024xf32>
    %slice3A_1438 = vector.extract_strided_slice %select_n3A_1435 {offsets = [2, 0], sizes = [2, 1024], strides = [1, 1]} : vector<4x1024xf32> to vector<2x1024xf32>
    %slice3A_1439 = vector.extract_strided_slice %select_n3A_1436 {offsets = [0, 0], sizes = [2, 1024], strides = [1, 1]} : vector<4x1024xi32> to vector<2x1024xi32>
    %slice3A_1440 = vector.extract_strided_slice %select_n3A_1436 {offsets = [2, 0], sizes = [2, 1024], strides = [1, 1]} : vector<4x1024xi32> to vector<2x1024xi32>
    %gt3A_1441 = arith.cmpf ogt, %slice3A_1437, %slice3A_1438 : vector<2x1024xf32>
    %eq3A_1442 = arith.cmpf oeq, %slice3A_1437, %slice3A_1438 : vector<2x1024xf32>
    %lt3A_1443 = arith.cmpi slt, %slice3A_1439, %slice3A_1440 : vector<2x1024xi32>
    %and3A_1444 = arith.andi %eq3A_1442, %lt3A_1443 : vector<2x1024xi1>
    %or3A_1445 = arith.ori %gt3A_1441, %and3A_1444 : vector<2x1024xi1>
    %select_n3A_1446 = arith.select %or3A_1445, %slice3A_1437, %slice3A_1438 : vector<2x1024xi1>, vector<2x1024xf32>
    %select_n3A_1447 = arith.select %or3A_1445, %slice3A_1439, %slice3A_1440 : vector<2x1024xi1>, vector<2x1024xi32>
    %slice3A_1448 = vector.extract_strided_slice %select_n3A_1446 {offsets = [0, 0], sizes = [1, 1024], strides = [1, 1]} : vector<2x1024xf32> to vector<1x1024xf32>
    %slice3A_1449 = vector.extract_strided_slice %select_n3A_1446 {offsets = [1, 0], sizes = [1, 1024], strides = [1, 1]} : vector<2x1024xf32> to vector<1x1024xf32>
    %slice3A_1450 = vector.extract_strided_slice %select_n3A_1447 {offsets = [0, 0], sizes = [1, 1024], strides = [1, 1]} : vector<2x1024xi32> to vector<1x1024xi32>
    %slice3A_1451 = vector.extract_strided_slice %select_n3A_1447 {offsets = [1, 0], sizes = [1, 1024], strides = [1, 1]} : vector<2x1024xi32> to vector<1x1024xi32>
    %gt3A_1452 = arith.cmpf ogt, %slice3A_1448, %slice3A_1449 : vector<1x1024xf32>
    %eq3A_1453 = arith.cmpf oeq, %slice3A_1448, %slice3A_1449 : vector<1x1024xf32>
    %lt3A_1454 = arith.cmpi slt, %slice3A_1450, %slice3A_1451 : vector<1x1024xi32>
    %and3A_1455 = arith.andi %eq3A_1453, %lt3A_1454 : vector<1x1024xi1>
    %or3A_1456 = arith.ori %gt3A_1452, %and3A_1455 : vector<1x1024xi1>
    %select_n3A_1457 = arith.select %or3A_1456, %slice3A_1450, %slice3A_1451 : vector<1x1024xi1>, vector<1x1024xi32>
    %swap3A_1458 = arith.constant 2 : index
    %swap3A_1459 = arith.constant 0 : index
    %swap3A_1460 = arith.constant 0 : index
    %swap3A_1461 = vector.load %arg3[%swap3A_1458, %swap3A_1459, %swap3A_1460] : memref<4x1x1024xi32, #tpu.memory_space<vmem>>, vector<1x1x1024xi32>
    %swap3A_1462 = vector.shape_cast %swap3A_1461 : vector<1x1x1024xi32> to vector<1x1024xi32>
    %swap3A_1463 = vector.shape_cast %select_n3A_1457 : vector<1x1024xi32> to vector<1x1x1024xi32>
    tpu.vector_store %arg3[%swap3A_1458, %swap3A_1459, %swap3A_1460], %swap3A_1463 {strides = array<i32>} : memref<4x1x1024xi32, #tpu.memory_space<vmem>>, vector<1x1x1024xi32>,
    %get3A_1464 = arith.constant 3 : index
    %get3A_1465 = arith.constant 0 : index
    %get3A_1466 = arith.constant 0 : index
    %get3A_1467 = vector.load %arg1[%get3A_1464, %get3A_1465, %get3A_1466] : memref<4x64x1024xf32, #tpu.memory_space<vmem>>, vector<1x64x1024xf32>
    %get3A_1468 = vector.shape_cast %get3A_1467 : vector<1x64x1024xf32> to vector<64x1024xf32>
    %mul3A_1469 = arith.mulf %get3A_1468, %get3A_1468 : vector<64x1024xf32>
    %reduce_sum3A_1470 = arith.constant dense<0.000000e+00> : vector<1024xf32>
    %reduce_sum3A_1471 = vector.multi_reduction <add>, %mul3A_1469, %reduce_sum3A_1470 [0] : vector<64x1024xf32> to vector<1024xf32>
    %broadcast_in_dim3A_1472 = vector.shape_cast %reduce_sum3A_1471 : vector<1024xf32> to vector<1x1024xf32>
    %sqrt3A_1473 = math.sqrt %broadcast_in_dim3A_1472 : vector<1x1024xf32>
    %max3A_1474 = arith.constant 9.99999996E-13 : f32
    %max3A_1475 = vector.broadcast %max3A_1474 : f32 to vector<1x1024xf32>
    %max3A_1476 = arith.maximumf %sqrt3A_1473, %max3A_1475 : vector<1x1024xf32>
    %div3A_1477 = vector.broadcast %max3A_1476 : vector<1x1024xf32> to vector<64x1024xf32>
    %div3A_1478 = arith.divf %get3A_1468, %div3A_1477 : vector<64x1024xf32>
    %get3A_1479 = arith.constant 0 : index
    %get3A_1480 = arith.constant 0 : index
    %get3A_1481 = vector.load %arg2[%get3A_1479, %get3A_1480] : memref<8192x64xf32, #tpu.memory_space<vmem>>, vector<2048x64xf32>
    %dot_general3A_1482 = arith.constant dense<0.000000e+00> : vector<2048x1024xf32>
    %dot_general3A_1483 = tpu.matmul %get3A_1481, %div3A_1478, %dot_general3A_1482 {dimension_numbers = #tpu.dot_dimension_numbers<[1], [0], [0], [1], [0, 0, 1, 1], [], []>, transpose_lhs_hint = false} : vector<2048x64xf32>, vector<64x1024xf32>, vector<2048x1024xf32> -> vector<2048x1024xf32>
    %get3A_1484 = arith.constant 2048 : index
    %get3A_1485 = arith.constant 0 : index
    %get3A_1486 = vector.load %arg2[%get3A_1484, %get3A_1485] : memref<8192x64xf32, #tpu.memory_space<vmem>>, vector<2048x64xf32>
    %dot_general3A_1487 = arith.constant dense<0.000000e+00> : vector<2048x1024xf32>
    %dot_general3A_1488 = tpu.matmul %get3A_1486, %div3A_1478, %dot_general3A_1487 {dimension_numbers = #tpu.dot_dimension_numbers<[1], [0], [0], [1], [0, 0, 1, 1], [], []>, transpose_lhs_hint = false} : vector<2048x64xf32>, vector<64x1024xf32>, vector<2048x1024xf32> -> vector<2048x1024xf32>
    %reshape3A_1489 = vector.shape_cast %dot_general3A_1483 : vector<2048x1024xf32> to vector<128x16x1024xf32>
    %slice3A_1490 = vector.extract_strided_slice %reshape3A_1489 {offsets = [0, 0, 0], sizes = [128, 8, 1024], strides = [1, 1, 1]} : vector<128x16x1024xf32> to vector<128x8x1024xf32>
    %slice3A_1491 = vector.extract_strided_slice %reshape3A_1489 {offsets = [0, 8, 0], sizes = [128, 8, 1024], strides = [1, 1, 1]} : vector<128x16x1024xf32> to vector<128x8x1024xf32>
    %ge3A_1492 = arith.cmpf oge, %slice3A_1490, %slice3A_1491 : vector<128x8x1024xf32>
    %select_n3A_1493 = arith.select %ge3A_1492, %slice3A_1490, %slice3A_1491 : vector<128x8x1024xi1>, vector<128x8x1024xf32>
    %jit3A_1494 = arith.constant 0 : i32
    %jit3A_1495 = arith.constant 1 : i32
    %broadcast_in_dim3A_1496 = vector.broadcast %jit3A_1494 : i32 to vector<128x8x1024xi32>
    %broadcast_in_dim3A_1497 = vector.broadcast %jit3A_1495 : i32 to vector<128x8x1024xi32>
    %select_n3A_1498 = arith.select %ge3A_1492, %broadcast_in_dim3A_1496, %broadcast_in_dim3A_1497 : vector<128x8x1024xi1>, vector<128x8x1024xi32>
    %reshape3A_1499 = vector.shape_cast %select_n3A_1493 : vector<128x8x1024xf32> to vector<64x16x1024xf32>
    %reshape3A_1500 = vector.shape_cast %select_n3A_1498 : vector<128x8x1024xi32> to vector<64x16x1024xi32>
    %slice3A_1501 = vector.extract_strided_slice %reshape3A_1499 {offsets = [0, 0, 0], sizes = [64, 8, 1024], strides = [1, 1, 1]} : vector<64x16x1024xf32> to vector<64x8x1024xf32>
    %slice3A_1502 = vector.extract_strided_slice %reshape3A_1499 {offsets = [0, 8, 0], sizes = [64, 8, 1024], strides = [1, 1, 1]} : vector<64x16x1024xf32> to vector<64x8x1024xf32>
    %slice3A_1503 = vector.extract_strided_slice %reshape3A_1500 {offsets = [0, 0, 0], sizes = [64, 8, 1024], strides = [1, 1, 1]} : vector<64x16x1024xi32> to vector<64x8x1024xi32>
    %slice3A_1504 = vector.extract_strided_slice %reshape3A_1500 {offsets = [0, 8, 0], sizes = [64, 8, 1024], strides = [1, 1, 1]} : vector<64x16x1024xi32> to vector<64x8x1024xi32>
    %ge3A_1505 = arith.cmpf oge, %slice3A_1501, %slice3A_1502 : vector<64x8x1024xf32>
    %select_n3A_1506 = arith.select %ge3A_1505, %slice3A_1501, %slice3A_1502 : vector<64x8x1024xi1>, vector<64x8x1024xf32>
    %add3A_1507 = arith.constant 2 : i32
    %add3A_1508 = vector.broadcast %add3A_1507 : i32 to vector<64x8x1024xi32>
    %add3A_1509 = arith.addi %slice3A_1504, %add3A_1508 : vector<64x8x1024xi32>
    %select_n3A_1510 = arith.select %ge3A_1505, %slice3A_1503, %add3A_1509 : vector<64x8x1024xi1>, vector<64x8x1024xi32>
    %reshape3A_1511 = vector.shape_cast %select_n3A_1506 : vector<64x8x1024xf32> to vector<32x16x1024xf32>
    %reshape3A_1512 = vector.shape_cast %select_n3A_1510 : vector<64x8x1024xi32> to vector<32x16x1024xi32>
    %slice3A_1513 = vector.extract_strided_slice %reshape3A_1511 {offsets = [0, 0, 0], sizes = [32, 8, 1024], strides = [1, 1, 1]} : vector<32x16x1024xf32> to vector<32x8x1024xf32>
    %slice3A_1514 = vector.extract_strided_slice %reshape3A_1511 {offsets = [0, 8, 0], sizes = [32, 8, 1024], strides = [1, 1, 1]} : vector<32x16x1024xf32> to vector<32x8x1024xf32>
    %slice3A_1515 = vector.extract_strided_slice %reshape3A_1512 {offsets = [0, 0, 0], sizes = [32, 8, 1024], strides = [1, 1, 1]} : vector<32x16x1024xi32> to vector<32x8x1024xi32>
    %slice3A_1516 = vector.extract_strided_slice %reshape3A_1512 {offsets = [0, 8, 0], sizes = [32, 8, 1024], strides = [1, 1, 1]} : vector<32x16x1024xi32> to vector<32x8x1024xi32>
    %ge3A_1517 = arith.cmpf oge, %slice3A_1513, %slice3A_1514 : vector<32x8x1024xf32>
    %select_n3A_1518 = arith.select %ge3A_1517, %slice3A_1513, %slice3A_1514 : vector<32x8x1024xi1>, vector<32x8x1024xf32>
    %add3A_1519 = arith.constant 4 : i32
    %add3A_1520 = vector.broadcast %add3A_1519 : i32 to vector<32x8x1024xi32>
    %add3A_1521 = arith.addi %slice3A_1516, %add3A_1520 : vector<32x8x1024xi32>
    %select_n3A_1522 = arith.select %ge3A_1517, %slice3A_1515, %add3A_1521 : vector<32x8x1024xi1>, vector<32x8x1024xi32>
    %reshape3A_1523 = vector.shape_cast %select_n3A_1518 : vector<32x8x1024xf32> to vector<16x16x1024xf32>
    %reshape3A_1524 = vector.shape_cast %select_n3A_1522 : vector<32x8x1024xi32> to vector<16x16x1024xi32>
    %slice3A_1525 = vector.extract_strided_slice %reshape3A_1523 {offsets = [0, 0, 0], sizes = [16, 8, 1024], strides = [1, 1, 1]} : vector<16x16x1024xf32> to vector<16x8x1024xf32>
    %slice3A_1526 = vector.extract_strided_slice %reshape3A_1523 {offsets = [0, 8, 0], sizes = [16, 8, 1024], strides = [1, 1, 1]} : vector<16x16x1024xf32> to vector<16x8x1024xf32>
    %slice3A_1527 = vector.extract_strided_slice %reshape3A_1524 {offsets = [0, 0, 0], sizes = [16, 8, 1024], strides = [1, 1, 1]} : vector<16x16x1024xi32> to vector<16x8x1024xi32>
    %slice3A_1528 = vector.extract_strided_slice %reshape3A_1524 {offsets = [0, 8, 0], sizes = [16, 8, 1024], strides = [1, 1, 1]} : vector<16x16x1024xi32> to vector<16x8x1024xi32>
    %ge3A_1529 = arith.cmpf oge, %slice3A_1525, %slice3A_1526 : vector<16x8x1024xf32>
    %select_n3A_1530 = arith.select %ge3A_1529, %slice3A_1525, %slice3A_1526 : vector<16x8x1024xi1>, vector<16x8x1024xf32>
    %add3A_1531 = arith.constant 8 : i32
    %add3A_1532 = vector.broadcast %add3A_1531 : i32 to vector<16x8x1024xi32>
    %add3A_1533 = arith.addi %slice3A_1528, %add3A_1532 : vector<16x8x1024xi32>
    %select_n3A_1534 = arith.select %ge3A_1529, %slice3A_1527, %add3A_1533 : vector<16x8x1024xi1>, vector<16x8x1024xi32>
    %reshape3A_1535 = vector.shape_cast %select_n3A_1530 : vector<16x8x1024xf32> to vector<8x16x1024xf32>
    %reshape3A_1536 = vector.shape_cast %select_n3A_1534 : vector<16x8x1024xi32> to vector<8x16x1024xi32>
    %slice3A_1537 = vector.extract_strided_slice %reshape3A_1535 {offsets = [0, 0, 0], sizes = [8, 8, 1024], strides = [1, 1, 1]} : vector<8x16x1024xf32> to vector<8x8x1024xf32>
    %slice3A_1538 = vector.extract_strided_slice %reshape3A_1535 {offsets = [0, 8, 0], sizes = [8, 8, 1024], strides = [1, 1, 1]} : vector<8x16x1024xf32> to vector<8x8x1024xf32>
    %slice3A_1539 = vector.extract_strided_slice %reshape3A_1536 {offsets = [0, 0, 0], sizes = [8, 8, 1024], strides = [1, 1, 1]} : vector<8x16x1024xi32> to vector<8x8x1024xi32>
    %slice3A_1540 = vector.extract_strided_slice %reshape3A_1536 {offsets = [0, 8, 0], sizes = [8, 8, 1024], strides = [1, 1, 1]} : vector<8x16x1024xi32> to vector<8x8x1024xi32>
    %ge3A_1541 = arith.cmpf oge, %slice3A_1537, %slice3A_1538 : vector<8x8x1024xf32>
    %select_n3A_1542 = arith.select %ge3A_1541, %slice3A_1537, %slice3A_1538 : vector<8x8x1024xi1>, vector<8x8x1024xf32>
    %add3A_1543 = arith.constant 16 : i32
    %add3A_1544 = vector.broadcast %add3A_1543 : i32 to vector<8x8x1024xi32>
    %add3A_1545 = arith.addi %slice3A_1540, %add3A_1544 : vector<8x8x1024xi32>
    %select_n3A_1546 = arith.select %ge3A_1541, %slice3A_1539, %add3A_1545 : vector<8x8x1024xi1>, vector<8x8x1024xi32>
    %reshape3A_1547 = vector.shape_cast %select_n3A_1542 : vector<8x8x1024xf32> to vector<4x16x1024xf32>
    %reshape3A_1548 = vector.shape_cast %select_n3A_1546 : vector<8x8x1024xi32> to vector<4x16x1024xi32>
    %slice3A_1549 = vector.extract_strided_slice %reshape3A_1547 {offsets = [0, 0, 0], sizes = [4, 8, 1024], strides = [1, 1, 1]} : vector<4x16x1024xf32> to vector<4x8x1024xf32>
    %slice3A_1550 = vector.extract_strided_slice %reshape3A_1547 {offsets = [0, 8, 0], sizes = [4, 8, 1024], strides = [1, 1, 1]} : vector<4x16x1024xf32> to vector<4x8x1024xf32>
    %slice3A_1551 = vector.extract_strided_slice %reshape3A_1548 {offsets = [0, 0, 0], sizes = [4, 8, 1024], strides = [1, 1, 1]} : vector<4x16x1024xi32> to vector<4x8x1024xi32>
    %slice3A_1552 = vector.extract_strided_slice %reshape3A_1548 {offsets = [0, 8, 0], sizes = [4, 8, 1024], strides = [1, 1, 1]} : vector<4x16x1024xi32> to vector<4x8x1024xi32>
    %ge3A_1553 = arith.cmpf oge, %slice3A_1549, %slice3A_1550 : vector<4x8x1024xf32>
    %select_n3A_1554 = arith.select %ge3A_1553, %slice3A_1549, %slice3A_1550 : vector<4x8x1024xi1>, vector<4x8x1024xf32>
    %add3A_1555 = arith.constant 32 : i32
    %add3A_1556 = vector.broadcast %add3A_1555 : i32 to vector<4x8x1024xi32>
    %add3A_1557 = arith.addi %slice3A_1552, %add3A_1556 : vector<4x8x1024xi32>
    %select_n3A_1558 = arith.select %ge3A_1553, %slice3A_1551, %add3A_1557 : vector<4x8x1024xi1>, vector<4x8x1024xi32>
    %reshape3A_1559 = vector.shape_cast %select_n3A_1554 : vector<4x8x1024xf32> to vector<2x16x1024xf32>
    %reshape3A_1560 = vector.shape_cast %select_n3A_1558 : vector<4x8x1024xi32> to vector<2x16x1024xi32>
    %slice3A_1561 = vector.extract_strided_slice %reshape3A_1559 {offsets = [0, 0, 0], sizes = [2, 8, 1024], strides = [1, 1, 1]} : vector<2x16x1024xf32> to vector<2x8x1024xf32>
    %slice3A_1562 = vector.extract_strided_slice %reshape3A_1559 {offsets = [0, 8, 0], sizes = [2, 8, 1024], strides = [1, 1, 1]} : vector<2x16x1024xf32> to vector<2x8x1024xf32>
    %slice3A_1563 = vector.extract_strided_slice %reshape3A_1560 {offsets = [0, 0, 0], sizes = [2, 8, 1024], strides = [1, 1, 1]} : vector<2x16x1024xi32> to vector<2x8x1024xi32>
    %slice3A_1564 = vector.extract_strided_slice %reshape3A_1560 {offsets = [0, 8, 0], sizes = [2, 8, 1024], strides = [1, 1, 1]} : vector<2x16x1024xi32> to vector<2x8x1024xi32>
    %ge3A_1565 = arith.cmpf oge, %slice3A_1561, %slice3A_1562 : vector<2x8x1024xf32>
    %select_n3A_1566 = arith.select %ge3A_1565, %slice3A_1561, %slice3A_1562 : vector<2x8x1024xi1>, vector<2x8x1024xf32>
    %add3A_1567 = arith.constant 64 : i32
    %add3A_1568 = vector.broadcast %add3A_1567 : i32 to vector<2x8x1024xi32>
    %add3A_1569 = arith.addi %slice3A_1564, %add3A_1568 : vector<2x8x1024xi32>
    %select_n3A_1570 = arith.select %ge3A_1565, %slice3A_1563, %add3A_1569 : vector<2x8x1024xi1>, vector<2x8x1024xi32>
    %reshape3A_1571 = vector.shape_cast %select_n3A_1566 : vector<2x8x1024xf32> to vector<1x16x1024xf32>
    %reshape3A_1572 = vector.shape_cast %select_n3A_1570 : vector<2x8x1024xi32> to vector<1x16x1024xi32>
    %slice3A_1573 = vector.extract_strided_slice %reshape3A_1571 {offsets = [0, 0, 0], sizes = [1, 8, 1024], strides = [1, 1, 1]} : vector<1x16x1024xf32> to vector<1x8x1024xf32>
    %slice3A_1574 = vector.extract_strided_slice %reshape3A_1571 {offsets = [0, 8, 0], sizes = [1, 8, 1024], strides = [1, 1, 1]} : vector<1x16x1024xf32> to vector<1x8x1024xf32>
    %slice3A_1575 = vector.extract_strided_slice %reshape3A_1572 {offsets = [0, 0, 0], sizes = [1, 8, 1024], strides = [1, 1, 1]} : vector<1x16x1024xi32> to vector<1x8x1024xi32>
    %slice3A_1576 = vector.extract_strided_slice %reshape3A_1572 {offsets = [0, 8, 0], sizes = [1, 8, 1024], strides = [1, 1, 1]} : vector<1x16x1024xi32> to vector<1x8x1024xi32>
    %ge3A_1577 = arith.cmpf oge, %slice3A_1573, %slice3A_1574 : vector<1x8x1024xf32>
    %select_n3A_1578 = arith.select %ge3A_1577, %slice3A_1573, %slice3A_1574 : vector<1x8x1024xi1>, vector<1x8x1024xf32>
    %add3A_1579 = arith.constant 128 : i32
    %add3A_1580 = vector.broadcast %add3A_1579 : i32 to vector<1x8x1024xi32>
    %add3A_1581 = arith.addi %slice3A_1576, %add3A_1580 : vector<1x8x1024xi32>
    %select_n3A_1582 = arith.select %ge3A_1577, %slice3A_1575, %add3A_1581 : vector<1x8x1024xi1>, vector<1x8x1024xi32>
    %reshape3A_1583 = vector.shape_cast %select_n3A_1578 : vector<1x8x1024xf32> to vector<8x1024xf32>
    %reshape3A_1584 = vector.shape_cast %select_n3A_1582 : vector<1x8x1024xi32> to vector<8x1024xi32>
    %mul3A_1585 = arith.constant 8 : i32
    %mul3A_1586 = vector.broadcast %mul3A_1585 : i32 to vector<8x1024xi32>
    %mul3A_1587 = arith.muli %reshape3A_1584, %mul3A_1586 : vector<8x1024xi32>
    %add3A_1588 = arith.constant 0 : i32
    %add3A_1589 = vector.broadcast %add3A_1588 : i32 to vector<8x1024xi32>
    %add3A_1590 = arith.addi %mul3A_1587, %add3A_1589 : vector<8x1024xi32>
    %get3A_1591 = arith.constant 4096 : index
    %get3A_1592 = arith.constant 0 : index
    %get3A_1593 = vector.load %arg2[%get3A_1591, %get3A_1592] : memref<8192x64xf32, #tpu.memory_space<vmem>>, vector<2048x64xf32>
    %dot_general3A_1594 = arith.constant dense<0.000000e+00> : vector<2048x1024xf32>
    %dot_general3A_1595 = tpu.matmul %get3A_1593, %div3A_1478, %dot_general3A_1594 {dimension_numbers = #tpu.dot_dimension_numbers<[1], [0], [0], [1], [0, 0, 1, 1], [], []>, transpose_lhs_hint = false} : vector<2048x64xf32>, vector<64x1024xf32>, vector<2048x1024xf32> -> vector<2048x1024xf32>
    %reshape3A_1596 = vector.shape_cast %dot_general3A_1488 : vector<2048x1024xf32> to vector<128x16x1024xf32>
    %slice3A_1597 = vector.extract_strided_slice %reshape3A_1596 {offsets = [0, 0, 0], sizes = [128, 8, 1024], strides = [1, 1, 1]} : vector<128x16x1024xf32> to vector<128x8x1024xf32>
    %slice3A_1598 = vector.extract_strided_slice %reshape3A_1596 {offsets = [0, 8, 0], sizes = [128, 8, 1024], strides = [1, 1, 1]} : vector<128x16x1024xf32> to vector<128x8x1024xf32>
    %ge3A_1599 = arith.cmpf oge, %slice3A_1597, %slice3A_1598 : vector<128x8x1024xf32>
    %select_n3A_1600 = arith.select %ge3A_1599, %slice3A_1597, %slice3A_1598 : vector<128x8x1024xi1>, vector<128x8x1024xf32>
    %jit3A_1601 = arith.constant 0 : i32
    %jit3A_1602 = arith.constant 1 : i32
    %broadcast_in_dim3A_1603 = vector.broadcast %jit3A_1601 : i32 to vector<128x8x1024xi32>
    %broadcast_in_dim3A_1604 = vector.broadcast %jit3A_1602 : i32 to vector<128x8x1024xi32>
    %select_n3A_1605 = arith.select %ge3A_1599, %broadcast_in_dim3A_1603, %broadcast_in_dim3A_1604 : vector<128x8x1024xi1>, vector<128x8x1024xi32>
    %reshape3A_1606 = vector.shape_cast %select_n3A_1600 : vector<128x8x1024xf32> to vector<64x16x1024xf32>
    %reshape3A_1607 = vector.shape_cast %select_n3A_1605 : vector<128x8x1024xi32> to vector<64x16x1024xi32>
    %slice3A_1608 = vector.extract_strided_slice %reshape3A_1606 {offsets = [0, 0, 0], sizes = [64, 8, 1024], strides = [1, 1, 1]} : vector<64x16x1024xf32> to vector<64x8x1024xf32>
    %slice3A_1609 = vector.extract_strided_slice %reshape3A_1606 {offsets = [0, 8, 0], sizes = [64, 8, 1024], strides = [1, 1, 1]} : vector<64x16x1024xf32> to vector<64x8x1024xf32>
    %slice3A_1610 = vector.extract_strided_slice %reshape3A_1607 {offsets = [0, 0, 0], sizes = [64, 8, 1024], strides = [1, 1, 1]} : vector<64x16x1024xi32> to vector<64x8x1024xi32>
    %slice3A_1611 = vector.extract_strided_slice %reshape3A_1607 {offsets = [0, 8, 0], sizes = [64, 8, 1024], strides = [1, 1, 1]} : vector<64x16x1024xi32> to vector<64x8x1024xi32>
    %ge3A_1612 = arith.cmpf oge, %slice3A_1608, %slice3A_1609 : vector<64x8x1024xf32>
    %select_n3A_1613 = arith.select %ge3A_1612, %slice3A_1608, %slice3A_1609 : vector<64x8x1024xi1>, vector<64x8x1024xf32>
    %add3A_1614 = arith.constant 2 : i32
    %add3A_1615 = vector.broadcast %add3A_1614 : i32 to vector<64x8x1024xi32>
    %add3A_1616 = arith.addi %slice3A_1611, %add3A_1615 : vector<64x8x1024xi32>
    %select_n3A_1617 = arith.select %ge3A_1612, %slice3A_1610, %add3A_1616 : vector<64x8x1024xi1>, vector<64x8x1024xi32>
    %reshape3A_1618 = vector.shape_cast %select_n3A_1613 : vector<64x8x1024xf32> to vector<32x16x1024xf32>
    %reshape3A_1619 = vector.shape_cast %select_n3A_1617 : vector<64x8x1024xi32> to vector<32x16x1024xi32>
    %slice3A_1620 = vector.extract_strided_slice %reshape3A_1618 {offsets = [0, 0, 0], sizes = [32, 8, 1024], strides = [1, 1, 1]} : vector<32x16x1024xf32> to vector<32x8x1024xf32>
    %slice3A_1621 = vector.extract_strided_slice %reshape3A_1618 {offsets = [0, 8, 0], sizes = [32, 8, 1024], strides = [1, 1, 1]} : vector<32x16x1024xf32> to vector<32x8x1024xf32>
    %slice3A_1622 = vector.extract_strided_slice %reshape3A_1619 {offsets = [0, 0, 0], sizes = [32, 8, 1024], strides = [1, 1, 1]} : vector<32x16x1024xi32> to vector<32x8x1024xi32>
    %slice3A_1623 = vector.extract_strided_slice %reshape3A_1619 {offsets = [0, 8, 0], sizes = [32, 8, 1024], strides = [1, 1, 1]} : vector<32x16x1024xi32> to vector<32x8x1024xi32>
    %ge3A_1624 = arith.cmpf oge, %slice3A_1620, %slice3A_1621 : vector<32x8x1024xf32>
    %select_n3A_1625 = arith.select %ge3A_1624, %slice3A_1620, %slice3A_1621 : vector<32x8x1024xi1>, vector<32x8x1024xf32>
    %add3A_1626 = arith.constant 4 : i32
    %add3A_1627 = vector.broadcast %add3A_1626 : i32 to vector<32x8x1024xi32>
    %add3A_1628 = arith.addi %slice3A_1623, %add3A_1627 : vector<32x8x1024xi32>
    %select_n3A_1629 = arith.select %ge3A_1624, %slice3A_1622, %add3A_1628 : vector<32x8x1024xi1>, vector<32x8x1024xi32>
    %reshape3A_1630 = vector.shape_cast %select_n3A_1625 : vector<32x8x1024xf32> to vector<16x16x1024xf32>
    %reshape3A_1631 = vector.shape_cast %select_n3A_1629 : vector<32x8x1024xi32> to vector<16x16x1024xi32>
    %slice3A_1632 = vector.extract_strided_slice %reshape3A_1630 {offsets = [0, 0, 0], sizes = [16, 8, 1024], strides = [1, 1, 1]} : vector<16x16x1024xf32> to vector<16x8x1024xf32>
    %slice3A_1633 = vector.extract_strided_slice %reshape3A_1630 {offsets = [0, 8, 0], sizes = [16, 8, 1024], strides = [1, 1, 1]} : vector<16x16x1024xf32> to vector<16x8x1024xf32>
    %slice3A_1634 = vector.extract_strided_slice %reshape3A_1631 {offsets = [0, 0, 0], sizes = [16, 8, 1024], strides = [1, 1, 1]} : vector<16x16x1024xi32> to vector<16x8x1024xi32>
    %slice3A_1635 = vector.extract_strided_slice %reshape3A_1631 {offsets = [0, 8, 0], sizes = [16, 8, 1024], strides = [1, 1, 1]} : vector<16x16x1024xi32> to vector<16x8x1024xi32>
    %ge3A_1636 = arith.cmpf oge, %slice3A_1632, %slice3A_1633 : vector<16x8x1024xf32>
    %select_n3A_1637 = arith.select %ge3A_1636, %slice3A_1632, %slice3A_1633 : vector<16x8x1024xi1>, vector<16x8x1024xf32>
    %add3A_1638 = arith.constant 8 : i32
    %add3A_1639 = vector.broadcast %add3A_1638 : i32 to vector<16x8x1024xi32>
    %add3A_1640 = arith.addi %slice3A_1635, %add3A_1639 : vector<16x8x1024xi32>
    %select_n3A_1641 = arith.select %ge3A_1636, %slice3A_1634, %add3A_1640 : vector<16x8x1024xi1>, vector<16x8x1024xi32>
    %reshape3A_1642 = vector.shape_cast %select_n3A_1637 : vector<16x8x1024xf32> to vector<8x16x1024xf32>
    %reshape3A_1643 = vector.shape_cast %select_n3A_1641 : vector<16x8x1024xi32> to vector<8x16x1024xi32>
    %slice3A_1644 = vector.extract_strided_slice %reshape3A_1642 {offsets = [0, 0, 0], sizes = [8, 8, 1024], strides = [1, 1, 1]} : vector<8x16x1024xf32> to vector<8x8x1024xf32>
    %slice3A_1645 = vector.extract_strided_slice %reshape3A_1642 {offsets = [0, 8, 0], sizes = [8, 8, 1024], strides = [1, 1, 1]} : vector<8x16x1024xf32> to vector<8x8x1024xf32>
    %slice3A_1646 = vector.extract_strided_slice %reshape3A_1643 {offsets = [0, 0, 0], sizes = [8, 8, 1024], strides = [1, 1, 1]} : vector<8x16x1024xi32> to vector<8x8x1024xi32>
    %slice3A_1647 = vector.extract_strided_slice %reshape3A_1643 {offsets = [0, 8, 0], sizes = [8, 8, 1024], strides = [1, 1, 1]} : vector<8x16x1024xi32> to vector<8x8x1024xi32>
    %ge3A_1648 = arith.cmpf oge, %slice3A_1644, %slice3A_1645 : vector<8x8x1024xf32>
    %select_n3A_1649 = arith.select %ge3A_1648, %slice3A_1644, %slice3A_1645 : vector<8x8x1024xi1>, vector<8x8x1024xf32>
    %add3A_1650 = arith.constant 16 : i32
    %add3A_1651 = vector.broadcast %add3A_1650 : i32 to vector<8x8x1024xi32>
    %add3A_1652 = arith.addi %slice3A_1647, %add3A_1651 : vector<8x8x1024xi32>
    %select_n3A_1653 = arith.select %ge3A_1648, %slice3A_1646, %add3A_1652 : vector<8x8x1024xi1>, vector<8x8x1024xi32>
    %reshape3A_1654 = vector.shape_cast %select_n3A_1649 : vector<8x8x1024xf32> to vector<4x16x1024xf32>
    %reshape3A_1655 = vector.shape_cast %select_n3A_1653 : vector<8x8x1024xi32> to vector<4x16x1024xi32>
    %slice3A_1656 = vector.extract_strided_slice %reshape3A_1654 {offsets = [0, 0, 0], sizes = [4, 8, 1024], strides = [1, 1, 1]} : vector<4x16x1024xf32> to vector<4x8x1024xf32>
    %slice3A_1657 = vector.extract_strided_slice %reshape3A_1654 {offsets = [0, 8, 0], sizes = [4, 8, 1024], strides = [1, 1, 1]} : vector<4x16x1024xf32> to vector<4x8x1024xf32>
    %slice3A_1658 = vector.extract_strided_slice %reshape3A_1655 {offsets = [0, 0, 0], sizes = [4, 8, 1024], strides = [1, 1, 1]} : vector<4x16x1024xi32> to vector<4x8x1024xi32>
    %slice3A_1659 = vector.extract_strided_slice %reshape3A_1655 {offsets = [0, 8, 0], sizes = [4, 8, 1024], strides = [1, 1, 1]} : vector<4x16x1024xi32> to vector<4x8x1024xi32>
    %ge3A_1660 = arith.cmpf oge, %slice3A_1656, %slice3A_1657 : vector<4x8x1024xf32>
    %select_n3A_1661 = arith.select %ge3A_1660, %slice3A_1656, %slice3A_1657 : vector<4x8x1024xi1>, vector<4x8x1024xf32>
    %add3A_1662 = arith.constant 32 : i32
    %add3A_1663 = vector.broadcast %add3A_1662 : i32 to vector<4x8x1024xi32>
    %add3A_1664 = arith.addi %slice3A_1659, %add3A_1663 : vector<4x8x1024xi32>
    %select_n3A_1665 = arith.select %ge3A_1660, %slice3A_1658, %add3A_1664 : vector<4x8x1024xi1>, vector<4x8x1024xi32>
    %reshape3A_1666 = vector.shape_cast %select_n3A_1661 : vector<4x8x1024xf32> to vector<2x16x1024xf32>
    %reshape3A_1667 = vector.shape_cast %select_n3A_1665 : vector<4x8x1024xi32> to vector<2x16x1024xi32>
    %slice3A_1668 = vector.extract_strided_slice %reshape3A_1666 {offsets = [0, 0, 0], sizes = [2, 8, 1024], strides = [1, 1, 1]} : vector<2x16x1024xf32> to vector<2x8x1024xf32>
    %slice3A_1669 = vector.extract_strided_slice %reshape3A_1666 {offsets = [0, 8, 0], sizes = [2, 8, 1024], strides = [1, 1, 1]} : vector<2x16x1024xf32> to vector<2x8x1024xf32>
    %slice3A_1670 = vector.extract_strided_slice %reshape3A_1667 {offsets = [0, 0, 0], sizes = [2, 8, 1024], strides = [1, 1, 1]} : vector<2x16x1024xi32> to vector<2x8x1024xi32>
    %slice3A_1671 = vector.extract_strided_slice %reshape3A_1667 {offsets = [0, 8, 0], sizes = [2, 8, 1024], strides = [1, 1, 1]} : vector<2x16x1024xi32> to vector<2x8x1024xi32>
    %ge3A_1672 = arith.cmpf oge, %slice3A_1668, %slice3A_1669 : vector<2x8x1024xf32>
    %select_n3A_1673 = arith.select %ge3A_1672, %slice3A_1668, %slice3A_1669 : vector<2x8x1024xi1>, vector<2x8x1024xf32>
    %add3A_1674 = arith.constant 64 : i32
    %add3A_1675 = vector.broadcast %add3A_1674 : i32 to vector<2x8x1024xi32>
    %add3A_1676 = arith.addi %slice3A_1671, %add3A_1675 : vector<2x8x1024xi32>
    %select_n3A_1677 = arith.select %ge3A_1672, %slice3A_1670, %add3A_1676 : vector<2x8x1024xi1>, vector<2x8x1024xi32>
    %reshape3A_1678 = vector.shape_cast %select_n3A_1673 : vector<2x8x1024xf32> to vector<1x16x1024xf32>
    %reshape3A_1679 = vector.shape_cast %select_n3A_1677 : vector<2x8x1024xi32> to vector<1x16x1024xi32>
    %slice3A_1680 = vector.extract_strided_slice %reshape3A_1678 {offsets = [0, 0, 0], sizes = [1, 8, 1024], strides = [1, 1, 1]} : vector<1x16x1024xf32> to vector<1x8x1024xf32>
    %slice3A_1681 = vector.extract_strided_slice %reshape3A_1678 {offsets = [0, 8, 0], sizes = [1, 8, 1024], strides = [1, 1, 1]} : vector<1x16x1024xf32> to vector<1x8x1024xf32>
    %slice3A_1682 = vector.extract_strided_slice %reshape3A_1679 {offsets = [0, 0, 0], sizes = [1, 8, 1024], strides = [1, 1, 1]} : vector<1x16x1024xi32> to vector<1x8x1024xi32>
    %slice3A_1683 = vector.extract_strided_slice %reshape3A_1679 {offsets = [0, 8, 0], sizes = [1, 8, 1024], strides = [1, 1, 1]} : vector<1x16x1024xi32> to vector<1x8x1024xi32>
    %ge3A_1684 = arith.cmpf oge, %slice3A_1680, %slice3A_1681 : vector<1x8x1024xf32>
    %select_n3A_1685 = arith.select %ge3A_1684, %slice3A_1680, %slice3A_1681 : vector<1x8x1024xi1>, vector<1x8x1024xf32>
    %add3A_1686 = arith.constant 128 : i32
    %add3A_1687 = vector.broadcast %add3A_1686 : i32 to vector<1x8x1024xi32>
    %add3A_1688 = arith.addi %slice3A_1683, %add3A_1687 : vector<1x8x1024xi32>
    %select_n3A_1689 = arith.select %ge3A_1684, %slice3A_1682, %add3A_1688 : vector<1x8x1024xi1>, vector<1x8x1024xi32>
    %reshape3A_1690 = vector.shape_cast %select_n3A_1685 : vector<1x8x1024xf32> to vector<8x1024xf32>
    %reshape3A_1691 = vector.shape_cast %select_n3A_1689 : vector<1x8x1024xi32> to vector<8x1024xi32>
    %mul3A_1692 = arith.constant 8 : i32
    %mul3A_1693 = vector.broadcast %mul3A_1692 : i32 to vector<8x1024xi32>
    %mul3A_1694 = arith.muli %reshape3A_1691, %mul3A_1693 : vector<8x1024xi32>
    %add3A_1695 = arith.constant 2048 : i32
    %add3A_1696 = vector.broadcast %add3A_1695 : i32 to vector<8x1024xi32>
    %add3A_1697 = arith.addi %mul3A_1694, %add3A_1696 : vector<8x1024xi32>
    %get3A_1698 = arith.constant 6144 : index
    %get3A_1699 = arith.constant 0 : index
    %get3A_1700 = vector.load %arg2[%get3A_1698, %get3A_1699] : memref<8192x64xf32, #tpu.memory_space<vmem>>, vector<2048x64xf32>
    %dot_general3A_1701 = arith.constant dense<0.000000e+00> : vector<2048x1024xf32>
    %dot_general3A_1702 = tpu.matmul %get3A_1700, %div3A_1478, %dot_general3A_1701 {dimension_numbers = #tpu.dot_dimension_numbers<[1], [0], [0], [1], [0, 0, 1, 1], [], []>, transpose_lhs_hint = false} : vector<2048x64xf32>, vector<64x1024xf32>, vector<2048x1024xf32> -> vector<2048x1024xf32>
    %reshape3A_1703 = vector.shape_cast %dot_general3A_1595 : vector<2048x1024xf32> to vector<128x16x1024xf32>
    %slice3A_1704 = vector.extract_strided_slice %reshape3A_1703 {offsets = [0, 0, 0], sizes = [128, 8, 1024], strides = [1, 1, 1]} : vector<128x16x1024xf32> to vector<128x8x1024xf32>
    %slice3A_1705 = vector.extract_strided_slice %reshape3A_1703 {offsets = [0, 8, 0], sizes = [128, 8, 1024], strides = [1, 1, 1]} : vector<128x16x1024xf32> to vector<128x8x1024xf32>
    %ge3A_1706 = arith.cmpf oge, %slice3A_1704, %slice3A_1705 : vector<128x8x1024xf32>
    %select_n3A_1707 = arith.select %ge3A_1706, %slice3A_1704, %slice3A_1705 : vector<128x8x1024xi1>, vector<128x8x1024xf32>
    %jit3A_1708 = arith.constant 0 : i32
    %jit3A_1709 = arith.constant 1 : i32
    %broadcast_in_dim3A_1710 = vector.broadcast %jit3A_1708 : i32 to vector<128x8x1024xi32>
    %broadcast_in_dim3A_1711 = vector.broadcast %jit3A_1709 : i32 to vector<128x8x1024xi32>
    %select_n3A_1712 = arith.select %ge3A_1706, %broadcast_in_dim3A_1710, %broadcast_in_dim3A_1711 : vector<128x8x1024xi1>, vector<128x8x1024xi32>
    %reshape3A_1713 = vector.shape_cast %select_n3A_1707 : vector<128x8x1024xf32> to vector<64x16x1024xf32>
    %reshape3A_1714 = vector.shape_cast %select_n3A_1712 : vector<128x8x1024xi32> to vector<64x16x1024xi32>
    %slice3A_1715 = vector.extract_strided_slice %reshape3A_1713 {offsets = [0, 0, 0], sizes = [64, 8, 1024], strides = [1, 1, 1]} : vector<64x16x1024xf32> to vector<64x8x1024xf32>
    %slice3A_1716 = vector.extract_strided_slice %reshape3A_1713 {offsets = [0, 8, 0], sizes = [64, 8, 1024], strides = [1, 1, 1]} : vector<64x16x1024xf32> to vector<64x8x1024xf32>
    %slice3A_1717 = vector.extract_strided_slice %reshape3A_1714 {offsets = [0, 0, 0], sizes = [64, 8, 1024], strides = [1, 1, 1]} : vector<64x16x1024xi32> to vector<64x8x1024xi32>
    %slice3A_1718 = vector.extract_strided_slice %reshape3A_1714 {offsets = [0, 8, 0], sizes = [64, 8, 1024], strides = [1, 1, 1]} : vector<64x16x1024xi32> to vector<64x8x1024xi32>
    %ge3A_1719 = arith.cmpf oge, %slice3A_1715, %slice3A_1716 : vector<64x8x1024xf32>
    %select_n3A_1720 = arith.select %ge3A_1719, %slice3A_1715, %slice3A_1716 : vector<64x8x1024xi1>, vector<64x8x1024xf32>
    %add3A_1721 = arith.constant 2 : i32
    %add3A_1722 = vector.broadcast %add3A_1721 : i32 to vector<64x8x1024xi32>
    %add3A_1723 = arith.addi %slice3A_1718, %add3A_1722 : vector<64x8x1024xi32>
    %select_n3A_1724 = arith.select %ge3A_1719, %slice3A_1717, %add3A_1723 : vector<64x8x1024xi1>, vector<64x8x1024xi32>
    %reshape3A_1725 = vector.shape_cast %select_n3A_1720 : vector<64x8x1024xf32> to vector<32x16x1024xf32>
    %reshape3A_1726 = vector.shape_cast %select_n3A_1724 : vector<64x8x1024xi32> to vector<32x16x1024xi32>
    %slice3A_1727 = vector.extract_strided_slice %reshape3A_1725 {offsets = [0, 0, 0], sizes = [32, 8, 1024], strides = [1, 1, 1]} : vector<32x16x1024xf32> to vector<32x8x1024xf32>
    %slice3A_1728 = vector.extract_strided_slice %reshape3A_1725 {offsets = [0, 8, 0], sizes = [32, 8, 1024], strides = [1, 1, 1]} : vector<32x16x1024xf32> to vector<32x8x1024xf32>
    %slice3A_1729 = vector.extract_strided_slice %reshape3A_1726 {offsets = [0, 0, 0], sizes = [32, 8, 1024], strides = [1, 1, 1]} : vector<32x16x1024xi32> to vector<32x8x1024xi32>
    %slice3A_1730 = vector.extract_strided_slice %reshape3A_1726 {offsets = [0, 8, 0], sizes = [32, 8, 1024], strides = [1, 1, 1]} : vector<32x16x1024xi32> to vector<32x8x1024xi32>
    %ge3A_1731 = arith.cmpf oge, %slice3A_1727, %slice3A_1728 : vector<32x8x1024xf32>
    %select_n3A_1732 = arith.select %ge3A_1731, %slice3A_1727, %slice3A_1728 : vector<32x8x1024xi1>, vector<32x8x1024xf32>
    %add3A_1733 = arith.constant 4 : i32
    %add3A_1734 = vector.broadcast %add3A_1733 : i32 to vector<32x8x1024xi32>
    %add3A_1735 = arith.addi %slice3A_1730, %add3A_1734 : vector<32x8x1024xi32>
    %select_n3A_1736 = arith.select %ge3A_1731, %slice3A_1729, %add3A_1735 : vector<32x8x1024xi1>, vector<32x8x1024xi32>
    %reshape3A_1737 = vector.shape_cast %select_n3A_1732 : vector<32x8x1024xf32> to vector<16x16x1024xf32>
    %reshape3A_1738 = vector.shape_cast %select_n3A_1736 : vector<32x8x1024xi32> to vector<16x16x1024xi32>
    %slice3A_1739 = vector.extract_strided_slice %reshape3A_1737 {offsets = [0, 0, 0], sizes = [16, 8, 1024], strides = [1, 1, 1]} : vector<16x16x1024xf32> to vector<16x8x1024xf32>
    %slice3A_1740 = vector.extract_strided_slice %reshape3A_1737 {offsets = [0, 8, 0], sizes = [16, 8, 1024], strides = [1, 1, 1]} : vector<16x16x1024xf32> to vector<16x8x1024xf32>
    %slice3A_1741 = vector.extract_strided_slice %reshape3A_1738 {offsets = [0, 0, 0], sizes = [16, 8, 1024], strides = [1, 1, 1]} : vector<16x16x1024xi32> to vector<16x8x1024xi32>
    %slice3A_1742 = vector.extract_strided_slice %reshape3A_1738 {offsets = [0, 8, 0], sizes = [16, 8, 1024], strides = [1, 1, 1]} : vector<16x16x1024xi32> to vector<16x8x1024xi32>
    %ge3A_1743 = arith.cmpf oge, %slice3A_1739, %slice3A_1740 : vector<16x8x1024xf32>
    %select_n3A_1744 = arith.select %ge3A_1743, %slice3A_1739, %slice3A_1740 : vector<16x8x1024xi1>, vector<16x8x1024xf32>
    %add3A_1745 = arith.constant 8 : i32
    %add3A_1746 = vector.broadcast %add3A_1745 : i32 to vector<16x8x1024xi32>
    %add3A_1747 = arith.addi %slice3A_1742, %add3A_1746 : vector<16x8x1024xi32>
    %select_n3A_1748 = arith.select %ge3A_1743, %slice3A_1741, %add3A_1747 : vector<16x8x1024xi1>, vector<16x8x1024xi32>
    %reshape3A_1749 = vector.shape_cast %select_n3A_1744 : vector<16x8x1024xf32> to vector<8x16x1024xf32>
    %reshape3A_1750 = vector.shape_cast %select_n3A_1748 : vector<16x8x1024xi32> to vector<8x16x1024xi32>
    %slice3A_1751 = vector.extract_strided_slice %reshape3A_1749 {offsets = [0, 0, 0], sizes = [8, 8, 1024], strides = [1, 1, 1]} : vector<8x16x1024xf32> to vector<8x8x1024xf32>
    %slice3A_1752 = vector.extract_strided_slice %reshape3A_1749 {offsets = [0, 8, 0], sizes = [8, 8, 1024], strides = [1, 1, 1]} : vector<8x16x1024xf32> to vector<8x8x1024xf32>
    %slice3A_1753 = vector.extract_strided_slice %reshape3A_1750 {offsets = [0, 0, 0], sizes = [8, 8, 1024], strides = [1, 1, 1]} : vector<8x16x1024xi32> to vector<8x8x1024xi32>
    %slice3A_1754 = vector.extract_strided_slice %reshape3A_1750 {offsets = [0, 8, 0], sizes = [8, 8, 1024], strides = [1, 1, 1]} : vector<8x16x1024xi32> to vector<8x8x1024xi32>
    %ge3A_1755 = arith.cmpf oge, %slice3A_1751, %slice3A_1752 : vector<8x8x1024xf32>
    %select_n3A_1756 = arith.select %ge3A_1755, %slice3A_1751, %slice3A_1752 : vector<8x8x1024xi1>, vector<8x8x1024xf32>
    %add3A_1757 = arith.constant 16 : i32
    %add3A_1758 = vector.broadcast %add3A_1757 : i32 to vector<8x8x1024xi32>
    %add3A_1759 = arith.addi %slice3A_1754, %add3A_1758 : vector<8x8x1024xi32>
    %select_n3A_1760 = arith.select %ge3A_1755, %slice3A_1753, %add3A_1759 : vector<8x8x1024xi1>, vector<8x8x1024xi32>
    %reshape3A_1761 = vector.shape_cast %select_n3A_1756 : vector<8x8x1024xf32> to vector<4x16x1024xf32>
    %reshape3A_1762 = vector.shape_cast %select_n3A_1760 : vector<8x8x1024xi32> to vector<4x16x1024xi32>
    %slice3A_1763 = vector.extract_strided_slice %reshape3A_1761 {offsets = [0, 0, 0], sizes = [4, 8, 1024], strides = [1, 1, 1]} : vector<4x16x1024xf32> to vector<4x8x1024xf32>
    %slice3A_1764 = vector.extract_strided_slice %reshape3A_1761 {offsets = [0, 8, 0], sizes = [4, 8, 1024], strides = [1, 1, 1]} : vector<4x16x1024xf32> to vector<4x8x1024xf32>
    %slice3A_1765 = vector.extract_strided_slice %reshape3A_1762 {offsets = [0, 0, 0], sizes = [4, 8, 1024], strides = [1, 1, 1]} : vector<4x16x1024xi32> to vector<4x8x1024xi32>
    %slice3A_1766 = vector.extract_strided_slice %reshape3A_1762 {offsets = [0, 8, 0], sizes = [4, 8, 1024], strides = [1, 1, 1]} : vector<4x16x1024xi32> to vector<4x8x1024xi32>
    %ge3A_1767 = arith.cmpf oge, %slice3A_1763, %slice3A_1764 : vector<4x8x1024xf32>
    %select_n3A_1768 = arith.select %ge3A_1767, %slice3A_1763, %slice3A_1764 : vector<4x8x1024xi1>, vector<4x8x1024xf32>
    %add3A_1769 = arith.constant 32 : i32
    %add3A_1770 = vector.broadcast %add3A_1769 : i32 to vector<4x8x1024xi32>
    %add3A_1771 = arith.addi %slice3A_1766, %add3A_1770 : vector<4x8x1024xi32>
    %select_n3A_1772 = arith.select %ge3A_1767, %slice3A_1765, %add3A_1771 : vector<4x8x1024xi1>, vector<4x8x1024xi32>
    %reshape3A_1773 = vector.shape_cast %select_n3A_1768 : vector<4x8x1024xf32> to vector<2x16x1024xf32>
    %reshape3A_1774 = vector.shape_cast %select_n3A_1772 : vector<4x8x1024xi32> to vector<2x16x1024xi32>
    %slice3A_1775 = vector.extract_strided_slice %reshape3A_1773 {offsets = [0, 0, 0], sizes = [2, 8, 1024], strides = [1, 1, 1]} : vector<2x16x1024xf32> to vector<2x8x1024xf32>
    %slice3A_1776 = vector.extract_strided_slice %reshape3A_1773 {offsets = [0, 8, 0], sizes = [2, 8, 1024], strides = [1, 1, 1]} : vector<2x16x1024xf32> to vector<2x8x1024xf32>
    %slice3A_1777 = vector.extract_strided_slice %reshape3A_1774 {offsets = [0, 0, 0], sizes = [2, 8, 1024], strides = [1, 1, 1]} : vector<2x16x1024xi32> to vector<2x8x1024xi32>
    %slice3A_1778 = vector.extract_strided_slice %reshape3A_1774 {offsets = [0, 8, 0], sizes = [2, 8, 1024], strides = [1, 1, 1]} : vector<2x16x1024xi32> to vector<2x8x1024xi32>
    %ge3A_1779 = arith.cmpf oge, %slice3A_1775, %slice3A_1776 : vector<2x8x1024xf32>
    %select_n3A_1780 = arith.select %ge3A_1779, %slice3A_1775, %slice3A_1776 : vector<2x8x1024xi1>, vector<2x8x1024xf32>
    %add3A_1781 = arith.constant 64 : i32
    %add3A_1782 = vector.broadcast %add3A_1781 : i32 to vector<2x8x1024xi32>
    %add3A_1783 = arith.addi %slice3A_1778, %add3A_1782 : vector<2x8x1024xi32>
    %select_n3A_1784 = arith.select %ge3A_1779, %slice3A_1777, %add3A_1783 : vector<2x8x1024xi1>, vector<2x8x1024xi32>
    %reshape3A_1785 = vector.shape_cast %select_n3A_1780 : vector<2x8x1024xf32> to vector<1x16x1024xf32>
    %reshape3A_1786 = vector.shape_cast %select_n3A_1784 : vector<2x8x1024xi32> to vector<1x16x1024xi32>
    %slice3A_1787 = vector.extract_strided_slice %reshape3A_1785 {offsets = [0, 0, 0], sizes = [1, 8, 1024], strides = [1, 1, 1]} : vector<1x16x1024xf32> to vector<1x8x1024xf32>
    %slice3A_1788 = vector.extract_strided_slice %reshape3A_1785 {offsets = [0, 8, 0], sizes = [1, 8, 1024], strides = [1, 1, 1]} : vector<1x16x1024xf32> to vector<1x8x1024xf32>
    %slice3A_1789 = vector.extract_strided_slice %reshape3A_1786 {offsets = [0, 0, 0], sizes = [1, 8, 1024], strides = [1, 1, 1]} : vector<1x16x1024xi32> to vector<1x8x1024xi32>
    %slice3A_1790 = vector.extract_strided_slice %reshape3A_1786 {offsets = [0, 8, 0], sizes = [1, 8, 1024], strides = [1, 1, 1]} : vector<1x16x1024xi32> to vector<1x8x1024xi32>
    %ge3A_1791 = arith.cmpf oge, %slice3A_1787, %slice3A_1788 : vector<1x8x1024xf32>
    %select_n3A_1792 = arith.select %ge3A_1791, %slice3A_1787, %slice3A_1788 : vector<1x8x1024xi1>, vector<1x8x1024xf32>
    %add3A_1793 = arith.constant 128 : i32
    %add3A_1794 = vector.broadcast %add3A_1793 : i32 to vector<1x8x1024xi32>
    %add3A_1795 = arith.addi %slice3A_1790, %add3A_1794 : vector<1x8x1024xi32>
    %select_n3A_1796 = arith.select %ge3A_1791, %slice3A_1789, %add3A_1795 : vector<1x8x1024xi1>, vector<1x8x1024xi32>
    %reshape3A_1797 = vector.shape_cast %select_n3A_1792 : vector<1x8x1024xf32> to vector<8x1024xf32>
    %reshape3A_1798 = vector.shape_cast %select_n3A_1796 : vector<1x8x1024xi32> to vector<8x1024xi32>
    %mul3A_1799 = arith.constant 8 : i32
    %mul3A_1800 = vector.broadcast %mul3A_1799 : i32 to vector<8x1024xi32>
    %mul3A_1801 = arith.muli %reshape3A_1798, %mul3A_1800 : vector<8x1024xi32>
    %add3A_1802 = arith.constant 4096 : i32
    %add3A_1803 = vector.broadcast %add3A_1802 : i32 to vector<8x1024xi32>
    %add3A_1804 = arith.addi %mul3A_1801, %add3A_1803 : vector<8x1024xi32>
    %reshape3A_1805 = vector.shape_cast %dot_general3A_1702 : vector<2048x1024xf32> to vector<128x16x1024xf32>
    %slice3A_1806 = vector.extract_strided_slice %reshape3A_1805 {offsets = [0, 0, 0], sizes = [128, 8, 1024], strides = [1, 1, 1]} : vector<128x16x1024xf32> to vector<128x8x1024xf32>
    %slice3A_1807 = vector.extract_strided_slice %reshape3A_1805 {offsets = [0, 8, 0], sizes = [128, 8, 1024], strides = [1, 1, 1]} : vector<128x16x1024xf32> to vector<128x8x1024xf32>
    %ge3A_1808 = arith.cmpf oge, %slice3A_1806, %slice3A_1807 : vector<128x8x1024xf32>
    %select_n3A_1809 = arith.select %ge3A_1808, %slice3A_1806, %slice3A_1807 : vector<128x8x1024xi1>, vector<128x8x1024xf32>
    %jit3A_1810 = arith.constant 0 : i32
    %jit3A_1811 = arith.constant 1 : i32
    %broadcast_in_dim3A_1812 = vector.broadcast %jit3A_1810 : i32 to vector<128x8x1024xi32>
    %broadcast_in_dim3A_1813 = vector.broadcast %jit3A_1811 : i32 to vector<128x8x1024xi32>
    %select_n3A_1814 = arith.select %ge3A_1808, %broadcast_in_dim3A_1812, %broadcast_in_dim3A_1813 : vector<128x8x1024xi1>, vector<128x8x1024xi32>
    %reshape3A_1815 = vector.shape_cast %select_n3A_1809 : vector<128x8x1024xf32> to vector<64x16x1024xf32>
    %reshape3A_1816 = vector.shape_cast %select_n3A_1814 : vector<128x8x1024xi32> to vector<64x16x1024xi32>
    %slice3A_1817 = vector.extract_strided_slice %reshape3A_1815 {offsets = [0, 0, 0], sizes = [64, 8, 1024], strides = [1, 1, 1]} : vector<64x16x1024xf32> to vector<64x8x1024xf32>
    %slice3A_1818 = vector.extract_strided_slice %reshape3A_1815 {offsets = [0, 8, 0], sizes = [64, 8, 1024], strides = [1, 1, 1]} : vector<64x16x1024xf32> to vector<64x8x1024xf32>
    %slice3A_1819 = vector.extract_strided_slice %reshape3A_1816 {offsets = [0, 0, 0], sizes = [64, 8, 1024], strides = [1, 1, 1]} : vector<64x16x1024xi32> to vector<64x8x1024xi32>
    %slice3A_1820 = vector.extract_strided_slice %reshape3A_1816 {offsets = [0, 8, 0], sizes = [64, 8, 1024], strides = [1, 1, 1]} : vector<64x16x1024xi32> to vector<64x8x1024xi32>
    %ge3A_1821 = arith.cmpf oge, %slice3A_1817, %slice3A_1818 : vector<64x8x1024xf32>
    %select_n3A_1822 = arith.select %ge3A_1821, %slice3A_1817, %slice3A_1818 : vector<64x8x1024xi1>, vector<64x8x1024xf32>
    %add3A_1823 = arith.constant 2 : i32
    %add3A_1824 = vector.broadcast %add3A_1823 : i32 to vector<64x8x1024xi32>
    %add3A_1825 = arith.addi %slice3A_1820, %add3A_1824 : vector<64x8x1024xi32>
    %select_n3A_1826 = arith.select %ge3A_1821, %slice3A_1819, %add3A_1825 : vector<64x8x1024xi1>, vector<64x8x1024xi32>
    %reshape3A_1827 = vector.shape_cast %select_n3A_1822 : vector<64x8x1024xf32> to vector<32x16x1024xf32>
    %reshape3A_1828 = vector.shape_cast %select_n3A_1826 : vector<64x8x1024xi32> to vector<32x16x1024xi32>
    %slice3A_1829 = vector.extract_strided_slice %reshape3A_1827 {offsets = [0, 0, 0], sizes = [32, 8, 1024], strides = [1, 1, 1]} : vector<32x16x1024xf32> to vector<32x8x1024xf32>
    %slice3A_1830 = vector.extract_strided_slice %reshape3A_1827 {offsets = [0, 8, 0], sizes = [32, 8, 1024], strides = [1, 1, 1]} : vector<32x16x1024xf32> to vector<32x8x1024xf32>
    %slice3A_1831 = vector.extract_strided_slice %reshape3A_1828 {offsets = [0, 0, 0], sizes = [32, 8, 1024], strides = [1, 1, 1]} : vector<32x16x1024xi32> to vector<32x8x1024xi32>
    %slice3A_1832 = vector.extract_strided_slice %reshape3A_1828 {offsets = [0, 8, 0], sizes = [32, 8, 1024], strides = [1, 1, 1]} : vector<32x16x1024xi32> to vector<32x8x1024xi32>
    %ge3A_1833 = arith.cmpf oge, %slice3A_1829, %slice3A_1830 : vector<32x8x1024xf32>
    %select_n3A_1834 = arith.select %ge3A_1833, %slice3A_1829, %slice3A_1830 : vector<32x8x1024xi1>, vector<32x8x1024xf32>
    %add3A_1835 = arith.constant 4 : i32
    %add3A_1836 = vector.broadcast %add3A_1835 : i32 to vector<32x8x1024xi32>
    %add3A_1837 = arith.addi %slice3A_1832, %add3A_1836 : vector<32x8x1024xi32>
    %select_n3A_1838 = arith.select %ge3A_1833, %slice3A_1831, %add3A_1837 : vector<32x8x1024xi1>, vector<32x8x1024xi32>
    %reshape3A_1839 = vector.shape_cast %select_n3A_1834 : vector<32x8x1024xf32> to vector<16x16x1024xf32>
    %reshape3A_1840 = vector.shape_cast %select_n3A_1838 : vector<32x8x1024xi32> to vector<16x16x1024xi32>
    %slice3A_1841 = vector.extract_strided_slice %reshape3A_1839 {offsets = [0, 0, 0], sizes = [16, 8, 1024], strides = [1, 1, 1]} : vector<16x16x1024xf32> to vector<16x8x1024xf32>
    %slice3A_1842 = vector.extract_strided_slice %reshape3A_1839 {offsets = [0, 8, 0], sizes = [16, 8, 1024], strides = [1, 1, 1]} : vector<16x16x1024xf32> to vector<16x8x1024xf32>
    %slice3A_1843 = vector.extract_strided_slice %reshape3A_1840 {offsets = [0, 0, 0], sizes = [16, 8, 1024], strides = [1, 1, 1]} : vector<16x16x1024xi32> to vector<16x8x1024xi32>
    %slice3A_1844 = vector.extract_strided_slice %reshape3A_1840 {offsets = [0, 8, 0], sizes = [16, 8, 1024], strides = [1, 1, 1]} : vector<16x16x1024xi32> to vector<16x8x1024xi32>
    %ge3A_1845 = arith.cmpf oge, %slice3A_1841, %slice3A_1842 : vector<16x8x1024xf32>
    %select_n3A_1846 = arith.select %ge3A_1845, %slice3A_1841, %slice3A_1842 : vector<16x8x1024xi1>, vector<16x8x1024xf32>
    %add3A_1847 = arith.constant 8 : i32
    %add3A_1848 = vector.broadcast %add3A_1847 : i32 to vector<16x8x1024xi32>
    %add3A_1849 = arith.addi %slice3A_1844, %add3A_1848 : vector<16x8x1024xi32>
    %select_n3A_1850 = arith.select %ge3A_1845, %slice3A_1843, %add3A_1849 : vector<16x8x1024xi1>, vector<16x8x1024xi32>
    %reshape3A_1851 = vector.shape_cast %select_n3A_1846 : vector<16x8x1024xf32> to vector<8x16x1024xf32>
    %reshape3A_1852 = vector.shape_cast %select_n3A_1850 : vector<16x8x1024xi32> to vector<8x16x1024xi32>
    %slice3A_1853 = vector.extract_strided_slice %reshape3A_1851 {offsets = [0, 0, 0], sizes = [8, 8, 1024], strides = [1, 1, 1]} : vector<8x16x1024xf32> to vector<8x8x1024xf32>
    %slice3A_1854 = vector.extract_strided_slice %reshape3A_1851 {offsets = [0, 8, 0], sizes = [8, 8, 1024], strides = [1, 1, 1]} : vector<8x16x1024xf32> to vector<8x8x1024xf32>
    %slice3A_1855 = vector.extract_strided_slice %reshape3A_1852 {offsets = [0, 0, 0], sizes = [8, 8, 1024], strides = [1, 1, 1]} : vector<8x16x1024xi32> to vector<8x8x1024xi32>
    %slice3A_1856 = vector.extract_strided_slice %reshape3A_1852 {offsets = [0, 8, 0], sizes = [8, 8, 1024], strides = [1, 1, 1]} : vector<8x16x1024xi32> to vector<8x8x1024xi32>
    %ge3A_1857 = arith.cmpf oge, %slice3A_1853, %slice3A_1854 : vector<8x8x1024xf32>
    %select_n3A_1858 = arith.select %ge3A_1857, %slice3A_1853, %slice3A_1854 : vector<8x8x1024xi1>, vector<8x8x1024xf32>
    %add3A_1859 = arith.constant 16 : i32
    %add3A_1860 = vector.broadcast %add3A_1859 : i32 to vector<8x8x1024xi32>
    %add3A_1861 = arith.addi %slice3A_1856, %add3A_1860 : vector<8x8x1024xi32>
    %select_n3A_1862 = arith.select %ge3A_1857, %slice3A_1855, %add3A_1861 : vector<8x8x1024xi1>, vector<8x8x1024xi32>
    %reshape3A_1863 = vector.shape_cast %select_n3A_1858 : vector<8x8x1024xf32> to vector<4x16x1024xf32>
    %reshape3A_1864 = vector.shape_cast %select_n3A_1862 : vector<8x8x1024xi32> to vector<4x16x1024xi32>
    %slice3A_1865 = vector.extract_strided_slice %reshape3A_1863 {offsets = [0, 0, 0], sizes = [4, 8, 1024], strides = [1, 1, 1]} : vector<4x16x1024xf32> to vector<4x8x1024xf32>
    %slice3A_1866 = vector.extract_strided_slice %reshape3A_1863 {offsets = [0, 8, 0], sizes = [4, 8, 1024], strides = [1, 1, 1]} : vector<4x16x1024xf32> to vector<4x8x1024xf32>
    %slice3A_1867 = vector.extract_strided_slice %reshape3A_1864 {offsets = [0, 0, 0], sizes = [4, 8, 1024], strides = [1, 1, 1]} : vector<4x16x1024xi32> to vector<4x8x1024xi32>
    %slice3A_1868 = vector.extract_strided_slice %reshape3A_1864 {offsets = [0, 8, 0], sizes = [4, 8, 1024], strides = [1, 1, 1]} : vector<4x16x1024xi32> to vector<4x8x1024xi32>
    %ge3A_1869 = arith.cmpf oge, %slice3A_1865, %slice3A_1866 : vector<4x8x1024xf32>
    %select_n3A_1870 = arith.select %ge3A_1869, %slice3A_1865, %slice3A_1866 : vector<4x8x1024xi1>, vector<4x8x1024xf32>
    %add3A_1871 = arith.constant 32 : i32
    %add3A_1872 = vector.broadcast %add3A_1871 : i32 to vector<4x8x1024xi32>
    %add3A_1873 = arith.addi %slice3A_1868, %add3A_1872 : vector<4x8x1024xi32>
    %select_n3A_1874 = arith.select %ge3A_1869, %slice3A_1867, %add3A_1873 : vector<4x8x1024xi1>, vector<4x8x1024xi32>
    %reshape3A_1875 = vector.shape_cast %select_n3A_1870 : vector<4x8x1024xf32> to vector<2x16x1024xf32>
    %reshape3A_1876 = vector.shape_cast %select_n3A_1874 : vector<4x8x1024xi32> to vector<2x16x1024xi32>
    %slice3A_1877 = vector.extract_strided_slice %reshape3A_1875 {offsets = [0, 0, 0], sizes = [2, 8, 1024], strides = [1, 1, 1]} : vector<2x16x1024xf32> to vector<2x8x1024xf32>
    %slice3A_1878 = vector.extract_strided_slice %reshape3A_1875 {offsets = [0, 8, 0], sizes = [2, 8, 1024], strides = [1, 1, 1]} : vector<2x16x1024xf32> to vector<2x8x1024xf32>
    %slice3A_1879 = vector.extract_strided_slice %reshape3A_1876 {offsets = [0, 0, 0], sizes = [2, 8, 1024], strides = [1, 1, 1]} : vector<2x16x1024xi32> to vector<2x8x1024xi32>
    %slice3A_1880 = vector.extract_strided_slice %reshape3A_1876 {offsets = [0, 8, 0], sizes = [2, 8, 1024], strides = [1, 1, 1]} : vector<2x16x1024xi32> to vector<2x8x1024xi32>
    %ge3A_1881 = arith.cmpf oge, %slice3A_1877, %slice3A_1878 : vector<2x8x1024xf32>
    %select_n3A_1882 = arith.select %ge3A_1881, %slice3A_1877, %slice3A_1878 : vector<2x8x1024xi1>, vector<2x8x1024xf32>
    %add3A_1883 = arith.constant 64 : i32
    %add3A_1884 = vector.broadcast %add3A_1883 : i32 to vector<2x8x1024xi32>
    %add3A_1885 = arith.addi %slice3A_1880, %add3A_1884 : vector<2x8x1024xi32>
    %select_n3A_1886 = arith.select %ge3A_1881, %slice3A_1879, %add3A_1885 : vector<2x8x1024xi1>, vector<2x8x1024xi32>
    %reshape3A_1887 = vector.shape_cast %select_n3A_1882 : vector<2x8x1024xf32> to vector<1x16x1024xf32>
    %reshape3A_1888 = vector.shape_cast %select_n3A_1886 : vector<2x8x1024xi32> to vector<1x16x1024xi32>
    %slice3A_1889 = vector.extract_strided_slice %reshape3A_1887 {offsets = [0, 0, 0], sizes = [1, 8, 1024], strides = [1, 1, 1]} : vector<1x16x1024xf32> to vector<1x8x1024xf32>
    %slice3A_1890 = vector.extract_strided_slice %reshape3A_1887 {offsets = [0, 8, 0], sizes = [1, 8, 1024], strides = [1, 1, 1]} : vector<1x16x1024xf32> to vector<1x8x1024xf32>
    %slice3A_1891 = vector.extract_strided_slice %reshape3A_1888 {offsets = [0, 0, 0], sizes = [1, 8, 1024], strides = [1, 1, 1]} : vector<1x16x1024xi32> to vector<1x8x1024xi32>
    %slice3A_1892 = vector.extract_strided_slice %reshape3A_1888 {offsets = [0, 8, 0], sizes = [1, 8, 1024], strides = [1, 1, 1]} : vector<1x16x1024xi32> to vector<1x8x1024xi32>
    %ge3A_1893 = arith.cmpf oge, %slice3A_1889, %slice3A_1890 : vector<1x8x1024xf32>
    %select_n3A_1894 = arith.select %ge3A_1893, %slice3A_1889, %slice3A_1890 : vector<1x8x1024xi1>, vector<1x8x1024xf32>
    %add3A_1895 = arith.constant 128 : i32
    %add3A_1896 = vector.broadcast %add3A_1895 : i32 to vector<1x8x1024xi32>
    %add3A_1897 = arith.addi %slice3A_1892, %add3A_1896 : vector<1x8x1024xi32>
    %select_n3A_1898 = arith.select %ge3A_1893, %slice3A_1891, %add3A_1897 : vector<1x8x1024xi1>, vector<1x8x1024xi32>
    %reshape3A_1899 = vector.shape_cast %select_n3A_1894 : vector<1x8x1024xf32> to vector<8x1024xf32>
    %reshape3A_1900 = vector.shape_cast %select_n3A_1898 : vector<1x8x1024xi32> to vector<8x1024xi32>
    %mul3A_1901 = arith.constant 8 : i32
    %mul3A_1902 = vector.broadcast %mul3A_1901 : i32 to vector<8x1024xi32>
    %mul3A_1903 = arith.muli %reshape3A_1900, %mul3A_1902 : vector<8x1024xi32>
    %add3A_1904 = arith.constant 6144 : i32
    %add3A_1905 = vector.broadcast %add3A_1904 : i32 to vector<8x1024xi32>
    %add3A_1906 = arith.addi %mul3A_1903, %add3A_1905 : vector<8x1024xi32>
    %iota3A_1907 = tpu.iota {dimensions = array<i32: 0>} : vector<8x1024xi32>
    %add3A_1908 = arith.addi %add3A_1590, %iota3A_1907 : vector<8x1024xi32>
    %add3A_1909 = arith.addi %add3A_1697, %iota3A_1907 : vector<8x1024xi32>
    %ge3A_1910 = arith.cmpf oge, %reshape3A_1583, %reshape3A_1690 : vector<8x1024xf32>
    %select_n3A_1911 = arith.select %ge3A_1910, %reshape3A_1583, %reshape3A_1690 : vector<8x1024xi1>, vector<8x1024xf32>
    %select_n3A_1912 = arith.select %ge3A_1910, %add3A_1908, %add3A_1909 : vector<8x1024xi1>, vector<8x1024xi32>
    %add3A_1913 = arith.addi %add3A_1804, %iota3A_1907 : vector<8x1024xi32>
    %ge3A_1914 = arith.cmpf oge, %select_n3A_1911, %reshape3A_1797 : vector<8x1024xf32>
    %select_n3A_1915 = arith.select %ge3A_1914, %select_n3A_1911, %reshape3A_1797 : vector<8x1024xi1>, vector<8x1024xf32>
    %select_n3A_1916 = arith.select %ge3A_1914, %select_n3A_1912, %add3A_1913 : vector<8x1024xi1>, vector<8x1024xi32>
    %add3A_1917 = arith.addi %add3A_1906, %iota3A_1907 : vector<8x1024xi32>
    %ge3A_1918 = arith.cmpf oge, %select_n3A_1915, %reshape3A_1899 : vector<8x1024xf32>
    %select_n3A_1919 = arith.select %ge3A_1918, %select_n3A_1915, %reshape3A_1899 : vector<8x1024xi1>, vector<8x1024xf32>
    %select_n3A_1920 = arith.select %ge3A_1918, %select_n3A_1916, %add3A_1917 : vector<8x1024xi1>, vector<8x1024xi32>
    %slice3A_1921 = vector.extract_strided_slice %select_n3A_1919 {offsets = [0, 0], sizes = [4, 1024], strides = [1, 1]} : vector<8x1024xf32> to vector<4x1024xf32>
    %slice3A_1922 = vector.extract_strided_slice %select_n3A_1919 {offsets = [4, 0], sizes = [4, 1024], strides = [1, 1]} : vector<8x1024xf32> to vector<4x1024xf32>
    %slice3A_1923 = vector.extract_strided_slice %select_n3A_1920 {offsets = [0, 0], sizes = [4, 1024], strides = [1, 1]} : vector<8x1024xi32> to vector<4x1024xi32>
    %slice3A_1924 = vector.extract_strided_slice %select_n3A_1920 {offsets = [4, 0], sizes = [4, 1024], strides = [1, 1]} : vector<8x1024xi32> to vector<4x1024xi32>
    %gt3A_1925 = arith.cmpf ogt, %slice3A_1921, %slice3A_1922 : vector<4x1024xf32>
    %eq3A_1926 = arith.cmpf oeq, %slice3A_1921, %slice3A_1922 : vector<4x1024xf32>
    %lt3A_1927 = arith.cmpi slt, %slice3A_1923, %slice3A_1924 : vector<4x1024xi32>
    %and3A_1928 = arith.andi %eq3A_1926, %lt3A_1927 : vector<4x1024xi1>
    %or3A_1929 = arith.ori %gt3A_1925, %and3A_1928 : vector<4x1024xi1>
    %select_n3A_1930 = arith.select %or3A_1929, %slice3A_1921, %slice3A_1922 : vector<4x1024xi1>, vector<4x1024xf32>
    %select_n3A_1931 = arith.select %or3A_1929, %slice3A_1923, %slice3A_1924 : vector<4x1024xi1>, vector<4x1024xi32>
    %slice3A_1932 = vector.extract_strided_slice %select_n3A_1930 {offsets = [0, 0], sizes = [2, 1024], strides = [1, 1]} : vector<4x1024xf32> to vector<2x1024xf32>
    %slice3A_1933 = vector.extract_strided_slice %select_n3A_1930 {offsets = [2, 0], sizes = [2, 1024], strides = [1, 1]} : vector<4x1024xf32> to vector<2x1024xf32>
    %slice3A_1934 = vector.extract_strided_slice %select_n3A_1931 {offsets = [0, 0], sizes = [2, 1024], strides = [1, 1]} : vector<4x1024xi32> to vector<2x1024xi32>
    %slice3A_1935 = vector.extract_strided_slice %select_n3A_1931 {offsets = [2, 0], sizes = [2, 1024], strides = [1, 1]} : vector<4x1024xi32> to vector<2x1024xi32>
    %gt3A_1936 = arith.cmpf ogt, %slice3A_1932, %slice3A_1933 : vector<2x1024xf32>
    %eq3A_1937 = arith.cmpf oeq, %slice3A_1932, %slice3A_1933 : vector<2x1024xf32>
    %lt3A_1938 = arith.cmpi slt, %slice3A_1934, %slice3A_1935 : vector<2x1024xi32>
    %and3A_1939 = arith.andi %eq3A_1937, %lt3A_1938 : vector<2x1024xi1>
    %or3A_1940 = arith.ori %gt3A_1936, %and3A_1939 : vector<2x1024xi1>
    %select_n3A_1941 = arith.select %or3A_1940, %slice3A_1932, %slice3A_1933 : vector<2x1024xi1>, vector<2x1024xf32>
    %select_n3A_1942 = arith.select %or3A_1940, %slice3A_1934, %slice3A_1935 : vector<2x1024xi1>, vector<2x1024xi32>
    %slice3A_1943 = vector.extract_strided_slice %select_n3A_1941 {offsets = [0, 0], sizes = [1, 1024], strides = [1, 1]} : vector<2x1024xf32> to vector<1x1024xf32>
    %slice3A_1944 = vector.extract_strided_slice %select_n3A_1941 {offsets = [1, 0], sizes = [1, 1024], strides = [1, 1]} : vector<2x1024xf32> to vector<1x1024xf32>
    %slice3A_1945 = vector.extract_strided_slice %select_n3A_1942 {offsets = [0, 0], sizes = [1, 1024], strides = [1, 1]} : vector<2x1024xi32> to vector<1x1024xi32>
    %slice3A_1946 = vector.extract_strided_slice %select_n3A_1942 {offsets = [1, 0], sizes = [1, 1024], strides = [1, 1]} : vector<2x1024xi32> to vector<1x1024xi32>
    %gt3A_1947 = arith.cmpf ogt, %slice3A_1943, %slice3A_1944 : vector<1x1024xf32>
    %eq3A_1948 = arith.cmpf oeq, %slice3A_1943, %slice3A_1944 : vector<1x1024xf32>
    %lt3A_1949 = arith.cmpi slt, %slice3A_1945, %slice3A_1946 : vector<1x1024xi32>
    %and3A_1950 = arith.andi %eq3A_1948, %lt3A_1949 : vector<1x1024xi1>
    %or3A_1951 = arith.ori %gt3A_1947, %and3A_1950 : vector<1x1024xi1>
    %select_n3A_1952 = arith.select %or3A_1951, %slice3A_1945, %slice3A_1946 : vector<1x1024xi1>, vector<1x1024xi32>
    %swap3A_1953 = arith.constant 3 : index
    %swap3A_1954 = arith.constant 0 : index
    %swap3A_1955 = arith.constant 0 : index
    %swap3A_1956 = vector.load %arg3[%swap3A_1953, %swap3A_1954, %swap3A_1955] : memref<4x1x1024xi32, #tpu.memory_space<vmem>>, vector<1x1x1024xi32>
    %swap3A_1957 = vector.shape_cast %swap3A_1956 : vector<1x1x1024xi32> to vector<1x1024xi32>
    %swap3A_1958 = vector.shape_cast %select_n3A_1952 : vector<1x1024xi32> to vector<1x1x1024xi32>
    tpu.vector_store %arg3[%swap3A_1953, %swap3A_1954, %swap3A_1955], %swap3A_1958 {strides = array<i32>} : memref<4x1x1024xi32, #tpu.memory_space<vmem>>, vector<1x1x1024xi32>,
    return
  }
  func.func @transform_0(%arg0: i32) -> (i32, i32, i32) {
    %c0_i32 = arith.constant 0 : i32
    %c0_i32_0 = arith.constant 0 : i32
    %c0_i32_1 = arith.constant 0 : i32
    return %arg0, %c0_i32, %c0_i32_0 : i32, i32, i32
  }
  func.func @transform_1(%arg0: i32) -> (i32, i32) {
    %c0_i32 = arith.constant 0 : i32
    %c0_i32_0 = arith.constant 0 : i32
    %c0_i32_1 = arith.constant 0 : i32
    return %c0_i32, %c0_i32_0 : i32, i32
  }
  func.func @transform_2(%arg0: i32) -> (i32, i32, i32) {
    %c0_i32 = arith.constant 0 : i32
    %c0_i32_0 = arith.constant 0 : i32
    %c0_i32_1 = arith.constant 0 : i32
    return %arg0, %c0_i32, %c0_i32_0 : i32, i32, i32
  }
}

</mosaic_0001>

<sc_bundles>
// kernel: kernel.4.cloned.1.call-start
scs
__scs_entry_jumppad:
0x0: {  	(pc) =	sbr.rel $0x88, $3  }
0x1: {  	(tag) =	ssettag $0x0;
	lr =	simm.s32 $0x1  }
0x2: {  	[smem:$0x3F9F] =	sst lr;
	_ =	strace $0xD0000000  }
0x3: {  	_ = 	snop  }
0x4: {  	_ = 	snop  }
0x5: {  	_ = 	snop  }
0x6: {  	_ = 	snop  }
0x7: {  	_ = 	snop  }
__scs_overlays_trampoline_lowered:
0x8: {  	[smem:$0x3FAE] =	sst s0  }
0x9: {  	[smem:$0x3FAF] =	sst s1  }
0xa: {  	[smem:$0x3FB0] =	sst s2  }
0xb: {  	[smem:$0x3FB1] =	sst s3  }
0xc: {  	[smem:$0x3FB2] =	sst s4  }
0xd: {  	[smem:$0x3FB3] =	sst s5  }
0xe: {  	[smem:$0x3FB4] =	sst s6  }
0xf: {  	[smem:$0x3FB5] =	sst s7  }
0x10: {  	[smem:$0x3FB6] =	sst s8  }
0x11: {  	[smem:$0x3FB7] =	sst s9;
	s0 =	simm.s32 @!p0 $0x0  }
0x12: {  	s1 =	sld [smem:$0x3F9D];
	s0 =	simm.s32 @p0 $0x1  }
0x13: {  	[smem:$0x3FB8] =	sst s0;
	s0 =	simm.s32 @!p1 $0x0  }
0x14: {  	s2 =	sld [smem:$0x3F9C];
	s0 =	simm.s32 @p1 $0x1  }
0x15: {  	[smem:$0x3FB9] =	sst s0;
	s0 =	simm.s32 @!p2 $0x0  }
0x16: {  	s3 =	sld [smem:$0x3FDB];
	s0 =	simm.s32 @p2 $0x1  }
0x17: {  	s4 =	simm.s32 $0x1BF5;
	[smem:$0x3FBB] =	sst s0  }
0x18: {  	s0 =	sld [smem:$0x3F9E];
	_ =	swait.ge [sflag:s4], $0x0  }
0x19: {  	s7 =	sld [smem:$0x3F9F]  }
0x1a: {  	s8 =	sadd.s32 $0xFFFFE003, lr  }
0x1b: {  	s9 =	sadd.s32 $0xFFFFFEF7, lr;
	s5 =	simm.s32 $0xFFFFFFFF;
	p2 =	slt.u32 s8, $0xFFFFF086  }
0x1c: {  	p1 =	slt.u32 s9, $0xF7A;
	s5 =	simm.s32 @!p2 $0x0  }
0x1d: {  	s5 =	simm.s32 @p1 $0x1;
	p0 =	seq.s32 s7, s2  }
0x1e: {  	s7 =	smul.u32 @!p0 $0xF7A, s2;
	p2 =	seq.s32 @!p0 s5, $0x0  }
0x1f: {  	s9 =	smul.u32 $0xF7A, s1;
	s8 =	simm.s32 @!p0 $0x1BF5;
	p2 =	por !p2, p0  }
0x20: {  	[sflag:s8] =	ssyncset.s32 @!p0 $0xFFFFF086;
	s6 =	sadd.s32 @!p0 s3, s7;
	s7 =	simm.s32 @!p0 $0x108  }
0x21: {  	s3 =	sadd.s32 s3, s9;
	s6 =	sadd.s32 @!p0 $0x88, s6;
	s7 =	simm.s32 @p2 $0x1082  }
0x22: {  	[simem:s7], [sflag:s8] =	dma.local @!p0 [hbm:s6], $0xF7A  }
0x23: {  	s9 =	sor.u32 $0xD0000000, s2;
	s6 =	simm.s32 $0x108;
	_ =	swait.ge @!p0 [sflag:s8], $0x0  }
0x24: {  	s3 =	sadd.s32 $0x88, s3;
	s6 =	simm.s32 @!p1 $0x1082;
	[sflag:s4] =	ssyncset.s32 $0xFFFFF086  }
0x25: {  	[simem:s6], [sflag:s4] =	dma.local [hbm:s3], $0xF7A  }
0x26: {  	[smem:$0x3F9F] =	sst s1;
	(tag) =	ssettag s2;
	_ =	strace s9  }
0x27: {  	s1 =	sld [smem:$0x3FAF]  }
0x28: {  	s2 =	sld [smem:$0x3FB0]  }
0x29: {  	s4 =	sld [smem:$0x3FB2]  }
0x2a: {  	p0 =	seq.s32 s5, $0x0;
	s5 =	sld [smem:$0x3FB3]  }
0x2b: {  	s6 =	sld [smem:$0x3FB4]  }
0x2c: {  	s7 =	sld [smem:$0x3FB5]  }
0x2d: {  	s3 =	simm.s32 $0x108;
	s8 =	sld [smem:$0x3FB6]  }
0x2e: {  	s3 =	simm.s32 @!p0 $0x1082;
	s9 =	sld [smem:$0x3FB7]  }
0x2f: {  	lr =	sadd.s32 s0, s3;
	s0 =	sld [smem:$0x3FAE]  }
0x30: {  	s3 =	sld [smem:$0x3FB1]  }
0x31: {  	[smem:$0x3FBA] =	sst s10  }
0x32: {  	s10 =	sld [smem:$0x3FB8];
	_ =	sdelay $0x3  }
0x33: {  	p0 =	seq.s32 s10, $0x1;
	s10 =	sld [smem:$0x3FBA];
	_ =	sdelay $0x3  }
0x34: {  	[smem:$0x3FBA] =	sst s10  }
0x35: {  	s10 =	sld [smem:$0x3FB9];
	_ =	sdelay $0x3  }
0x36: {  	p1 =	seq.s32 s10, $0x1;
	s10 =	sld [smem:$0x3FBA];
	_ =	sdelay $0x3  }
0x37: {  	[smem:$0x3FBA] =	sst s10  }
0x38: {  	s10 =	sld [smem:$0x3FBB]  }
0x39: {  	_ = 	snop;
	(pc) =	sbr.ind lr, $3  }
0x3a: {  	_ = 	snop  }
0x3b: {  	_ = 	snop  }
0x3c: {  	p2 =	seq.s32 s10, $0x1;
	s10 =	sld [smem:$0x3FBA]  }
0x3d: {  	_ =	shalt  }
0x3e: {  	_ =	shalt  }
0x3f: {  	_ =	shalt  }
0x40: {  	_ =	shalt  }
0x41: {  	_ =	shalt  }
0x42: {  	_ =	shalt  }
0x43: {  	_ =	shalt  }
0x44: {  	_ =	shalt  }
0x45: {  	_ =	shalt  }
0x46: {  	_ =	shalt  }
0x47: {  	_ =	shalt  }
0x48: {  	_ =	shalt  }
0x49: {  	_ =	shalt  }
0x4a: {  	_ =	shalt  }
0x4b: {  	_ =	shalt  }
0x4c: {  	_ =	shalt  }
0x4d: {  	_ =	shalt  }
0x4e: {  	_ =	shalt  }
0x4f: {  	_ =	shalt  }
0x50: {  	_ =	shalt  }
0x51: {  	_ =	shalt  }
0x52: {  	_ =	shalt  }
0x53: {  	_ =	shalt  }
0x54: {  	_ =	shalt  }
0x55: {  	_ =	shalt  }
0x56: {  	_ =	shalt  }
0x57: {  	_ =	shalt  }
0x58: {  	_ =	shalt  }
0x59: {  	_ =	shalt  }
0x5a: {  	_ =	shalt  }
0x5b: {  	_ =	shalt  }
0x5c: {  	_ =	shalt  }
0x5d: {  	_ =	shalt  }
0x5e: {  	_ =	shalt  }
0x5f: {  	_ =	shalt  }
0x60: {  	_ =	shalt  }
0x61: {  	_ =	shalt  }
0x62: {  	_ =	shalt  }
0x63: {  	_ =	shalt  }
0x64: {  	_ =	shalt  }
0x65: {  	_ =	shalt  }
0x66: {  	_ =	shalt  }
0x67: {  	_ =	shalt  }
0x68: {  	_ =	shalt  }
0x69: {  	_ =	shalt  }
0x6a: {  	_ =	shalt  }
0x6b: {  	_ =	shalt  }
0x6c: {  	_ =	shalt  }
0x6d: {  	_ =	shalt  }
0x6e: {  	_ =	shalt  }
0x6f: {  	_ =	shalt  }
0x70: {  	_ =	shalt  }
0x71: {  	_ =	shalt  }
0x72: {  	_ =	shalt  }
0x73: {  	_ =	shalt  }
0x74: {  	_ =	shalt  }
0x75: {  	_ =	shalt  }
0x76: {  	_ =	shalt  }
0x77: {  	_ =	shalt  }
0x78: {  	_ =	shalt  }
0x79: {  	_ =	shalt  }
0x7a: {  	_ =	shalt  }
0x7b: {  	_ =	shalt  }
0x7c: {  	_ =	shalt  }
0x7d: {  	_ =	shalt  }
0x7e: {  	_ =	shalt  }
0x7f: {  	_ =	shalt  }
0x80: {  	_ =	shalt  }
0x81: {  	_ =	shalt  }
0x82: {  	_ =	shalt  }
0x83: {  	_ =	shalt  }
0x84: {  	_ =	shalt  }
0x85: {  	_ =	shalt  }
0x86: {  	_ =	shalt  }
0x87: {  	_ =	shalt  }
.Lfunc_end0:
.L_simem_size_0:
called_computation_lowered:
.L_overlay_start_0:
0x88: {  	s2 =	sld [smem:$0x3FD9]  }
0x89: {  	s3 =	sld [smem:$0x3FFE];
	_ =	sdelay $0x1  }
0x8a: {  	s1 =	srdreg.scid  }
0x8b: {  	s0 =	sand.u32 $0x1, s1  }
0x8c: {  	s17 =	sshll.u32 s0, $0xA;
	s2 =	sadd.s32 s3, s2  }
0x8d: {  	s2 =	sadd.s32 s2, s17  }
0x8e: {  	[smem:$0x3FC6] =	sst s2  }
0x8f: {  	_ = 	snop  }
0x90: {  	s2 =	sld [smem:$0x3FD0];
	(tm) =	ssettm $0x1  }
0x91: {  	s18 =	sld [smem:$0x3FFB];
	_ =	sdelay $0x3  }
0x92: {  	_ =	strace s18  }
0x93: {  	s3 =	sld [smem:$0x3FFC];
	_ =	sdelay $0x3  }
0x94: {  	_ =	strace s3  }
0x95: {  	s3 =	sld [smem:$0x3FFD];
	_ =	sdelay $0x3  }
0x96: {  	_ =	strace s3  }
0x97: {  	_ =	strace $0x8FFFFFFF  }
0x98: {  	s19 =	sld [smem:$0x3FDB];
	_ =	sdelay $0x1  }
0x99: {  	s4 =	simm.s32 $_scs_section_size  }
0x9a: {  	s5 =	simm.s32 $_size__tile_overlayer_lowered;
	s6 =	simm.s32 $_tile_overlayer_lowered  }
0x9b: {  	s22 =	simm.s32 $0x1BFF;
	s21 =	sshll.u32 s6, $0x1;
	s3 =	sadd.s32 s4, s19  }
0x9c: {  	s7 =	simm.s32 $0x0;
	s20 =	sshll.u32 s5, $0x1;
	s5 =	sadd.s32 s21, s3  }
0x9d: {  	[timem:s7], [sflag:s22] =	dma.local [hbm:s5], s20  }
0x9e: {  	_ =	swait.ge [sflag:s22], s20  }
0x9f: {  	s4 =	ssub.s32 $0x0, s20;
	[sflag:s22] =	ssyncset.done $0x0  }
0xa0: {  	[sflag:s22] =	ssyncadd.s32 s4;
	_ =	sdelay $0x1  }
0xa1: {  	s23 =	simm.s32 $0x1B8B  }
0xa2: {  	_ =	swait.ge [sflag:s23], $0x1  }
0xa3: {  	[sflag:s23] =	ssyncset.done $0x0  }
0xa4: {  	s25 =	simm.s32 $0x1B8E;
	s24 =	sld [smem:$0x3FFE];
	[sflag:s23] =	ssyncadd.s32 $0xFFFFFFFF  }
0xa5: {  	s26 =	simm.s32 $execute0_lowered;
	[smem:$0x3FD2] =	sst s25  }
0xa6: {  	s5 =	sshll.u32 s26, $0x1;
	_ =	strace $0x80000046;
	[dreg:$0x1] =	wrdreg $0xFFFFFFFF  }
0xa7: {  	s28 =	simm.s32 $_size_execute0_lowered;
	s3 =	sadd.s32 s3, s5;
	[dreg:$0x0] =	wrdreg $0x0  }
0xa8: {  	s5 =	sshll.u32 s28, $0x1;
	[dreg:$0x2] =	wrdreg s3  }
0xa9: {  	[dreg:$0x3] =	wrdreg s5  }
0xaa: {  	[dreg:$0x4] =	wrdreg $0xC0  }
0xab: {  	_ =	task [dreg:s7], $0x5FFFF  }
0xac: {  	[dreg:$0x1] =	wrdreg $0xFFFFFFFF  }
0xad: {  	[dreg:$0x0] =	wrdreg $0x60  }
0xae: {  	[dreg:$0x2] =	wrdreg s2  }
0xaf: {  	[dreg:$0x3] =	wrdreg s24  }
0xb0: {  	[dreg:$0x4] =	wrdreg $0x9  }
0xb1: {  	_ =	task.clear_ibuf [dreg:s7], $0x5FFFF;
	_ =	strace $0x90000046  }
0xb2: {  	s29 =	simm.s32 $0x9;
	_ =	strace $0x80000048  }
0xb3: {  	_ =	swait.ge [sflag:s29], $0x1  }
0xb4: {  	[sflag:s29] =	ssyncadd.s32 $0xFFFFFFFF  }
0xb5: {  	_ =	strace $0x90000048  }
0xb6: {  	_ =	sfence  }
0xb7: {  	s30 =	sld [smem:$0x0];
	_ =	sdelay $0x2  }
0xb8: {  	s31 =	sshll.u32 s1, $0xD;
	s1 =	sshrl.u32 s1, $0x2  }
0xb9: {  	s3 =	sand.u32 $0x4000, s31;
	s1 =	sadd.s32 s1, s30  }
0xba: {  	s0 =	sor.u32 s3, s0;
	s1 =	sshll.u32 s1, $0x11  }
0xbb: {  	s0 =	sor.u32 s1, s0  }
0xbc: {  	s0 =	sadd.s32 $0x8F2B, s0  }
0xbd: {  	[sflag:s0] =	ssyncadd.remote.s32 $0x1  }
0xbe: {  	_ =	sfence.sel $0xFFFF  }
0xbf: {  	[dreg:$0x0] =	wrdreg $0xFFFFFFFF;
	(pc) =	sbr.abs _section_cstart, $3  }
0xc0: {  	[dreg:$0x1] =	wrdreg $0xFFFFFFFF  }
0xc1: {  	_ =	task.clear_ibuf [dreg:s7], $0x2FFFF;
	_ =	strace $0x9FFFFFFF  }
0xc2: {  	(tm) =	ssettm $0x7FFFFFFF  }
0xc3: {  	_ =	shalt  }
tec
execute0_lowered:
.L_overlay_start_1:
0x0: {  	(tag) =	ssettag $0x1  }
0x1: {  	s1 =	srdreg.scid  }
0x2: {  	s0 =	stileid.u32;
	s6 =	sand.u32 $0x1, s1  }
0x3: {  	s2 =	rddreg [dreg:$0x0];
	s30 =	sshll.u32 s0, $0x9;
	s3 =	sshll.u32 s6, $0x8  }
0x4: {  	s8 =	rddreg [dreg:$0x1];
	s7 =	simm.s32 $0x1;
	s9 =	sor.u32 s3, s30  }
0x5: {  	s1 =	rddreg [dreg:$0x2];
	s3 =	simm.s32 $0x0;
	s4 =	sshrl.u32 s9, $0x3  }
0x6: {  	s10 =	ssub.s32 $0x2, s6;
	[smem:$0x7FF] =	sst s3;
	s4 =	sadd.s32 s4, s8  }
0x7: {  	_ =	strace $0x80000047;
	s5 =	sadd.s32 $0x800, s4;
	s4 =	simm.s32 $0x2  }
0x8: {  	[tilespmem:s3], [sflag:$0x2] =	stream.linear.gather [hbm4b:s5+s3], $0x100, $0x38;
	[tilespmem:$0x4100] =	vst v63  }
0x9: {  	s6 =	simm.s32 $0x100;
	s11 =	sshrl.u32 s10, $0x1;
	_ =	swait.ge [sflag:s4], $0x100  }
0xa: {  	s9 =	sshll.u32 s9, $0x3;
	s31 =	ssub.s32 s10, s11;
	[sflag:s4] =	ssyncset.done $0x0  }
0xb: {  	s8 =	sadd.s32 s9, s8;
	s9 =	smax.u32 s31, $0x1;
	[sflag:s4] =	ssyncadd.s32 $0xFFFFFF00  }
0xc: {  	[tilespmem:s6], [sflag:$0x1] =	stream.indirect.gather [hbm4b:s2+s6], $0x40, s3, s6, $0xb8;
	[tilespmem:$0x4100] =	vst v63  }
0xd: {  	p0 =	sne.s32 s9, $0x1;
	_ =	swait.ge [sflag:s7], $0x4000  }
.Ltmp0:
0xe: {  	[sflag:s7] =	ssyncset.done $0x0;
	(pc) =	sbr.rel @!p0 .LBB2_2-.Ltmp0, $4  }
0xf: {  	s8 =	sadd.s32 $0xC00, s8;
	[sflag:s7] =	ssyncadd.s32 $0xFFFFC000  }
0x10: {  	[hbm4b:s8+s3] =	stream.linear.scatter [tilespmem:s6], [sflag:$0x2], $0x4000, $0x38;
	[tilespmem:$0x4100] =	vst v63  }
0x11: {  	_ =	swait.ge [sflag:s4], $0x4000  }
0x12: {  	s9 =	sadd.s32 $0xFFFFFFFF, s9;
	[sflag:s4] =	ssyncset.done $0x0  }
.LBB2_1:
0x13: {  	p0 =	sne.s32 s9, $0x1;
	s9 =	sadd.s32 $0xFFFFFFFF, s9;
	[sflag:s4] =	ssyncadd.s32 $0xFFFFC000  }
0x14: {  	[tilespmem:s3], [sflag:$0x2] =	stream.linear.gather [hbm4b:s5+s3], $0x100, $0x38;
	[tilespmem:$0x4100] =	vst v63  }
0x15: {  	_ =	swait.ge [sflag:s4], $0x100  }
0x16: {  	[sflag:s4] =	ssyncset.done $0x0  }
0x17: {  	[sflag:s4] =	ssyncadd.s32 $0xFFFFFF00  }
0x18: {  	[tilespmem:s6], [sflag:$0x1] =	stream.indirect.gather [hbm4b:s2+s6], $0x40, s3, s6, $0xb8;
	[tilespmem:$0x4100] =	vst v63  }
0x19: {  	_ =	swait.ge [sflag:s7], $0x4000  }
.Ltmp1:
0x1a: {  	[sflag:s7] =	ssyncset.done $0x0;
	(pc) =	sbr.rel @p0 .LBB2_1-.Ltmp1, $4  }
0x1b: {  	[sflag:s7] =	ssyncadd.s32 $0xFFFFC000  }
0x1c: {  	[hbm4b:s8+s3] =	stream.linear.scatter [tilespmem:s6], [sflag:$0x2], $0x4000, $0x38;
	[tilespmem:$0x4100] =	vst v63  }
0x1d: {  	_ =	swait.ge [sflag:s4], $0x4000  }
0x1e: {  	[sflag:s4] =	ssyncset.done $0x0  }
.LBB2_2:
0x1f: {  	[sflag:s4] =	ssyncadd.s32 $0xFFFFC000  }
0x20: {  	_ =	sfence.sel $0x180000  }
0x21: {  	[bflag:$0x0] =	sbarrier.arrive $0xFFFF  }
0x22: {  	p0 =	sne.s32 s0, $0x0;
	_ =	strace $0x90000047  }
0x23: {  	s0 =	sadd.s32 @!p0 $0x100000, s1;
	[bflag:$0x2] =	sbarrier.arrive $0xFFFF  }
0x24: {  	[sflag:s0] =	ssyncadd.tile.s32 @!p0 $0x1;
	_ =	shalt  }
.Lfunc_end2:
_tile_overlayer_lowered:
.L_overlay_start_2:
0x25: {  	(tag) =	ssettag $0x2  }
0x26: {  	s0 =	rddreg [dreg:$0x0];
	s2 =	stileid.u32  }
0x27: {  	s1 =	rddreg [dreg:$0x1];
	p0 =	sne.s32 s2, $0x0  }
0x28: {  	s3 =	rddreg [dreg:$0x2];
	[bflag:$0x3] =	sbarrier.arrive $0xFFFF;
	s2 =	simm.s32 @!p0 $0x1C02  }
0x29: {  	[timem:s3], [sflag:s2] =	dma.local @!p0 [hbm:s0], s1  }
0x2a: {  	s0 =	simm.s32 @!p0 $0x2  }
0x2b: {  	_ =	swait.ge @!p0 [sflag:s0], s1  }
0x2c: {  	s1 =	ssub.s32 @!p0 $0x0, s1;
	[sflag:s0] =	ssyncset.done @!p0 $0x0  }
0x2d: {  	[sflag:s0] =	ssyncadd.s32 @!p0 s1  }
0x2e: {  	[bflag:$0x3] =	sbarrier.arrive $0xFFFF  }
0x2f: {  	_ =	shalt  }

</sc_bundles>
